<compile_context>
chip_gen: v7x
topology: tpu7x:2x2x1
jax: 0.10.2.dev20260603
libtpu: 0.0.44.dev20260713+nightly
codegen_flags: <defaults>
</compile_context>

<pallas_src>
import functools

import jax
import jax.numpy as jnp
from jax import lax
from jax.experimental import pallas as pl
from jax.experimental.pallas import tpu as pltpu
from jax.experimental.pallas import tpu_sc as plsc

N = 10000
D = 128
E = 320000
NC = 2
NS = 16
NW = NC * NS
EP = E // NW
B = 80
NCH = EP // B
RPT = N // NS
HR = 640
R = 2000

_sc_mesh = plsc.VectorSubcoreMesh(core_axis_name="c", subcore_axis_name="s")
_sc_params = pltpu.CompilerParams(needs_layout_passes=False,
                                  use_tc_tiling_on_sc=False)



def _deg_body(src_hbm, dst_hbm, dego_hbm, degi_hbm,
              sv, dv, hout, hin, iota2, stage, acco, acci):
  c = lax.axis_index("c")
  s = lax.axis_index("s")
  zeros = jnp.zeros((16,), jnp.float32)
  ones = jnp.ones((16,), jnp.float32)
  lane = lax.iota(jnp.int32, 16)

  def zrow(i, carry):
    hout[i, :] = zeros
    hin[i, :] = zeros
    return carry
  lax.fori_loop(0, HR, zrow, 0)

  for k in range(5):
    for m in range(8):
      iota2[k, pl.ds(m * 16, 16)] = lane + (k * 128 + m * 16)

  @pl.when(s == 0)
  def _():
    pltpu.sync_copy(hout, acco)
    pltpu.sync_copy(hin, acci)
  plsc.subcore_barrier()

  pltpu.sync_copy(src_hbm.at[c, s], sv)
  pltpu.sync_copy(dst_hbm.at[c, s], dv)

  def hbody(r, carry):
    for k in range(B // 16):
      si = sv[r, pl.ds(k * 16, 16)]
      plsc.addupdate_scatter(
          hout, [lax.shift_right_logical(si, 4), lax.bitwise_and(si, 15)],
          ones)
      di = dv[r, pl.ds(k * 16, 16)]
      plsc.addupdate_scatter(
          hin, [lax.shift_right_logical(di, 4), lax.bitwise_and(di, 15)],
          ones)
    return carry
  lax.fori_loop(0, NCH, hbody, 0)

  for k in range(5):
    pltpu.sync_copy(hout.at[pl.ds(k * 128, 128)], acco.at[iota2.at[k]],
                    add=True)
    pltpu.sync_copy(hin.at[pl.ds(k * 128, 128)], acci.at[iota2.at[k]],
                    add=True)
  plsc.subcore_barrier()

  pltpu.sync_copy(acco.at[pl.ds(s * 40, 40)], stage)
  pltpu.sync_copy(stage, dego_hbm.at[c, pl.ds(s * 40, 40)])
  pltpu.sync_copy(acci.at[pl.ds(s * 40, 40)], stage)
  pltpu.sync_copy(stage, degi_hbm.at[c, pl.ds(s * 40, 40)])


_deg_call = functools.partial(
    pl.kernel,
    out_type=(jax.ShapeDtypeStruct((NC, HR, 16), jnp.float32),
              jax.ShapeDtypeStruct((NC, HR, 16), jnp.float32)),
    mesh=_sc_mesh,
    scratch_types=[
        pltpu.VMEM((NCH, B), jnp.int32),
        pltpu.VMEM((NCH, B), jnp.int32),
        pltpu.VMEM((HR, 16), jnp.float32),
        pltpu.VMEM((HR, 16), jnp.float32),
        pltpu.VMEM((5, 128), jnp.int32),
        pltpu.VMEM((40, 16), jnp.float32),
        pltpu.VMEM_SHARED((HR, 16), jnp.float32),
        pltpu.VMEM_SHARED((HR, 16), jnp.float32),
    ],
    compiler_params=_sc_params)(_deg_body)



def _mp_body(feat_hbm, src_hbm, dst_hbm, out_hbm,
             sv2, dv2, gbuf, acc, gsem):
  c = lax.axis_index("c")
  s = lax.axis_index("s")
  zeros = jnp.zeros((16,), jnp.float32)

  pltpu.sync_copy(src_hbm.at[c, s], sv2)
  pltpu.sync_copy(dst_hbm.at[c, s], dv2)

  def zrow(i, carry):
    for v in range(8):
      gbuf[0, i, pl.ds(v * 16, 16)] = zeros
    return carry
  lax.fori_loop(0, B, zrow, 0)

  def zcp(k, carry):
    pltpu.sync_copy(gbuf.at[0], acc.at[pl.ds(s * RPT + k * B, B)])
    return carry
  lax.fori_loop(0, RPT // B, zcp, 0)
  pltpu.sync_copy(gbuf.at[0, pl.ds(0, RPT - (RPT // B) * B)],
                  acc.at[pl.ds(s * RPT + (RPT // B) * B, RPT - (RPT // B) * B)])
  plsc.subcore_barrier()

  pltpu.async_copy(feat_hbm.at[sv2.at[0]], gbuf.at[0], gsem)
  pltpu.async_copy(feat_hbm.at[sv2.at[1]], gbuf.at[1], gsem)
  pltpu.async_copy(feat_hbm.at[sv2.at[2]], gbuf.at[2], gsem)

  def ebody(j, carry):
    slot = lax.rem(j, 3)
    pltpu.make_async_copy(feat_hbm.at[sv2.at[j]], gbuf.at[slot], gsem).wait()
    pltpu.sync_copy(gbuf.at[slot], acc.at[dv2.at[j]], add=True)

    @pl.when(j + 3 < NCH)
    def _():
      pltpu.async_copy(feat_hbm.at[sv2.at[j + 3]], gbuf.at[slot], gsem)
    return carry
  lax.fori_loop(0, NCH, ebody, 0)
  plsc.subcore_barrier()

  def ocp(k, carry):
    off = s * RPT + k * B
    pltpu.sync_copy(acc.at[pl.ds(off, B)], gbuf.at[0])
    pltpu.sync_copy(gbuf.at[0], out_hbm.at[c, pl.ds(off, B)])
    return carry
  lax.fori_loop(0, RPT // B, ocp, 0)
  tail = RPT - (RPT // B) * B
  toff = s * RPT + (RPT // B) * B
  pltpu.sync_copy(acc.at[pl.ds(toff, tail)], gbuf.at[0, pl.ds(0, tail)])
  pltpu.sync_copy(gbuf.at[0, pl.ds(0, tail)], out_hbm.at[c, pl.ds(toff, tail)])


_mp_call = functools.partial(
    pl.kernel,
    out_type=jax.ShapeDtypeStruct((NC, N, D), jnp.float32),
    mesh=_sc_mesh,
    scratch_types=[
        pltpu.VMEM((NCH, B), jnp.int32),
        pltpu.VMEM((NCH, B), jnp.int32),
        pltpu.VMEM((3, B, D), jnp.float32),
        pltpu.VMEM_SHARED((N, D), jnp.float32),
        pltpu.SemaphoreType.DMA,
    ],
    compiler_params=_sc_params)(_mp_body)



RH = R // 16


def _norm_from_parts(deg_ref):
  i = pl.program_id(0)
  d = (deg_ref[0, pl.ds(i * RH, RH), :] + deg_ref[1, pl.ds(i * RH, RH), :])
  return lax.rsqrt(jnp.maximum(d, 1.0))


def _rowscale(m, nsc):
  return (m.reshape(RH, 16, D) * nsc[:, :, None]).reshape(R, D)


def _embed_body(x_ref, dego_ref, we_ref, be_ref, w1_ref, o_ref):
  ns = _norm_from_parts(dego_ref)
  h = jnp.dot(x_ref[...], we_ref[...],
              preferred_element_type=jnp.float32) + be_ref[...]
  o_ref[...] = jnp.dot(_rowscale(h, ns), w1_ref[...],
                       preferred_element_type=jnp.float32)


_embed_call = pl.pallas_call(
    _embed_body,
    grid=(N // R,),
    in_specs=[
        pl.BlockSpec((R, D), lambda i: (i, 0)),
        pl.BlockSpec((NC, HR, 16), lambda i: (0, 0, 0)),
        pl.BlockSpec((D, D), lambda i: (0, 0)),
        pl.BlockSpec((1, D), lambda i: (0, 0)),
        pl.BlockSpec((D, D), lambda i: (0, 0)),
    ],
    out_specs=pl.BlockSpec((R, D), lambda i: (i, 0)),
    out_shape=jax.ShapeDtypeStruct((N, D), jnp.float32),
)


def _mid_body(p_ref, degi_ref, b1_ref, dego_ref, w2_ref, o_ref):
  nd = _norm_from_parts(degi_ref)
  ns = _norm_from_parts(dego_ref)
  t = jnp.maximum(_rowscale(p_ref[0] + p_ref[1], nd) + b1_ref[...], 0.0)
  o_ref[...] = jnp.dot(_rowscale(t, ns), w2_ref[...],
                       preferred_element_type=jnp.float32)


_mid_call = pl.pallas_call(
    _mid_body,
    grid=(N // R,),
    in_specs=[
        pl.BlockSpec((NC, R, D), lambda i: (0, i, 0)),
        pl.BlockSpec((NC, HR, 16), lambda i: (0, 0, 0)),
        pl.BlockSpec((1, D), lambda i: (0, 0)),
        pl.BlockSpec((NC, HR, 16), lambda i: (0, 0, 0)),
        pl.BlockSpec((D, D), lambda i: (0, 0)),
    ],
    out_specs=pl.BlockSpec((R, D), lambda i: (i, 0)),
    out_shape=jax.ShapeDtypeStruct((N, D), jnp.float32),
)


def _final_body(q_ref, degi_ref, b2_ref, o_ref):
  nd = _norm_from_parts(degi_ref)
  o_ref[...] = jnp.maximum(
      _rowscale(q_ref[0] + q_ref[1], nd) + b2_ref[...], 0.0)


_final_call = pl.pallas_call(
    _final_body,
    grid=(N // R,),
    in_specs=[
        pl.BlockSpec((NC, R, D), lambda i: (0, i, 0)),
        pl.BlockSpec((NC, HR, 16), lambda i: (0, 0, 0)),
        pl.BlockSpec((1, D), lambda i: (0, 0)),
    ],
    out_specs=pl.BlockSpec((R, D), lambda i: (i, 0)),
    out_shape=jax.ShapeDtypeStruct((N, D), jnp.float32),
)



def kernel(x, edge_index, W_embed, b_embed, W1, b1, W2, b2):
  src2 = edge_index[0].reshape(NC, NS, NCH, B)
  dst2 = edge_index[1].reshape(NC, NS, NCH, B)

  dego_p, degi_p = _deg_call(src2, dst2)

  f1 = _embed_call(x, dego_p, W_embed, b_embed.reshape(1, D), W1)
  p = _mp_call(f1, src2, dst2)
  f2 = _mid_call(p, degi_p, b1.reshape(1, D), dego_p, W2)
  q = _mp_call(f2, src2, dst2)
  out = _final_call(q, degi_p, b2.reshape(1, D))
  return out

# --- scband reference (transcript-rebuilt; emitter-appended) ---
"""Pipeline reference for scband-gcn-68942815035830 (READ-ONLY COPY).

The authoritative reference and input builder live on the scoring server;
editing this copy changes nothing except your own understanding.
"""

import jax, jax.numpy as jnp
import numpy as np

N = 10000
E = 320000
IN_FEATS = 128
HID_FEATS = 128


def setup_inputs(seed: int = 0) -> dict:
    key = jax.random.key(seed)
    ks = jax.random.split(key, 8)
    x = jax.random.normal(ks[0], (N, IN_FEATS), dtype=jnp.float32)
    edge_index = jax.random.randint(ks[1], (2, E), 0, N, dtype=jnp.int32)
    W_embed = jax.random.normal(ks[2], (IN_FEATS, HID_FEATS), dtype=jnp.float32) * (1.0 / np.sqrt(IN_FEATS))
    b_embed = jnp.zeros((HID_FEATS,), dtype=jnp.float32)
    W1 = jax.random.normal(ks[3], (HID_FEATS, HID_FEATS), dtype=jnp.float32) * (1.0 / np.sqrt(HID_FEATS))
    b1 = jnp.zeros((HID_FEATS,), dtype=jnp.float32)
    W2 = jax.random.normal(ks[4], (HID_FEATS, HID_FEATS), dtype=jnp.float32) * (1.0 / np.sqrt(HID_FEATS))
    b2 = jnp.zeros((HID_FEATS,), dtype=jnp.float32)
    return {"x": x, "edge_index": edge_index, "W_embed": W_embed, "b_embed": b_embed,
            "W1": W1, "b1": b1, "W2": W2, "b2": b2}


def _gcn_conv(feat, src, dst, W, b, n):
    # DGL GraphConv with norm='both' (symmetric normalization):
    # h' = D_dst^{-1/2} * A^T * (D_src^{-1/2} * h) W + b
    ones = jnp.ones((src.shape[0],), dtype=feat.dtype)
    deg_out = jax.ops.segment_sum(ones, src, num_segments=n)
    norm_src = jnp.power(jnp.clip(deg_out, 1.0, None), -0.5)
    feat = feat * norm_src[:, None]
    feat = feat @ W
    msgs = jnp.take(feat, src, axis=0)
    rst = jax.ops.segment_sum(msgs, dst, num_segments=n)
    deg_in = jax.ops.segment_sum(ones, dst, num_segments=n)
    norm_dst = jnp.power(jnp.clip(deg_in, 1.0, None), -0.5)
    return rst * norm_dst[:, None] + b


def reference(x, edge_index, W_embed, b_embed, W1, b1, W2, b2):
    src = edge_index[0]
    dst = edge_index[1]
    n = x.shape[0]
    h = x @ W_embed + b_embed
    h = jax.nn.relu(_gcn_conv(h, src, dst, W1, b1, n))
    h = jax.nn.relu(_gcn_conv(h, src, dst, W2, b2, n))
    return h

if __name__ == "__main__":
    import jax
    _d = setup_inputs()
    print(jax.jit(kernel)(*tuple(_d.values())))

</pallas_src>

<mosaic_0001>
#map = affine_map<(d0, d1) -> (0, 0)>
#map1 = affine_map<(d0, d1) -> (0, 0, 0, 0)>
#map2 = affine_map<(d0, d1) -> (0, 0, 0)>
module attributes {stable_mosaic.version = 14 : i64} {
  func.func @_mp_body(%arg0: i32, %arg1: i32, %arg2: memref<10000x128xf32, #tpu.memory_space<hbm>>, %arg3: memref<2x16x125x80xi32, #tpu.memory_space<hbm>>, %arg4: memref<2x16x125x80xi32, #tpu.memory_space<hbm>>, %arg5: memref<2x10000x128xf32, #tpu.memory_space<hbm>>, %arg6: memref<125x80xi32, #tpu.memory_space<vmem>>, %arg7: memref<125x80xi32, #tpu.memory_space<vmem>>, %arg8: memref<3x80x128xf32, #tpu.memory_space<vmem>>, %arg9: memref<10000x128xf32, #tpu.memory_space<vmem_shared>>, %arg10: memref<!tpu.dma_semaphore, #tpu.memory_space<semaphore_mem>>) attributes {dimension_semantics = [#tpu.dimension_semantics<core_parallel>, #tpu.dimension_semantics<subcore_parallel>], iteration_bounds = array<i64: 2, 16>, scalar_prefetch = 0 : i64, scratch_operands = 5 : i64, tpu.core_type = #tpu.core_type<sc_vector_subcore>, window_params = [{transform_indices = #map}, {transform_indices = #map1}, {transform_indices = #map1}, {transform_indices = #map2}]} {
    %broadcast_in_dim3A = arith.constant 0.000000e+00 : f32
    %broadcast_in_dim3A_0 = vector.broadcast %broadcast_in_dim3A : f32 to vector<16xf32>
    "tpu.region"() ({
      %run_scoped3A_68 = tpu.sem_alloc : memref<!tpu.dma_semaphore, #tpu.memory_space<semaphore_mem>>
      %dma_start3A_69 = arith.constant 0 : i32
      %dma_start3A_70 = arith.constant 0 : i32
      %dma_start3A_71 = tpu.memref_slice %arg3[%arg0, %arg1, %dma_start3A_69, %dma_start3A_70] : memref<2x16x125x80xi32, #tpu.memory_space<hbm>> -> memref<1x1x125x80xi32, #tpu.memory_space<hbm>>
      %dma_start3A_72 = tpu.memref_squeeze %dma_start3A_71 : memref<1x1x125x80xi32, #tpu.memory_space<hbm>> -> memref<125x80xi32, #tpu.memory_space<hbm>>
      %dma_start3A_73 = arith.constant 0 : i32
      %dma_start3A_74 = arith.constant 0 : i32
      %dma_start3A_75 = tpu.memref_slice %arg3[%arg0, %arg1, %dma_start3A_73, %dma_start3A_74] : memref<2x16x125x80xi32, #tpu.memory_space<hbm>> -> memref<1x1x125x80xi32, #tpu.memory_space<hbm>>
      %dma_start3A_76 = tpu.memref_squeeze %dma_start3A_75 : memref<1x1x125x80xi32, #tpu.memory_space<hbm>> -> memref<125x80xi32, #tpu.memory_space<hbm>>
      tpu.enqueue_dma source(%dma_start3A_76 : memref<125x80xi32, #tpu.memory_space<hbm>>) target(%arg6 : memref<125x80xi32, #tpu.memory_space<vmem>>) target_semaphore(%run_scoped3A_68 : memref<!tpu.dma_semaphore, #tpu.memory_space<semaphore_mem>>)
      %dma_wait3A = arith.constant 0 : i32
      %dma_wait3A_77 = arith.constant 0 : i32
      %dma_wait3A_78 = tpu.memref_slice %arg3[%arg0, %arg1, %dma_wait3A, %dma_wait3A_77] : memref<2x16x125x80xi32, #tpu.memory_space<hbm>> -> memref<1x1x125x80xi32, #tpu.memory_space<hbm>>
      %dma_wait3A_79 = tpu.memref_squeeze %dma_wait3A_78 : memref<1x1x125x80xi32, #tpu.memory_space<hbm>> -> memref<125x80xi32, #tpu.memory_space<hbm>>
      %dma_wait3A_80 = arith.constant 0 : i32
      %dma_wait3A_81 = arith.constant 0 : i32
      %dma_wait3A_82 = tpu.memref_slice %arg3[%arg0, %arg1, %dma_wait3A_80, %dma_wait3A_81] : memref<2x16x125x80xi32, #tpu.memory_space<hbm>> -> memref<1x1x125x80xi32, #tpu.memory_space<hbm>>
      %dma_wait3A_83 = tpu.memref_squeeze %dma_wait3A_82 : memref<1x1x125x80xi32, #tpu.memory_space<hbm>> -> memref<125x80xi32, #tpu.memory_space<hbm>>
      tpu.wait_dma2 semaphore(%run_scoped3A_68 : memref<!tpu.dma_semaphore, #tpu.memory_space<semaphore_mem>>) src(%dma_wait3A_83 : memref<125x80xi32, #tpu.memory_space<hbm>>) dst(%arg6 : memref<125x80xi32, #tpu.memory_space<vmem>>)
      tpu.yield
    }) : () -> ()
    "tpu.region"() ({
      %run_scoped3A_68 = tpu.sem_alloc : memref<!tpu.dma_semaphore, #tpu.memory_space<semaphore_mem>>
      %dma_start3A_69 = arith.constant 0 : i32
      %dma_start3A_70 = arith.constant 0 : i32
      %dma_start3A_71 = tpu.memref_slice %arg4[%arg0, %arg1, %dma_start3A_69, %dma_start3A_70] : memref<2x16x125x80xi32, #tpu.memory_space<hbm>> -> memref<1x1x125x80xi32, #tpu.memory_space<hbm>>
      %dma_start3A_72 = tpu.memref_squeeze %dma_start3A_71 : memref<1x1x125x80xi32, #tpu.memory_space<hbm>> -> memref<125x80xi32, #tpu.memory_space<hbm>>
      %dma_start3A_73 = arith.constant 0 : i32
      %dma_start3A_74 = arith.constant 0 : i32
      %dma_start3A_75 = tpu.memref_slice %arg4[%arg0, %arg1, %dma_start3A_73, %dma_start3A_74] : memref<2x16x125x80xi32, #tpu.memory_space<hbm>> -> memref<1x1x125x80xi32, #tpu.memory_space<hbm>>
      %dma_start3A_76 = tpu.memref_squeeze %dma_start3A_75 : memref<1x1x125x80xi32, #tpu.memory_space<hbm>> -> memref<125x80xi32, #tpu.memory_space<hbm>>
      tpu.enqueue_dma source(%dma_start3A_76 : memref<125x80xi32, #tpu.memory_space<hbm>>) target(%arg7 : memref<125x80xi32, #tpu.memory_space<vmem>>) target_semaphore(%run_scoped3A_68 : memref<!tpu.dma_semaphore, #tpu.memory_space<semaphore_mem>>)
      %dma_wait3A = arith.constant 0 : i32
      %dma_wait3A_77 = arith.constant 0 : i32
      %dma_wait3A_78 = tpu.memref_slice %arg4[%arg0, %arg1, %dma_wait3A, %dma_wait3A_77] : memref<2x16x125x80xi32, #tpu.memory_space<hbm>> -> memref<1x1x125x80xi32, #tpu.memory_space<hbm>>
      %dma_wait3A_79 = tpu.memref_squeeze %dma_wait3A_78 : memref<1x1x125x80xi32, #tpu.memory_space<hbm>> -> memref<125x80xi32, #tpu.memory_space<hbm>>
      %dma_wait3A_80 = arith.constant 0 : i32
      %dma_wait3A_81 = arith.constant 0 : i32
      %dma_wait3A_82 = tpu.memref_slice %arg4[%arg0, %arg1, %dma_wait3A_80, %dma_wait3A_81] : memref<2x16x125x80xi32, #tpu.memory_space<hbm>> -> memref<1x1x125x80xi32, #tpu.memory_space<hbm>>
      %dma_wait3A_83 = tpu.memref_squeeze %dma_wait3A_82 : memref<1x1x125x80xi32, #tpu.memory_space<hbm>> -> memref<125x80xi32, #tpu.memory_space<hbm>>
      tpu.wait_dma2 semaphore(%run_scoped3A_68 : memref<!tpu.dma_semaphore, #tpu.memory_space<semaphore_mem>>) src(%dma_wait3A_83 : memref<125x80xi32, #tpu.memory_space<hbm>>) dst(%arg7 : memref<125x80xi32, #tpu.memory_space<vmem>>)
      tpu.yield
    }) : () -> ()
    %scan3A = arith.constant 0 : i32
    %scan3A_1 = arith.constant 0 : i32
    %scan3A_2 = arith.constant 80 : i32
    %scan3A_3 = arith.addi %scan3A_1, %scan3A_2 : i32
    %scan3A_4 = arith.constant 1 : i32
    scf.for %scan3A_68 = %scan3A_1 to %scan3A_3 step %scan3A_4  : i32 {
      %swap3A = arith.constant 0 : i32
      %swap3A_69 = arith.index_cast %swap3A : i32 to index
      %swap3A_70 = arith.index_cast %scan3A_68 : i32 to index
      %swap3A_71 = arith.constant 0 : index
      %swap3A_72 = tpu.vector_load %arg8[%swap3A_69, %swap3A_70, %swap3A_71] {strides = array<i32>} : memref<3x80x128xf32, #tpu.memory_space<vmem>>, vector<16xf32>,
      tpu.vector_store %arg8[%swap3A_69, %swap3A_70, %swap3A_71], %broadcast_in_dim3A_0 {strides = array<i32>} : memref<3x80x128xf32, #tpu.memory_space<vmem>>, vector<16xf32>,
      %swap3A_73 = arith.constant 0 : i32
      %swap3A_74 = arith.index_cast %swap3A_73 : i32 to index
      %swap3A_75 = arith.index_cast %scan3A_68 : i32 to index
      %swap3A_76 = arith.constant 16 : index
      %swap3A_77 = tpu.vector_load %arg8[%swap3A_74, %swap3A_75, %swap3A_76] {strides = array<i32>} : memref<3x80x128xf32, #tpu.memory_space<vmem>>, vector<16xf32>,
      tpu.vector_store %arg8[%swap3A_74, %swap3A_75, %swap3A_76], %broadcast_in_dim3A_0 {strides = array<i32>} : memref<3x80x128xf32, #tpu.memory_space<vmem>>, vector<16xf32>,
      %swap3A_78 = arith.constant 0 : i32
      %swap3A_79 = arith.index_cast %swap3A_78 : i32 to index
      %swap3A_80 = arith.index_cast %scan3A_68 : i32 to index
      %swap3A_81 = arith.constant 32 : index
      %swap3A_82 = tpu.vector_load %arg8[%swap3A_79, %swap3A_80, %swap3A_81] {strides = array<i32>} : memref<3x80x128xf32, #tpu.memory_space<vmem>>, vector<16xf32>,
      tpu.vector_store %arg8[%swap3A_79, %swap3A_80, %swap3A_81], %broadcast_in_dim3A_0 {strides = array<i32>} : memref<3x80x128xf32, #tpu.memory_space<vmem>>, vector<16xf32>,
      %swap3A_83 = arith.constant 0 : i32
      %swap3A_84 = arith.index_cast %swap3A_83 : i32 to index
      %swap3A_85 = arith.index_cast %scan3A_68 : i32 to index
      %swap3A_86 = arith.constant 48 : index
      %swap3A_87 = tpu.vector_load %arg8[%swap3A_84, %swap3A_85, %swap3A_86] {strides = array<i32>} : memref<3x80x128xf32, #tpu.memory_space<vmem>>, vector<16xf32>,
      tpu.vector_store %arg8[%swap3A_84, %swap3A_85, %swap3A_86], %broadcast_in_dim3A_0 {strides = array<i32>} : memref<3x80x128xf32, #tpu.memory_space<vmem>>, vector<16xf32>,
      %swap3A_88 = arith.constant 0 : i32
      %swap3A_89 = arith.index_cast %swap3A_88 : i32 to index
      %swap3A_90 = arith.index_cast %scan3A_68 : i32 to index
      %swap3A_91 = arith.constant 64 : index
      %swap3A_92 = tpu.vector_load %arg8[%swap3A_89, %swap3A_90, %swap3A_91] {strides = array<i32>} : memref<3x80x128xf32, #tpu.memory_space<vmem>>, vector<16xf32>,
      tpu.vector_store %arg8[%swap3A_89, %swap3A_90, %swap3A_91], %broadcast_in_dim3A_0 {strides = array<i32>} : memref<3x80x128xf32, #tpu.memory_space<vmem>>, vector<16xf32>,
      %swap3A_93 = arith.constant 0 : i32
      %swap3A_94 = arith.index_cast %swap3A_93 : i32 to index
      %swap3A_95 = arith.index_cast %scan3A_68 : i32 to index
      %swap3A_96 = arith.constant 80 : index
      %swap3A_97 = tpu.vector_load %arg8[%swap3A_94, %swap3A_95, %swap3A_96] {strides = array<i32>} : memref<3x80x128xf32, #tpu.memory_space<vmem>>, vector<16xf32>,
      tpu.vector_store %arg8[%swap3A_94, %swap3A_95, %swap3A_96], %broadcast_in_dim3A_0 {strides = array<i32>} : memref<3x80x128xf32, #tpu.memory_space<vmem>>, vector<16xf32>,
      %swap3A_98 = arith.constant 0 : i32
      %swap3A_99 = arith.index_cast %swap3A_98 : i32 to index
      %swap3A_100 = arith.index_cast %scan3A_68 : i32 to index
      %swap3A_101 = arith.constant 96 : index
      %swap3A_102 = tpu.vector_load %arg8[%swap3A_99, %swap3A_100, %swap3A_101] {strides = array<i32>} : memref<3x80x128xf32, #tpu.memory_space<vmem>>, vector<16xf32>,
      tpu.vector_store %arg8[%swap3A_99, %swap3A_100, %swap3A_101], %broadcast_in_dim3A_0 {strides = array<i32>} : memref<3x80x128xf32, #tpu.memory_space<vmem>>, vector<16xf32>,
      %swap3A_103 = arith.constant 0 : i32
      %swap3A_104 = arith.index_cast %swap3A_103 : i32 to index
      %swap3A_105 = arith.index_cast %scan3A_68 : i32 to index
      %swap3A_106 = arith.constant 112 : index
      %swap3A_107 = tpu.vector_load %arg8[%swap3A_104, %swap3A_105, %swap3A_106] {strides = array<i32>} : memref<3x80x128xf32, #tpu.memory_space<vmem>>, vector<16xf32>,
      tpu.vector_store %arg8[%swap3A_104, %swap3A_105, %swap3A_106], %broadcast_in_dim3A_0 {strides = array<i32>} : memref<3x80x128xf32, #tpu.memory_space<vmem>>, vector<16xf32>,
    }
    %scan3A_5 = arith.constant 80 : i32
    %scan3A_6 = arith.constant 0 : i32
    %scan3A_7 = arith.constant 0 : i32
    %scan3A_8 = arith.constant 7 : i32
    %scan3A_9 = arith.addi %scan3A_7, %scan3A_8 : i32
    %scan3A_10 = arith.constant 1 : i32
    scf.for %scan3A_68 = %scan3A_7 to %scan3A_9 step %scan3A_10  : i32 {
      %mul3A_69 = arith.constant 625 : i32
      %mul3A_70 = arith.muli %arg1, %mul3A_69 : i32
      %mul3A_71 = arith.constant 80 : i32
      %mul3A_72 = arith.muli %scan3A_68, %mul3A_71 : i32
      %add3A_73 = arith.addi %mul3A_70, %mul3A_72 : i32
      %run_scoped3A_74 = arith.constant 0 : i32
      "tpu.region"() ({
        %run_scoped3A_75 = tpu.sem_alloc : memref<!tpu.dma_semaphore, #tpu.memory_space<semaphore_mem>>
        %dma_start3A_76 = arith.constant 0 : i32
        %dma_start3A_77 = arith.constant 0 : i32
        %dma_start3A_78 = tpu.memref_slice %arg8[%run_scoped3A_74, %dma_start3A_76, %dma_start3A_77] : memref<3x80x128xf32, #tpu.memory_space<vmem>> -> memref<1x80x128xf32, #tpu.memory_space<vmem>>
        %dma_start3A_79 = tpu.memref_squeeze %dma_start3A_78 : memref<1x80x128xf32, #tpu.memory_space<vmem>> -> memref<80x128xf32, #tpu.memory_space<vmem>>
        %dma_start3A_80 = arith.constant 0 : i32
        %dma_start3A_81 = tpu.memref_slice %arg9[%add3A_73, %dma_start3A_80] : memref<10000x128xf32, #tpu.memory_space<vmem_shared>> -> memref<80x128xf32, #tpu.memory_space<vmem_shared>>
        %dma_start3A_82 = arith.constant 0 : i32
        %dma_start3A_83 = tpu.memref_slice %arg9[%add3A_73, %dma_start3A_82] : memref<10000x128xf32, #tpu.memory_space<vmem_shared>> -> memref<80x128xf32, #tpu.memory_space<vmem_shared>>
        %dma_start3A_84 = arith.constant 0 : i32
        %dma_start3A_85 = arith.constant 0 : i32
        %dma_start3A_86 = tpu.memref_slice %arg8[%run_scoped3A_74, %dma_start3A_84, %dma_start3A_85] : memref<3x80x128xf32, #tpu.memory_space<vmem>> -> memref<1x80x128xf32, #tpu.memory_space<vmem>>
        %dma_start3A_87 = tpu.memref_squeeze %dma_start3A_86 : memref<1x80x128xf32, #tpu.memory_space<vmem>> -> memref<80x128xf32, #tpu.memory_space<vmem>>
        tpu.enqueue_dma source(%dma_start3A_87 : memref<80x128xf32, #tpu.memory_space<vmem>>) target(%dma_start3A_83 : memref<80x128xf32, #tpu.memory_space<vmem_shared>>) target_semaphore(%run_scoped3A_75 : memref<!tpu.dma_semaphore, #tpu.memory_space<semaphore_mem>>)
        %dma_wait3A = arith.constant 0 : i32
        %dma_wait3A_88 = arith.constant 0 : i32
        %dma_wait3A_89 = tpu.memref_slice %arg8[%run_scoped3A_74, %dma_wait3A, %dma_wait3A_88] : memref<3x80x128xf32, #tpu.memory_space<vmem>> -> memref<1x80x128xf32, #tpu.memory_space<vmem>>
        %dma_wait3A_90 = tpu.memref_squeeze %dma_wait3A_89 : memref<1x80x128xf32, #tpu.memory_space<vmem>> -> memref<80x128xf32, #tpu.memory_space<vmem>>
        %dma_wait3A_91 = arith.constant 0 : i32
        %dma_wait3A_92 = tpu.memref_slice %arg9[%add3A_73, %dma_wait3A_91] : memref<10000x128xf32, #tpu.memory_space<vmem_shared>> -> memref<80x128xf32, #tpu.memory_space<vmem_shared>>
        %dma_wait3A_93 = arith.constant 0 : i32
        %dma_wait3A_94 = tpu.memref_slice %arg9[%add3A_73, %dma_wait3A_93] : memref<10000x128xf32, #tpu.memory_space<vmem_shared>> -> memref<80x128xf32, #tpu.memory_space<vmem_shared>>
        %dma_wait3A_95 = arith.constant 0 : i32
        %dma_wait3A_96 = arith.constant 0 : i32
        %dma_wait3A_97 = tpu.memref_slice %arg8[%run_scoped3A_74, %dma_wait3A_95, %dma_wait3A_96] : memref<3x80x128xf32, #tpu.memory_space<vmem>> -> memref<1x80x128xf32, #tpu.memory_space<vmem>>
        %dma_wait3A_98 = tpu.memref_squeeze %dma_wait3A_97 : memref<1x80x128xf32, #tpu.memory_space<vmem>> -> memref<80x128xf32, #tpu.memory_space<vmem>>
        tpu.wait_dma2 semaphore(%run_scoped3A_75 : memref<!tpu.dma_semaphore, #tpu.memory_space<semaphore_mem>>) src(%dma_wait3A_98 : memref<80x128xf32, #tpu.memory_space<vmem>>) dst(%dma_wait3A_94 : memref<80x128xf32, #tpu.memory_space<vmem_shared>>)
        tpu.yield
      }) : () -> ()
    }
    %scan3A_11 = arith.constant 7 : i32
    %mul3A = arith.constant 625 : i32
    %mul3A_12 = arith.muli %arg1, %mul3A : i32
    %add3A = arith.constant 560 : i32
    %add3A_13 = arith.addi %mul3A_12, %add3A : i32
    %run_scoped3A = arith.constant 0 : i32
    "tpu.region"() ({
      %run_scoped3A_68 = tpu.sem_alloc : memref<!tpu.dma_semaphore, #tpu.memory_space<semaphore_mem>>
      %dma_start3A_69 = arith.constant 0 : i32
      %dma_start3A_70 = arith.constant 0 : i32
      %dma_start3A_71 = tpu.memref_slice %arg8[%run_scoped3A, %dma_start3A_69, %dma_start3A_70] : memref<3x80x128xf32, #tpu.memory_space<vmem>> -> memref<1x65x128xf32, #tpu.memory_space<vmem>>
      %dma_start3A_72 = tpu.memref_squeeze %dma_start3A_71 : memref<1x65x128xf32, #tpu.memory_space<vmem>> -> memref<65x128xf32, #tpu.memory_space<vmem>>
      %dma_start3A_73 = arith.constant 0 : i32
      %dma_start3A_74 = tpu.memref_slice %arg9[%add3A_13, %dma_start3A_73] : memref<10000x128xf32, #tpu.memory_space<vmem_shared>> -> memref<65x128xf32, #tpu.memory_space<vmem_shared>>
      %dma_start3A_75 = arith.constant 0 : i32
      %dma_start3A_76 = tpu.memref_slice %arg9[%add3A_13, %dma_start3A_75] : memref<10000x128xf32, #tpu.memory_space<vmem_shared>> -> memref<65x128xf32, #tpu.memory_space<vmem_shared>>
      %dma_start3A_77 = arith.constant 0 : i32
      %dma_start3A_78 = arith.constant 0 : i32
      %dma_start3A_79 = tpu.memref_slice %arg8[%run_scoped3A, %dma_start3A_77, %dma_start3A_78] : memref<3x80x128xf32, #tpu.memory_space<vmem>> -> memref<1x65x128xf32, #tpu.memory_space<vmem>>
      %dma_start3A_80 = tpu.memref_squeeze %dma_start3A_79 : memref<1x65x128xf32, #tpu.memory_space<vmem>> -> memref<65x128xf32, #tpu.memory_space<vmem>>
      tpu.enqueue_dma source(%dma_start3A_80 : memref<65x128xf32, #tpu.memory_space<vmem>>) target(%dma_start3A_76 : memref<65x128xf32, #tpu.memory_space<vmem_shared>>) target_semaphore(%run_scoped3A_68 : memref<!tpu.dma_semaphore, #tpu.memory_space<semaphore_mem>>)
      %dma_wait3A = arith.constant 0 : i32
      %dma_wait3A_81 = arith.constant 0 : i32
      %dma_wait3A_82 = tpu.memref_slice %arg8[%run_scoped3A, %dma_wait3A, %dma_wait3A_81] : memref<3x80x128xf32, #tpu.memory_space<vmem>> -> memref<1x65x128xf32, #tpu.memory_space<vmem>>
      %dma_wait3A_83 = tpu.memref_squeeze %dma_wait3A_82 : memref<1x65x128xf32, #tpu.memory_space<vmem>> -> memref<65x128xf32, #tpu.memory_space<vmem>>
      %dma_wait3A_84 = arith.constant 0 : i32
      %dma_wait3A_85 = tpu.memref_slice %arg9[%add3A_13, %dma_wait3A_84] : memref<10000x128xf32, #tpu.memory_space<vmem_shared>> -> memref<65x128xf32, #tpu.memory_space<vmem_shared>>
      %dma_wait3A_86 = arith.constant 0 : i32
      %dma_wait3A_87 = tpu.memref_slice %arg9[%add3A_13, %dma_wait3A_86] : memref<10000x128xf32, #tpu.memory_space<vmem_shared>> -> memref<65x128xf32, #tpu.memory_space<vmem_shared>>
      %dma_wait3A_88 = arith.constant 0 : i32
      %dma_wait3A_89 = arith.constant 0 : i32
      %dma_wait3A_90 = tpu.memref_slice %arg8[%run_scoped3A, %dma_wait3A_88, %dma_wait3A_89] : memref<3x80x128xf32, #tpu.memory_space<vmem>> -> memref<1x65x128xf32, #tpu.memory_space<vmem>>
      %dma_wait3A_91 = tpu.memref_squeeze %dma_wait3A_90 : memref<1x65x128xf32, #tpu.memory_space<vmem>> -> memref<65x128xf32, #tpu.memory_space<vmem>>
      tpu.wait_dma2 semaphore(%run_scoped3A_68 : memref<!tpu.dma_semaphore, #tpu.memory_space<semaphore_mem>>) src(%dma_wait3A_91 : memref<65x128xf32, #tpu.memory_space<vmem>>) dst(%dma_wait3A_87 : memref<65x128xf32, #tpu.memory_space<vmem_shared>>)
      tpu.yield
    }) : () -> ()
    %barrier3A = arith.constant 0 : index
    tpu.barrier barrier_id(%barrier3A)
    %dma_start3A = arith.constant 0 : i32
    %dma_start3A_14 = arith.constant 0 : i32
    %dma_start3A_15 = arith.constant 0 : i32
    %dma_start3A_16 = arith.constant 0 : i32
    %dma_start3A_17 = tpu.memref_slice %arg8[%dma_start3A_14, %dma_start3A_15, %dma_start3A_16] : memref<3x80x128xf32, #tpu.memory_space<vmem>> -> memref<1x80x128xf32, #tpu.memory_space<vmem>>
    %dma_start3A_18 = tpu.memref_squeeze %dma_start3A_17 : memref<1x80x128xf32, #tpu.memory_space<vmem>> -> memref<80x128xf32, #tpu.memory_space<vmem>>
    %dma_start3A_19 = arith.constant 0 : i32
    %dma_start3A_20 = tpu.memref_slice %arg6[%dma_start3A, %dma_start3A_19] : memref<125x80xi32, #tpu.memory_space<vmem>> -> memref<1x80xi32, #tpu.memory_space<vmem>>
    %dma_start3A_21 = tpu.memref_squeeze %dma_start3A_20 : memref<1x80xi32, #tpu.memory_space<vmem>> -> memref<80xi32, #tpu.memory_space<vmem>>
    %dma_start3A_22 = arith.constant 0 : i32
    %dma_start3A_23 = arith.constant 0 : i32
    %dma_start3A_24 = tpu.memref_slice %arg2[%dma_start3A_22, %dma_start3A_23] : memref<10000x128xf32, #tpu.memory_space<hbm>> -> memref<10000x128xf32, #tpu.memory_space<hbm>>
    tpu.enqueue_indirect_dma source(%dma_start3A_24 : memref<10000x128xf32, #tpu.memory_space<hbm>>) target(%dma_start3A_18 : memref<80x128xf32, #tpu.memory_space<vmem>>) offsets(%dma_start3A_21 : memref<80xi32, #tpu.memory_space<vmem>>) semaphore(%arg10 : memref<!tpu.dma_semaphore, #tpu.memory_space<semaphore_mem>>)
    %dma_start3A_25 = arith.constant 1 : i32
    %dma_start3A_26 = arith.constant 1 : i32
    %dma_start3A_27 = arith.constant 0 : i32
    %dma_start3A_28 = arith.constant 0 : i32
    %dma_start3A_29 = tpu.memref_slice %arg8[%dma_start3A_26, %dma_start3A_27, %dma_start3A_28] : memref<3x80x128xf32, #tpu.memory_space<vmem>> -> memref<1x80x128xf32, #tpu.memory_space<vmem>>
    %dma_start3A_30 = tpu.memref_squeeze %dma_start3A_29 : memref<1x80x128xf32, #tpu.memory_space<vmem>> -> memref<80x128xf32, #tpu.memory_space<vmem>>
    %dma_start3A_31 = arith.constant 0 : i32
    %dma_start3A_32 = tpu.memref_slice %arg6[%dma_start3A_25, %dma_start3A_31] : memref<125x80xi32, #tpu.memory_space<vmem>> -> memref<1x80xi32, #tpu.memory_space<vmem>>
    %dma_start3A_33 = tpu.memref_squeeze %dma_start3A_32 : memref<1x80xi32, #tpu.memory_space<vmem>> -> memref<80xi32, #tpu.memory_space<vmem>>
    %dma_start3A_34 = arith.constant 0 : i32
    %dma_start3A_35 = arith.constant 0 : i32
    %dma_start3A_36 = tpu.memref_slice %arg2[%dma_start3A_34, %dma_start3A_35] : memref<10000x128xf32, #tpu.memory_space<hbm>> -> memref<10000x128xf32, #tpu.memory_space<hbm>>
    tpu.enqueue_indirect_dma source(%dma_start3A_36 : memref<10000x128xf32, #tpu.memory_space<hbm>>) target(%dma_start3A_30 : memref<80x128xf32, #tpu.memory_space<vmem>>) offsets(%dma_start3A_33 : memref<80xi32, #tpu.memory_space<vmem>>) semaphore(%arg10 : memref<!tpu.dma_semaphore, #tpu.memory_space<semaphore_mem>>)
    %dma_start3A_37 = arith.constant 2 : i32
    %dma_start3A_38 = arith.constant 2 : i32
    %dma_start3A_39 = arith.constant 0 : i32
    %dma_start3A_40 = arith.constant 0 : i32
    %dma_start3A_41 = tpu.memref_slice %arg8[%dma_start3A_38, %dma_start3A_39, %dma_start3A_40] : memref<3x80x128xf32, #tpu.memory_space<vmem>> -> memref<1x80x128xf32, #tpu.memory_space<vmem>>
    %dma_start3A_42 = tpu.memref_squeeze %dma_start3A_41 : memref<1x80x128xf32, #tpu.memory_space<vmem>> -> memref<80x128xf32, #tpu.memory_space<vmem>>
    %dma_start3A_43 = arith.constant 0 : i32
    %dma_start3A_44 = tpu.memref_slice %arg6[%dma_start3A_37, %dma_start3A_43] : memref<125x80xi32, #tpu.memory_space<vmem>> -> memref<1x80xi32, #tpu.memory_space<vmem>>
    %dma_start3A_45 = tpu.memref_squeeze %dma_start3A_44 : memref<1x80xi32, #tpu.memory_space<vmem>> -> memref<80xi32, #tpu.memory_space<vmem>>
    %dma_start3A_46 = arith.constant 0 : i32
    %dma_start3A_47 = arith.constant 0 : i32
    %dma_start3A_48 = tpu.memref_slice %arg2[%dma_start3A_46, %dma_start3A_47] : memref<10000x128xf32, #tpu.memory_space<hbm>> -> memref<10000x128xf32, #tpu.memory_space<hbm>>
    tpu.enqueue_indirect_dma source(%dma_start3A_48 : memref<10000x128xf32, #tpu.memory_space<hbm>>) target(%dma_start3A_42 : memref<80x128xf32, #tpu.memory_space<vmem>>) offsets(%dma_start3A_45 : memref<80xi32, #tpu.memory_space<vmem>>) semaphore(%arg10 : memref<!tpu.dma_semaphore, #tpu.memory_space<semaphore_mem>>)
    %scan3A_49 = arith.constant 0 : i32
    %scan3A_50 = arith.constant 0 : i32
    %scan3A_51 = arith.constant 125 : i32
    %scan3A_52 = arith.addi %scan3A_50, %scan3A_51 : i32
    %scan3A_53 = arith.constant 1 : i32
    scf.for %scan3A_68 = %scan3A_50 to %scan3A_52 step %scan3A_53  : i32 {
      %rem3A = arith.constant 3 : i32
      %rem3A_69 = arith.remsi %scan3A_68, %rem3A : i32
      %dma_wait3A = arith.constant 0 : i32
      %dma_wait3A_70 = arith.constant 0 : i32
      %dma_wait3A_71 = tpu.memref_slice %arg8[%rem3A_69, %dma_wait3A, %dma_wait3A_70] : memref<3x80x128xf32, #tpu.memory_space<vmem>> -> memref<1x80x128xf32, #tpu.memory_space<vmem>>
      %dma_wait3A_72 = tpu.memref_squeeze %dma_wait3A_71 : memref<1x80x128xf32, #tpu.memory_space<vmem>> -> memref<80x128xf32, #tpu.memory_space<vmem>>
      %dma_wait3A_73 = arith.constant 0 : i32
      %dma_wait3A_74 = tpu.memref_slice %arg6[%scan3A_68, %dma_wait3A_73] : memref<125x80xi32, #tpu.memory_space<vmem>> -> memref<1x80xi32, #tpu.memory_space<vmem>>
      %dma_wait3A_75 = tpu.memref_squeeze %dma_wait3A_74 : memref<1x80xi32, #tpu.memory_space<vmem>> -> memref<80xi32, #tpu.memory_space<vmem>>
      %dma_wait3A_76 = arith.constant 0 : i32
      %dma_wait3A_77 = arith.constant 0 : i32
      %dma_wait3A_78 = tpu.memref_slice %arg2[%dma_wait3A_76, %dma_wait3A_77] : memref<10000x128xf32, #tpu.memory_space<hbm>> -> memref<10000x128xf32, #tpu.memory_space<hbm>>
      tpu.wait_indirect_dma semaphore(%arg10 : memref<!tpu.dma_semaphore, #tpu.memory_space<semaphore_mem>>) src(%dma_wait3A_78 : memref<10000x128xf32, #tpu.memory_space<hbm>>) dst(%dma_wait3A_72 : memref<80x128xf32, #tpu.memory_space<vmem>>)
      "tpu.region"() ({
        %run_scoped3A_83 = tpu.sem_alloc : memref<!tpu.dma_semaphore, #tpu.memory_space<semaphore_mem>>
        %dma_start3A_84 = arith.constant 0 : i32
        %dma_start3A_85 = arith.constant 0 : i32
        %dma_start3A_86 = tpu.memref_slice %arg8[%rem3A_69, %dma_start3A_84, %dma_start3A_85] : memref<3x80x128xf32, #tpu.memory_space<vmem>> -> memref<1x80x128xf32, #tpu.memory_space<vmem>>
        %dma_start3A_87 = tpu.memref_squeeze %dma_start3A_86 : memref<1x80x128xf32, #tpu.memory_space<vmem>> -> memref<80x128xf32, #tpu.memory_space<vmem>>
        %dma_start3A_88 = arith.constant 0 : i32
        %dma_start3A_89 = tpu.memref_slice %arg7[%scan3A_68, %dma_start3A_88] : memref<125x80xi32, #tpu.memory_space<vmem>> -> memref<1x80xi32, #tpu.memory_space<vmem>>
        %dma_start3A_90 = tpu.memref_squeeze %dma_start3A_89 : memref<1x80xi32, #tpu.memory_space<vmem>> -> memref<80xi32, #tpu.memory_space<vmem>>
        %dma_start3A_91 = arith.constant 0 : i32
        %dma_start3A_92 = arith.constant 0 : i32
        %dma_start3A_93 = tpu.memref_slice %arg9[%dma_start3A_91, %dma_start3A_92] : memref<10000x128xf32, #tpu.memory_space<vmem_shared>> -> memref<10000x128xf32, #tpu.memory_space<vmem_shared>>
        tpu.enqueue_indirect_dma source(%dma_start3A_87 : memref<80x128xf32, #tpu.memory_space<vmem>>) target(%dma_start3A_93 : memref<10000x128xf32, #tpu.memory_space<vmem_shared>>) offsets(%dma_start3A_90 : memref<80xi32, #tpu.memory_space<vmem>>) semaphore(%run_scoped3A_83 : memref<!tpu.dma_semaphore, #tpu.memory_space<semaphore_mem>>) {add = true}
        %dma_wait3A_94 = arith.constant 0 : i32
        %dma_wait3A_95 = arith.constant 0 : i32
        %dma_wait3A_96 = tpu.memref_slice %arg8[%rem3A_69, %dma_wait3A_94, %dma_wait3A_95] : memref<3x80x128xf32, #tpu.memory_space<vmem>> -> memref<1x80x128xf32, #tpu.memory_space<vmem>>
        %dma_wait3A_97 = tpu.memref_squeeze %dma_wait3A_96 : memref<1x80x128xf32, #tpu.memory_space<vmem>> -> memref<80x128xf32, #tpu.memory_space<vmem>>
        %dma_wait3A_98 = arith.constant 0 : i32
        %dma_wait3A_99 = tpu.memref_slice %arg7[%scan3A_68, %dma_wait3A_98] : memref<125x80xi32, #tpu.memory_space<vmem>> -> memref<1x80xi32, #tpu.memory_space<vmem>>
        %dma_wait3A_100 = tpu.memref_squeeze %dma_wait3A_99 : memref<1x80xi32, #tpu.memory_space<vmem>> -> memref<80xi32, #tpu.memory_space<vmem>>
        %dma_wait3A_101 = arith.constant 0 : i32
        %dma_wait3A_102 = arith.constant 0 : i32
        %dma_wait3A_103 = tpu.memref_slice %arg9[%dma_wait3A_101, %dma_wait3A_102] : memref<10000x128xf32, #tpu.memory_space<vmem_shared>> -> memref<10000x128xf32, #tpu.memory_space<vmem_shared>>
        tpu.wait_indirect_dma semaphore(%run_scoped3A_83 : memref<!tpu.dma_semaphore, #tpu.memory_space<semaphore_mem>>) src(%dma_wait3A_97 : memref<80x128xf32, #tpu.memory_space<vmem>>) dst(%dma_wait3A_103 : memref<10000x128xf32, #tpu.memory_space<vmem_shared>>)
        tpu.yield
      }) : () -> ()
      %add3A_79 = arith.constant 3 : i32
      %add3A_80 = arith.addi %scan3A_68, %add3A_79 : i32
      %lt3A = arith.constant 125 : i32
      %lt3A_81 = arith.cmpi slt, %add3A_80, %lt3A : i32
      %convert_element_type3A = arith.extui %lt3A_81 : i1 to i32
      %cond3A = arith.constant 0 : i32
      %cond3A_82 = arith.cmpi ne, %convert_element_type3A, %cond3A : i32
      scf.if %cond3A_82 {
        %add3A_83 = arith.constant 3 : i32
        %add3A_84 = arith.addi %scan3A_68, %add3A_83 : i32
        %dma_start3A_85 = arith.constant 0 : i32
        %dma_start3A_86 = arith.constant 0 : i32
        %dma_start3A_87 = tpu.memref_slice %arg8[%rem3A_69, %dma_start3A_85, %dma_start3A_86] : memref<3x80x128xf32, #tpu.memory_space<vmem>> -> memref<1x80x128xf32, #tpu.memory_space<vmem>>
        %dma_start3A_88 = tpu.memref_squeeze %dma_start3A_87 : memref<1x80x128xf32, #tpu.memory_space<vmem>> -> memref<80x128xf32, #tpu.memory_space<vmem>>
        %dma_start3A_89 = arith.constant 0 : i32
        %dma_start3A_90 = tpu.memref_slice %arg6[%add3A_84, %dma_start3A_89] : memref<125x80xi32, #tpu.memory_space<vmem>> -> memref<1x80xi32, #tpu.memory_space<vmem>>
        %dma_start3A_91 = tpu.memref_squeeze %dma_start3A_90 : memref<1x80xi32, #tpu.memory_space<vmem>> -> memref<80xi32, #tpu.memory_space<vmem>>
        %dma_start3A_92 = arith.constant 0 : i32
        %dma_start3A_93 = arith.constant 0 : i32
        %dma_start3A_94 = tpu.memref_slice %arg2[%dma_start3A_92, %dma_start3A_93] : memref<10000x128xf32, #tpu.memory_space<hbm>> -> memref<10000x128xf32, #tpu.memory_space<hbm>>
        tpu.enqueue_indirect_dma source(%dma_start3A_94 : memref<10000x128xf32, #tpu.memory_space<hbm>>) target(%dma_start3A_88 : memref<80x128xf32, #tpu.memory_space<vmem>>) offsets(%dma_start3A_91 : memref<80xi32, #tpu.memory_space<vmem>>) semaphore(%arg10 : memref<!tpu.dma_semaphore, #tpu.memory_space<semaphore_mem>>)
      } else {
      }
    }
    %scan3A_54 = arith.constant 125 : i32
    %barrier3A_55 = arith.constant 0 : index
    tpu.barrier barrier_id(%barrier3A_55)
    %scan3A_56 = arith.constant 0 : i32
    %scan3A_57 = arith.constant 0 : i32
    %scan3A_58 = arith.constant 7 : i32
    %scan3A_59 = arith.addi %scan3A_57, %scan3A_58 : i32
    %scan3A_60 = arith.constant 1 : i32
    scf.for %scan3A_68 = %scan3A_57 to %scan3A_59 step %scan3A_60  : i32 {
      %mul3A_69 = arith.constant 625 : i32
      %mul3A_70 = arith.muli %arg1, %mul3A_69 : i32
      %mul3A_71 = arith.constant 80 : i32
      %mul3A_72 = arith.muli %scan3A_68, %mul3A_71 : i32
      %add3A_73 = arith.addi %mul3A_70, %mul3A_72 : i32
      %run_scoped3A_74 = arith.constant 0 : i32
      "tpu.region"() ({
        %run_scoped3A_76 = tpu.sem_alloc : memref<!tpu.dma_semaphore, #tpu.memory_space<semaphore_mem>>
        %dma_start3A_77 = arith.constant 0 : i32
        %dma_start3A_78 = arith.constant 0 : i32
        %dma_start3A_79 = tpu.memref_slice %arg8[%run_scoped3A_74, %dma_start3A_77, %dma_start3A_78] : memref<3x80x128xf32, #tpu.memory_space<vmem>> -> memref<1x80x128xf32, #tpu.memory_space<vmem>>
        %dma_start3A_80 = tpu.memref_squeeze %dma_start3A_79 : memref<1x80x128xf32, #tpu.memory_space<vmem>> -> memref<80x128xf32, #tpu.memory_space<vmem>>
        %dma_start3A_81 = arith.constant 0 : i32
        %dma_start3A_82 = tpu.memref_slice %arg9[%add3A_73, %dma_start3A_81] : memref<10000x128xf32, #tpu.memory_space<vmem_shared>> -> memref<80x128xf32, #tpu.memory_space<vmem_shared>>
        %dma_start3A_83 = arith.constant 0 : i32
        %dma_start3A_84 = arith.constant 0 : i32
        %dma_start3A_85 = tpu.memref_slice %arg8[%run_scoped3A_74, %dma_start3A_83, %dma_start3A_84] : memref<3x80x128xf32, #tpu.memory_space<vmem>> -> memref<1x80x128xf32, #tpu.memory_space<vmem>>
        %dma_start3A_86 = tpu.memref_squeeze %dma_start3A_85 : memref<1x80x128xf32, #tpu.memory_space<vmem>> -> memref<80x128xf32, #tpu.memory_space<vmem>>
        %dma_start3A_87 = arith.constant 0 : i32
        %dma_start3A_88 = tpu.memref_slice %arg9[%add3A_73, %dma_start3A_87] : memref<10000x128xf32, #tpu.memory_space<vmem_shared>> -> memref<80x128xf32, #tpu.memory_space<vmem_shared>>
        tpu.enqueue_dma source(%dma_start3A_88 : memref<80x128xf32, #tpu.memory_space<vmem_shared>>) target(%dma_start3A_86 : memref<80x128xf32, #tpu.memory_space<vmem>>) target_semaphore(%run_scoped3A_76 : memref<!tpu.dma_semaphore, #tpu.memory_space<semaphore_mem>>)
        %dma_wait3A = arith.constant 0 : i32
        %dma_wait3A_89 = arith.constant 0 : i32
        %dma_wait3A_90 = tpu.memref_slice %arg8[%run_scoped3A_74, %dma_wait3A, %dma_wait3A_89] : memref<3x80x128xf32, #tpu.memory_space<vmem>> -> memref<1x80x128xf32, #tpu.memory_space<vmem>>
        %dma_wait3A_91 = tpu.memref_squeeze %dma_wait3A_90 : memref<1x80x128xf32, #tpu.memory_space<vmem>> -> memref<80x128xf32, #tpu.memory_space<vmem>>
        %dma_wait3A_92 = arith.constant 0 : i32
        %dma_wait3A_93 = tpu.memref_slice %arg9[%add3A_73, %dma_wait3A_92] : memref<10000x128xf32, #tpu.memory_space<vmem_shared>> -> memref<80x128xf32, #tpu.memory_space<vmem_shared>>
        %dma_wait3A_94 = arith.constant 0 : i32
        %dma_wait3A_95 = arith.constant 0 : i32
        %dma_wait3A_96 = tpu.memref_slice %arg8[%run_scoped3A_74, %dma_wait3A_94, %dma_wait3A_95] : memref<3x80x128xf32, #tpu.memory_space<vmem>> -> memref<1x80x128xf32, #tpu.memory_space<vmem>>
        %dma_wait3A_97 = tpu.memref_squeeze %dma_wait3A_96 : memref<1x80x128xf32, #tpu.memory_space<vmem>> -> memref<80x128xf32, #tpu.memory_space<vmem>>
        %dma_wait3A_98 = arith.constant 0 : i32
        %dma_wait3A_99 = tpu.memref_slice %arg9[%add3A_73, %dma_wait3A_98] : memref<10000x128xf32, #tpu.memory_space<vmem_shared>> -> memref<80x128xf32, #tpu.memory_space<vmem_shared>>
        tpu.wait_dma2 semaphore(%run_scoped3A_76 : memref<!tpu.dma_semaphore, #tpu.memory_space<semaphore_mem>>) src(%dma_wait3A_99 : memref<80x128xf32, #tpu.memory_space<vmem_shared>>) dst(%dma_wait3A_97 : memref<80x128xf32, #tpu.memory_space<vmem>>)
        tpu.yield
      }) : () -> ()
      %run_scoped3A_75 = arith.constant 0 : i32
      "tpu.region"() ({
        %run_scoped3A_76 = tpu.sem_alloc : memref<!tpu.dma_semaphore, #tpu.memory_space<semaphore_mem>>
        %dma_start3A_77 = arith.constant 0 : i32
        %dma_start3A_78 = arith.constant 0 : i32
        %dma_start3A_79 = tpu.memref_slice %arg8[%run_scoped3A_75, %dma_start3A_77, %dma_start3A_78] : memref<3x80x128xf32, #tpu.memory_space<vmem>> -> memref<1x80x128xf32, #tpu.memory_space<vmem>>
        %dma_start3A_80 = tpu.memref_squeeze %dma_start3A_79 : memref<1x80x128xf32, #tpu.memory_space<vmem>> -> memref<80x128xf32, #tpu.memory_space<vmem>>
        %dma_start3A_81 = arith.constant 0 : i32
        %dma_start3A_82 = tpu.memref_slice %arg5[%arg0, %add3A_73, %dma_start3A_81] : memref<2x10000x128xf32, #tpu.memory_space<hbm>> -> memref<1x80x128xf32, #tpu.memory_space<hbm>>
        %dma_start3A_83 = tpu.memref_squeeze %dma_start3A_82 : memref<1x80x128xf32, #tpu.memory_space<hbm>> -> memref<80x128xf32, #tpu.memory_space<hbm>>
        %dma_start3A_84 = arith.constant 0 : i32
        %dma_start3A_85 = tpu.memref_slice %arg5[%arg0, %add3A_73, %dma_start3A_84] : memref<2x10000x128xf32, #tpu.memory_space<hbm>> -> memref<1x80x128xf32, #tpu.memory_space<hbm>>
        %dma_start3A_86 = tpu.memref_squeeze %dma_start3A_85 : memref<1x80x128xf32, #tpu.memory_space<hbm>> -> memref<80x128xf32, #tpu.memory_space<hbm>>
        %dma_start3A_87 = arith.constant 0 : i32
        %dma_start3A_88 = arith.constant 0 : i32
        %dma_start3A_89 = tpu.memref_slice %arg8[%run_scoped3A_75, %dma_start3A_87, %dma_start3A_88] : memref<3x80x128xf32, #tpu.memory_space<vmem>> -> memref<1x80x128xf32, #tpu.memory_space<vmem>>
        %dma_start3A_90 = tpu.memref_squeeze %dma_start3A_89 : memref<1x80x128xf32, #tpu.memory_space<vmem>> -> memref<80x128xf32, #tpu.memory_space<vmem>>
        tpu.enqueue_dma source(%dma_start3A_90 : memref<80x128xf32, #tpu.memory_space<vmem>>) target(%dma_start3A_86 : memref<80x128xf32, #tpu.memory_space<hbm>>) target_semaphore(%run_scoped3A_76 : memref<!tpu.dma_semaphore, #tpu.memory_space<semaphore_mem>>)
        %dma_wait3A = arith.constant 0 : i32
        %dma_wait3A_91 = arith.constant 0 : i32
        %dma_wait3A_92 = tpu.memref_slice %arg8[%run_scoped3A_75, %dma_wait3A, %dma_wait3A_91] : memref<3x80x128xf32, #tpu.memory_space<vmem>> -> memref<1x80x128xf32, #tpu.memory_space<vmem>>
        %dma_wait3A_93 = tpu.memref_squeeze %dma_wait3A_92 : memref<1x80x128xf32, #tpu.memory_space<vmem>> -> memref<80x128xf32, #tpu.memory_space<vmem>>
        %dma_wait3A_94 = arith.constant 0 : i32
        %dma_wait3A_95 = tpu.memref_slice %arg5[%arg0, %add3A_73, %dma_wait3A_94] : memref<2x10000x128xf32, #tpu.memory_space<hbm>> -> memref<1x80x128xf32, #tpu.memory_space<hbm>>
        %dma_wait3A_96 = tpu.memref_squeeze %dma_wait3A_95 : memref<1x80x128xf32, #tpu.memory_space<hbm>> -> memref<80x128xf32, #tpu.memory_space<hbm>>
        %dma_wait3A_97 = arith.constant 0 : i32
        %dma_wait3A_98 = tpu.memref_slice %arg5[%arg0, %add3A_73, %dma_wait3A_97] : memref<2x10000x128xf32, #tpu.memory_space<hbm>> -> memref<1x80x128xf32, #tpu.memory_space<hbm>>
        %dma_wait3A_99 = tpu.memref_squeeze %dma_wait3A_98 : memref<1x80x128xf32, #tpu.memory_space<hbm>> -> memref<80x128xf32, #tpu.memory_space<hbm>>
        %dma_wait3A_100 = arith.constant 0 : i32
        %dma_wait3A_101 = arith.constant 0 : i32
        %dma_wait3A_102 = tpu.memref_slice %arg8[%run_scoped3A_75, %dma_wait3A_100, %dma_wait3A_101] : memref<3x80x128xf32, #tpu.memory_space<vmem>> -> memref<1x80x128xf32, #tpu.memory_space<vmem>>
        %dma_wait3A_103 = tpu.memref_squeeze %dma_wait3A_102 : memref<1x80x128xf32, #tpu.memory_space<vmem>> -> memref<80x128xf32, #tpu.memory_space<vmem>>
        tpu.wait_dma2 semaphore(%run_scoped3A_76 : memref<!tpu.dma_semaphore, #tpu.memory_space<semaphore_mem>>) src(%dma_wait3A_103 : memref<80x128xf32, #tpu.memory_space<vmem>>) dst(%dma_wait3A_99 : memref<80x128xf32, #tpu.memory_space<hbm>>)
        tpu.yield
      }) : () -> ()
    }
    %scan3A_61 = arith.constant 7 : i32
    %mul3A_62 = arith.constant 625 : i32
    %mul3A_63 = arith.muli %arg1, %mul3A_62 : i32
    %add3A_64 = arith.constant 560 : i32
    %add3A_65 = arith.addi %mul3A_63, %add3A_64 : i32
    %run_scoped3A_66 = arith.constant 0 : i32
    "tpu.region"() ({
      %run_scoped3A_68 = tpu.sem_alloc : memref<!tpu.dma_semaphore, #tpu.memory_space<semaphore_mem>>
      %dma_start3A_69 = arith.constant 0 : i32
      %dma_start3A_70 = arith.constant 0 : i32
      %dma_start3A_71 = tpu.memref_slice %arg8[%run_scoped3A_66, %dma_start3A_69, %dma_start3A_70] : memref<3x80x128xf32, #tpu.memory_space<vmem>> -> memref<1x65x128xf32, #tpu.memory_space<vmem>>
      %dma_start3A_72 = tpu.memref_squeeze %dma_start3A_71 : memref<1x65x128xf32, #tpu.memory_space<vmem>> -> memref<65x128xf32, #tpu.memory_space<vmem>>
      %dma_start3A_73 = arith.constant 0 : i32
      %dma_start3A_74 = tpu.memref_slice %arg9[%add3A_65, %dma_start3A_73] : memref<10000x128xf32, #tpu.memory_space<vmem_shared>> -> memref<65x128xf32, #tpu.memory_space<vmem_shared>>
      %dma_start3A_75 = arith.constant 0 : i32
      %dma_start3A_76 = arith.constant 0 : i32
      %dma_start3A_77 = tpu.memref_slice %arg8[%run_scoped3A_66, %dma_start3A_75, %dma_start3A_76] : memref<3x80x128xf32, #tpu.memory_space<vmem>> -> memref<1x65x128xf32, #tpu.memory_space<vmem>>
      %dma_start3A_78 = tpu.memref_squeeze %dma_start3A_77 : memref<1x65x128xf32, #tpu.memory_space<vmem>> -> memref<65x128xf32, #tpu.memory_space<vmem>>
      %dma_start3A_79 = arith.constant 0 : i32
      %dma_start3A_80 = tpu.memref_slice %arg9[%add3A_65, %dma_start3A_79] : memref<10000x128xf32, #tpu.memory_space<vmem_shared>> -> memref<65x128xf32, #tpu.memory_space<vmem_shared>>
      tpu.enqueue_dma source(%dma_start3A_80 : memref<65x128xf32, #tpu.memory_space<vmem_shared>>) target(%dma_start3A_78 : memref<65x128xf32, #tpu.memory_space<vmem>>) target_semaphore(%run_scoped3A_68 : memref<!tpu.dma_semaphore, #tpu.memory_space<semaphore_mem>>)
      %dma_wait3A = arith.constant 0 : i32
      %dma_wait3A_81 = arith.constant 0 : i32
      %dma_wait3A_82 = tpu.memref_slice %arg8[%run_scoped3A_66, %dma_wait3A, %dma_wait3A_81] : memref<3x80x128xf32, #tpu.memory_space<vmem>> -> memref<1x65x128xf32, #tpu.memory_space<vmem>>
      %dma_wait3A_83 = tpu.memref_squeeze %dma_wait3A_82 : memref<1x65x128xf32, #tpu.memory_space<vmem>> -> memref<65x128xf32, #tpu.memory_space<vmem>>
      %dma_wait3A_84 = arith.constant 0 : i32
      %dma_wait3A_85 = tpu.memref_slice %arg9[%add3A_65, %dma_wait3A_84] : memref<10000x128xf32, #tpu.memory_space<vmem_shared>> -> memref<65x128xf32, #tpu.memory_space<vmem_shared>>
      %dma_wait3A_86 = arith.constant 0 : i32
      %dma_wait3A_87 = arith.constant 0 : i32
      %dma_wait3A_88 = tpu.memref_slice %arg8[%run_scoped3A_66, %dma_wait3A_86, %dma_wait3A_87] : memref<3x80x128xf32, #tpu.memory_space<vmem>> -> memref<1x65x128xf32, #tpu.memory_space<vmem>>
      %dma_wait3A_89 = tpu.memref_squeeze %dma_wait3A_88 : memref<1x65x128xf32, #tpu.memory_space<vmem>> -> memref<65x128xf32, #tpu.memory_space<vmem>>
      %dma_wait3A_90 = arith.constant 0 : i32
      %dma_wait3A_91 = tpu.memref_slice %arg9[%add3A_65, %dma_wait3A_90] : memref<10000x128xf32, #tpu.memory_space<vmem_shared>> -> memref<65x128xf32, #tpu.memory_space<vmem_shared>>
      tpu.wait_dma2 semaphore(%run_scoped3A_68 : memref<!tpu.dma_semaphore, #tpu.memory_space<semaphore_mem>>) src(%dma_wait3A_91 : memref<65x128xf32, #tpu.memory_space<vmem_shared>>) dst(%dma_wait3A_89 : memref<65x128xf32, #tpu.memory_space<vmem>>)
      tpu.yield
    }) : () -> ()
    %run_scoped3A_67 = arith.constant 0 : i32
    "tpu.region"() ({
      %run_scoped3A_68 = tpu.sem_alloc : memref<!tpu.dma_semaphore, #tpu.memory_space<semaphore_mem>>
      %dma_start3A_69 = arith.constant 0 : i32
      %dma_start3A_70 = arith.constant 0 : i32
      %dma_start3A_71 = tpu.memref_slice %arg8[%run_scoped3A_67, %dma_start3A_69, %dma_start3A_70] : memref<3x80x128xf32, #tpu.memory_space<vmem>> -> memref<1x65x128xf32, #tpu.memory_space<vmem>>
      %dma_start3A_72 = tpu.memref_squeeze %dma_start3A_71 : memref<1x65x128xf32, #tpu.memory_space<vmem>> -> memref<65x128xf32, #tpu.memory_space<vmem>>
      %dma_start3A_73 = arith.constant 0 : i32
      %dma_start3A_74 = tpu.memref_slice %arg5[%arg0, %add3A_65, %dma_start3A_73] : memref<2x10000x128xf32, #tpu.memory_space<hbm>> -> memref<1x65x128xf32, #tpu.memory_space<hbm>>
      %dma_start3A_75 = tpu.memref_squeeze %dma_start3A_74 : memref<1x65x128xf32, #tpu.memory_space<hbm>> -> memref<65x128xf32, #tpu.memory_space<hbm>>
      %dma_start3A_76 = arith.constant 0 : i32
      %dma_start3A_77 = tpu.memref_slice %arg5[%arg0, %add3A_65, %dma_start3A_76] : memref<2x10000x128xf32, #tpu.memory_space<hbm>> -> memref<1x65x128xf32, #tpu.memory_space<hbm>>
      %dma_start3A_78 = tpu.memref_squeeze %dma_start3A_77 : memref<1x65x128xf32, #tpu.memory_space<hbm>> -> memref<65x128xf32, #tpu.memory_space<hbm>>
      %dma_start3A_79 = arith.constant 0 : i32
      %dma_start3A_80 = arith.constant 0 : i32
      %dma_start3A_81 = tpu.memref_slice %arg8[%run_scoped3A_67, %dma_start3A_79, %dma_start3A_80] : memref<3x80x128xf32, #tpu.memory_space<vmem>> -> memref<1x65x128xf32, #tpu.memory_space<vmem>>
      %dma_start3A_82 = tpu.memref_squeeze %dma_start3A_81 : memref<1x65x128xf32, #tpu.memory_space<vmem>> -> memref<65x128xf32, #tpu.memory_space<vmem>>
      tpu.enqueue_dma source(%dma_start3A_82 : memref<65x128xf32, #tpu.memory_space<vmem>>) target(%dma_start3A_78 : memref<65x128xf32, #tpu.memory_space<hbm>>) target_semaphore(%run_scoped3A_68 : memref<!tpu.dma_semaphore, #tpu.memory_space<semaphore_mem>>)
      %dma_wait3A = arith.constant 0 : i32
      %dma_wait3A_83 = arith.constant 0 : i32
      %dma_wait3A_84 = tpu.memref_slice %arg8[%run_scoped3A_67, %dma_wait3A, %dma_wait3A_83] : memref<3x80x128xf32, #tpu.memory_space<vmem>> -> memref<1x65x128xf32, #tpu.memory_space<vmem>>
      %dma_wait3A_85 = tpu.memref_squeeze %dma_wait3A_84 : memref<1x65x128xf32, #tpu.memory_space<vmem>> -> memref<65x128xf32, #tpu.memory_space<vmem>>
      %dma_wait3A_86 = arith.constant 0 : i32
      %dma_wait3A_87 = tpu.memref_slice %arg5[%arg0, %add3A_65, %dma_wait3A_86] : memref<2x10000x128xf32, #tpu.memory_space<hbm>> -> memref<1x65x128xf32, #tpu.memory_space<hbm>>
      %dma_wait3A_88 = tpu.memref_squeeze %dma_wait3A_87 : memref<1x65x128xf32, #tpu.memory_space<hbm>> -> memref<65x128xf32, #tpu.memory_space<hbm>>
      %dma_wait3A_89 = arith.constant 0 : i32
      %dma_wait3A_90 = tpu.memref_slice %arg5[%arg0, %add3A_65, %dma_wait3A_89] : memref<2x10000x128xf32, #tpu.memory_space<hbm>> -> memref<1x65x128xf32, #tpu.memory_space<hbm>>
      %dma_wait3A_91 = tpu.memref_squeeze %dma_wait3A_90 : memref<1x65x128xf32, #tpu.memory_space<hbm>> -> memref<65x128xf32, #tpu.memory_space<hbm>>
      %dma_wait3A_92 = arith.constant 0 : i32
      %dma_wait3A_93 = arith.constant 0 : i32
      %dma_wait3A_94 = tpu.memref_slice %arg8[%run_scoped3A_67, %dma_wait3A_92, %dma_wait3A_93] : memref<3x80x128xf32, #tpu.memory_space<vmem>> -> memref<1x65x128xf32, #tpu.memory_space<vmem>>
      %dma_wait3A_95 = tpu.memref_squeeze %dma_wait3A_94 : memref<1x65x128xf32, #tpu.memory_space<vmem>> -> memref<65x128xf32, #tpu.memory_space<vmem>>
      tpu.wait_dma2 semaphore(%run_scoped3A_68 : memref<!tpu.dma_semaphore, #tpu.memory_space<semaphore_mem>>) src(%dma_wait3A_95 : memref<65x128xf32, #tpu.memory_space<vmem>>) dst(%dma_wait3A_91 : memref<65x128xf32, #tpu.memory_space<hbm>>)
      tpu.yield
    }) : () -> ()
    return
  }
}

#map = affine_map<(d0, d1) -> (0, 0, 0, 0)>
#map1 = affine_map<(d0, d1) -> (0, 0, 0)>
module attributes {stable_mosaic.version = 14 : i64} {
  func.func @_deg_body(%arg0: i32, %arg1: i32, %arg2: memref<2x16x125x80xi32, #tpu.memory_space<hbm>>, %arg3: memref<2x16x125x80xi32, #tpu.memory_space<hbm>>, %arg4: memref<2x640x16xf32, #tpu.memory_space<hbm>>, %arg5: memref<2x640x16xf32, #tpu.memory_space<hbm>>, %arg6: memref<125x80xi32, #tpu.memory_space<vmem>>, %arg7: memref<125x80xi32, #tpu.memory_space<vmem>>, %arg8: memref<640x16xf32, #tpu.memory_space<vmem>>, %arg9: memref<640x16xf32, #tpu.memory_space<vmem>>, %arg10: memref<5x128xi32, #tpu.memory_space<vmem>>, %arg11: memref<40x16xf32, #tpu.memory_space<vmem>>, %arg12: memref<640x16xf32, #tpu.memory_space<vmem_shared>>, %arg13: memref<640x16xf32, #tpu.memory_space<vmem_shared>>) attributes {dimension_semantics = [#tpu.dimension_semantics<core_parallel>, #tpu.dimension_semantics<subcore_parallel>], iteration_bounds = array<i64: 2, 16>, scalar_prefetch = 0 : i64, scratch_operands = 8 : i64, tpu.core_type = #tpu.core_type<sc_vector_subcore>, window_params = [{transform_indices = #map}, {transform_indices = #map}, {transform_indices = #map1}, {transform_indices = #map1}]} {
    %broadcast_in_dim3A = arith.constant 0.000000e+00 : f32
    %broadcast_in_dim3A_0 = vector.broadcast %broadcast_in_dim3A : f32 to vector<16xf32>
    %broadcast_in_dim3A_1 = arith.constant 1.000000e+00 : f32
    %broadcast_in_dim3A_2 = vector.broadcast %broadcast_in_dim3A_1 : f32 to vector<16xf32>
    %iota3A = tpu.iota {dimensions = array<i32: 0>} : vector<16xi32>
    %scan3A = arith.constant 0 : i32
    %scan3A_3 = arith.constant 0 : i32
    %scan3A_4 = arith.constant 640 : i32
    %scan3A_5 = arith.addi %scan3A_3, %scan3A_4 : i32
    %scan3A_6 = arith.constant 1 : i32
    scf.for %scan3A_311 = %scan3A_3 to %scan3A_5 step %scan3A_6  : i32 {
      %swap3A_312 = arith.index_cast %scan3A_311 : i32 to index
      %swap3A_313 = arith.constant 0 : index
      %swap3A_314 = tpu.vector_load %arg8[%swap3A_312, %swap3A_313] {strides = array<i32>} : memref<640x16xf32, #tpu.memory_space<vmem>>, vector<16xf32>,
      tpu.vector_store %arg8[%swap3A_312, %swap3A_313], %broadcast_in_dim3A_0 {strides = array<i32>} : memref<640x16xf32, #tpu.memory_space<vmem>>, vector<16xf32>,
      %swap3A_315 = arith.index_cast %scan3A_311 : i32 to index
      %swap3A_316 = arith.constant 0 : index
      %swap3A_317 = tpu.vector_load %arg9[%swap3A_315, %swap3A_316] {strides = array<i32>} : memref<640x16xf32, #tpu.memory_space<vmem>>, vector<16xf32>,
      tpu.vector_store %arg9[%swap3A_315, %swap3A_316], %broadcast_in_dim3A_0 {strides = array<i32>} : memref<640x16xf32, #tpu.memory_space<vmem>>, vector<16xf32>,
    }
    %scan3A_7 = arith.constant 640 : i32
    %add3A = arith.constant 0 : i32
    %add3A_8 = vector.broadcast %add3A : i32 to vector<16xi32>
    %add3A_9 = arith.addi %iota3A, %add3A_8 : vector<16xi32>
    %swap3A = arith.constant 0 : i32
    %swap3A_10 = arith.index_cast %swap3A : i32 to index
    %swap3A_11 = arith.constant 0 : index
    %swap3A_12 = tpu.vector_load %arg10[%swap3A_10, %swap3A_11] {strides = array<i32>} : memref<5x128xi32, #tpu.memory_space<vmem>>, vector<16xi32>,
    tpu.vector_store %arg10[%swap3A_10, %swap3A_11], %add3A_9 {strides = array<i32>} : memref<5x128xi32, #tpu.memory_space<vmem>>, vector<16xi32>,
    %add3A_13 = arith.constant 16 : i32
    %add3A_14 = vector.broadcast %add3A_13 : i32 to vector<16xi32>
    %add3A_15 = arith.addi %iota3A, %add3A_14 : vector<16xi32>
    %swap3A_16 = arith.constant 0 : i32
    %swap3A_17 = arith.index_cast %swap3A_16 : i32 to index
    %swap3A_18 = arith.constant 16 : index
    %swap3A_19 = tpu.vector_load %arg10[%swap3A_17, %swap3A_18] {strides = array<i32>} : memref<5x128xi32, #tpu.memory_space<vmem>>, vector<16xi32>,
    tpu.vector_store %arg10[%swap3A_17, %swap3A_18], %add3A_15 {strides = array<i32>} : memref<5x128xi32, #tpu.memory_space<vmem>>, vector<16xi32>,
    %add3A_20 = arith.constant 32 : i32
    %add3A_21 = vector.broadcast %add3A_20 : i32 to vector<16xi32>
    %add3A_22 = arith.addi %iota3A, %add3A_21 : vector<16xi32>
    %swap3A_23 = arith.constant 0 : i32
    %swap3A_24 = arith.index_cast %swap3A_23 : i32 to index
    %swap3A_25 = arith.constant 32 : index
    %swap3A_26 = tpu.vector_load %arg10[%swap3A_24, %swap3A_25] {strides = array<i32>} : memref<5x128xi32, #tpu.memory_space<vmem>>, vector<16xi32>,
    tpu.vector_store %arg10[%swap3A_24, %swap3A_25], %add3A_22 {strides = array<i32>} : memref<5x128xi32, #tpu.memory_space<vmem>>, vector<16xi32>,
    %add3A_27 = arith.constant 48 : i32
    %add3A_28 = vector.broadcast %add3A_27 : i32 to vector<16xi32>
    %add3A_29 = arith.addi %iota3A, %add3A_28 : vector<16xi32>
    %swap3A_30 = arith.constant 0 : i32
    %swap3A_31 = arith.index_cast %swap3A_30 : i32 to index
    %swap3A_32 = arith.constant 48 : index
    %swap3A_33 = tpu.vector_load %arg10[%swap3A_31, %swap3A_32] {strides = array<i32>} : memref<5x128xi32, #tpu.memory_space<vmem>>, vector<16xi32>,
    tpu.vector_store %arg10[%swap3A_31, %swap3A_32], %add3A_29 {strides = array<i32>} : memref<5x128xi32, #tpu.memory_space<vmem>>, vector<16xi32>,
    %add3A_34 = arith.constant 64 : i32
    %add3A_35 = vector.broadcast %add3A_34 : i32 to vector<16xi32>
    %add3A_36 = arith.addi %iota3A, %add3A_35 : vector<16xi32>
    %swap3A_37 = arith.constant 0 : i32
    %swap3A_38 = arith.index_cast %swap3A_37 : i32 to index
    %swap3A_39 = arith.constant 64 : index
    %swap3A_40 = tpu.vector_load %arg10[%swap3A_38, %swap3A_39] {strides = array<i32>} : memref<5x128xi32, #tpu.memory_space<vmem>>, vector<16xi32>,
    tpu.vector_store %arg10[%swap3A_38, %swap3A_39], %add3A_36 {strides = array<i32>} : memref<5x128xi32, #tpu.memory_space<vmem>>, vector<16xi32>,
    %add3A_41 = arith.constant 80 : i32
    %add3A_42 = vector.broadcast %add3A_41 : i32 to vector<16xi32>
    %add3A_43 = arith.addi %iota3A, %add3A_42 : vector<16xi32>
    %swap3A_44 = arith.constant 0 : i32
    %swap3A_45 = arith.index_cast %swap3A_44 : i32 to index
    %swap3A_46 = arith.constant 80 : index
    %swap3A_47 = tpu.vector_load %arg10[%swap3A_45, %swap3A_46] {strides = array<i32>} : memref<5x128xi32, #tpu.memory_space<vmem>>, vector<16xi32>,
    tpu.vector_store %arg10[%swap3A_45, %swap3A_46], %add3A_43 {strides = array<i32>} : memref<5x128xi32, #tpu.memory_space<vmem>>, vector<16xi32>,
    %add3A_48 = arith.constant 96 : i32
    %add3A_49 = vector.broadcast %add3A_48 : i32 to vector<16xi32>
    %add3A_50 = arith.addi %iota3A, %add3A_49 : vector<16xi32>
    %swap3A_51 = arith.constant 0 : i32
    %swap3A_52 = arith.index_cast %swap3A_51 : i32 to index
    %swap3A_53 = arith.constant 96 : index
    %swap3A_54 = tpu.vector_load %arg10[%swap3A_52, %swap3A_53] {strides = array<i32>} : memref<5x128xi32, #tpu.memory_space<vmem>>, vector<16xi32>,
    tpu.vector_store %arg10[%swap3A_52, %swap3A_53], %add3A_50 {strides = array<i32>} : memref<5x128xi32, #tpu.memory_space<vmem>>, vector<16xi32>,
    %add3A_55 = arith.constant 112 : i32
    %add3A_56 = vector.broadcast %add3A_55 : i32 to vector<16xi32>
    %add3A_57 = arith.addi %iota3A, %add3A_56 : vector<16xi32>
    %swap3A_58 = arith.constant 0 : i32
    %swap3A_59 = arith.index_cast %swap3A_58 : i32 to index
    %swap3A_60 = arith.constant 112 : index
    %swap3A_61 = tpu.vector_load %arg10[%swap3A_59, %swap3A_60] {strides = array<i32>} : memref<5x128xi32, #tpu.memory_space<vmem>>, vector<16xi32>,
    tpu.vector_store %arg10[%swap3A_59, %swap3A_60], %add3A_57 {strides = array<i32>} : memref<5x128xi32, #tpu.memory_space<vmem>>, vector<16xi32>,
    %add3A_62 = arith.constant 128 : i32
    %add3A_63 = vector.broadcast %add3A_62 : i32 to vector<16xi32>
    %add3A_64 = arith.addi %iota3A, %add3A_63 : vector<16xi32>
    %swap3A_65 = arith.constant 1 : i32
    %swap3A_66 = arith.index_cast %swap3A_65 : i32 to index
    %swap3A_67 = arith.constant 0 : index
    %swap3A_68 = tpu.vector_load %arg10[%swap3A_66, %swap3A_67] {strides = array<i32>} : memref<5x128xi32, #tpu.memory_space<vmem>>, vector<16xi32>,
    tpu.vector_store %arg10[%swap3A_66, %swap3A_67], %add3A_64 {strides = array<i32>} : memref<5x128xi32, #tpu.memory_space<vmem>>, vector<16xi32>,
    %add3A_69 = arith.constant 144 : i32
    %add3A_70 = vector.broadcast %add3A_69 : i32 to vector<16xi32>
    %add3A_71 = arith.addi %iota3A, %add3A_70 : vector<16xi32>
    %swap3A_72 = arith.constant 1 : i32
    %swap3A_73 = arith.index_cast %swap3A_72 : i32 to index
    %swap3A_74 = arith.constant 16 : index
    %swap3A_75 = tpu.vector_load %arg10[%swap3A_73, %swap3A_74] {strides = array<i32>} : memref<5x128xi32, #tpu.memory_space<vmem>>, vector<16xi32>,
    tpu.vector_store %arg10[%swap3A_73, %swap3A_74], %add3A_71 {strides = array<i32>} : memref<5x128xi32, #tpu.memory_space<vmem>>, vector<16xi32>,
    %add3A_76 = arith.constant 160 : i32
    %add3A_77 = vector.broadcast %add3A_76 : i32 to vector<16xi32>
    %add3A_78 = arith.addi %iota3A, %add3A_77 : vector<16xi32>
    %swap3A_79 = arith.constant 1 : i32
    %swap3A_80 = arith.index_cast %swap3A_79 : i32 to index
    %swap3A_81 = arith.constant 32 : index
    %swap3A_82 = tpu.vector_load %arg10[%swap3A_80, %swap3A_81] {strides = array<i32>} : memref<5x128xi32, #tpu.memory_space<vmem>>, vector<16xi32>,
    tpu.vector_store %arg10[%swap3A_80, %swap3A_81], %add3A_78 {strides = array<i32>} : memref<5x128xi32, #tpu.memory_space<vmem>>, vector<16xi32>,
    %add3A_83 = arith.constant 176 : i32
    %add3A_84 = vector.broadcast %add3A_83 : i32 to vector<16xi32>
    %add3A_85 = arith.addi %iota3A, %add3A_84 : vector<16xi32>
    %swap3A_86 = arith.constant 1 : i32
    %swap3A_87 = arith.index_cast %swap3A_86 : i32 to index
    %swap3A_88 = arith.constant 48 : index
    %swap3A_89 = tpu.vector_load %arg10[%swap3A_87, %swap3A_88] {strides = array<i32>} : memref<5x128xi32, #tpu.memory_space<vmem>>, vector<16xi32>,
    tpu.vector_store %arg10[%swap3A_87, %swap3A_88], %add3A_85 {strides = array<i32>} : memref<5x128xi32, #tpu.memory_space<vmem>>, vector<16xi32>,
    %add3A_90 = arith.constant 192 : i32
    %add3A_91 = vector.broadcast %add3A_90 : i32 to vector<16xi32>
    %add3A_92 = arith.addi %iota3A, %add3A_91 : vector<16xi32>
    %swap3A_93 = arith.constant 1 : i32
    %swap3A_94 = arith.index_cast %swap3A_93 : i32 to index
    %swap3A_95 = arith.constant 64 : index
    %swap3A_96 = tpu.vector_load %arg10[%swap3A_94, %swap3A_95] {strides = array<i32>} : memref<5x128xi32, #tpu.memory_space<vmem>>, vector<16xi32>,
    tpu.vector_store %arg10[%swap3A_94, %swap3A_95], %add3A_92 {strides = array<i32>} : memref<5x128xi32, #tpu.memory_space<vmem>>, vector<16xi32>,
    %add3A_97 = arith.constant 208 : i32
    %add3A_98 = vector.broadcast %add3A_97 : i32 to vector<16xi32>
    %add3A_99 = arith.addi %iota3A, %add3A_98 : vector<16xi32>
    %swap3A_100 = arith.constant 1 : i32
    %swap3A_101 = arith.index_cast %swap3A_100 : i32 to index
    %swap3A_102 = arith.constant 80 : index
    %swap3A_103 = tpu.vector_load %arg10[%swap3A_101, %swap3A_102] {strides = array<i32>} : memref<5x128xi32, #tpu.memory_space<vmem>>, vector<16xi32>,
    tpu.vector_store %arg10[%swap3A_101, %swap3A_102], %add3A_99 {strides = array<i32>} : memref<5x128xi32, #tpu.memory_space<vmem>>, vector<16xi32>,
    %add3A_104 = arith.constant 224 : i32
    %add3A_105 = vector.broadcast %add3A_104 : i32 to vector<16xi32>
    %add3A_106 = arith.addi %iota3A, %add3A_105 : vector<16xi32>
    %swap3A_107 = arith.constant 1 : i32
    %swap3A_108 = arith.index_cast %swap3A_107 : i32 to index
    %swap3A_109 = arith.constant 96 : index
    %swap3A_110 = tpu.vector_load %arg10[%swap3A_108, %swap3A_109] {strides = array<i32>} : memref<5x128xi32, #tpu.memory_space<vmem>>, vector<16xi32>,
    tpu.vector_store %arg10[%swap3A_108, %swap3A_109], %add3A_106 {strides = array<i32>} : memref<5x128xi32, #tpu.memory_space<vmem>>, vector<16xi32>,
    %add3A_111 = arith.constant 240 : i32
    %add3A_112 = vector.broadcast %add3A_111 : i32 to vector<16xi32>
    %add3A_113 = arith.addi %iota3A, %add3A_112 : vector<16xi32>
    %swap3A_114 = arith.constant 1 : i32
    %swap3A_115 = arith.index_cast %swap3A_114 : i32 to index
    %swap3A_116 = arith.constant 112 : index
    %swap3A_117 = tpu.vector_load %arg10[%swap3A_115, %swap3A_116] {strides = array<i32>} : memref<5x128xi32, #tpu.memory_space<vmem>>, vector<16xi32>,
    tpu.vector_store %arg10[%swap3A_115, %swap3A_116], %add3A_113 {strides = array<i32>} : memref<5x128xi32, #tpu.memory_space<vmem>>, vector<16xi32>,
    %add3A_118 = arith.constant 256 : i32
    %add3A_119 = vector.broadcast %add3A_118 : i32 to vector<16xi32>
    %add3A_120 = arith.addi %iota3A, %add3A_119 : vector<16xi32>
    %swap3A_121 = arith.constant 2 : i32
    %swap3A_122 = arith.index_cast %swap3A_121 : i32 to index
    %swap3A_123 = arith.constant 0 : index
    %swap3A_124 = tpu.vector_load %arg10[%swap3A_122, %swap3A_123] {strides = array<i32>} : memref<5x128xi32, #tpu.memory_space<vmem>>, vector<16xi32>,
    tpu.vector_store %arg10[%swap3A_122, %swap3A_123], %add3A_120 {strides = array<i32>} : memref<5x128xi32, #tpu.memory_space<vmem>>, vector<16xi32>,
    %add3A_125 = arith.constant 272 : i32
    %add3A_126 = vector.broadcast %add3A_125 : i32 to vector<16xi32>
    %add3A_127 = arith.addi %iota3A, %add3A_126 : vector<16xi32>
    %swap3A_128 = arith.constant 2 : i32
    %swap3A_129 = arith.index_cast %swap3A_128 : i32 to index
    %swap3A_130 = arith.constant 16 : index
    %swap3A_131 = tpu.vector_load %arg10[%swap3A_129, %swap3A_130] {strides = array<i32>} : memref<5x128xi32, #tpu.memory_space<vmem>>, vector<16xi32>,
    tpu.vector_store %arg10[%swap3A_129, %swap3A_130], %add3A_127 {strides = array<i32>} : memref<5x128xi32, #tpu.memory_space<vmem>>, vector<16xi32>,
    %add3A_132 = arith.constant 288 : i32
    %add3A_133 = vector.broadcast %add3A_132 : i32 to vector<16xi32>
    %add3A_134 = arith.addi %iota3A, %add3A_133 : vector<16xi32>
    %swap3A_135 = arith.constant 2 : i32
    %swap3A_136 = arith.index_cast %swap3A_135 : i32 to index
    %swap3A_137 = arith.constant 32 : index
    %swap3A_138 = tpu.vector_load %arg10[%swap3A_136, %swap3A_137] {strides = array<i32>} : memref<5x128xi32, #tpu.memory_space<vmem>>, vector<16xi32>,
    tpu.vector_store %arg10[%swap3A_136, %swap3A_137], %add3A_134 {strides = array<i32>} : memref<5x128xi32, #tpu.memory_space<vmem>>, vector<16xi32>,
    %add3A_139 = arith.constant 304 : i32
    %add3A_140 = vector.broadcast %add3A_139 : i32 to vector<16xi32>
    %add3A_141 = arith.addi %iota3A, %add3A_140 : vector<16xi32>
    %swap3A_142 = arith.constant 2 : i32
    %swap3A_143 = arith.index_cast %swap3A_142 : i32 to index
    %swap3A_144 = arith.constant 48 : index
    %swap3A_145 = tpu.vector_load %arg10[%swap3A_143, %swap3A_144] {strides = array<i32>} : memref<5x128xi32, #tpu.memory_space<vmem>>, vector<16xi32>,
    tpu.vector_store %arg10[%swap3A_143, %swap3A_144], %add3A_141 {strides = array<i32>} : memref<5x128xi32, #tpu.memory_space<vmem>>, vector<16xi32>,
    %add3A_146 = arith.constant 320 : i32
    %add3A_147 = vector.broadcast %add3A_146 : i32 to vector<16xi32>
    %add3A_148 = arith.addi %iota3A, %add3A_147 : vector<16xi32>
    %swap3A_149 = arith.constant 2 : i32
    %swap3A_150 = arith.index_cast %swap3A_149 : i32 to index
    %swap3A_151 = arith.constant 64 : index
    %swap3A_152 = tpu.vector_load %arg10[%swap3A_150, %swap3A_151] {strides = array<i32>} : memref<5x128xi32, #tpu.memory_space<vmem>>, vector<16xi32>,
    tpu.vector_store %arg10[%swap3A_150, %swap3A_151], %add3A_148 {strides = array<i32>} : memref<5x128xi32, #tpu.memory_space<vmem>>, vector<16xi32>,
    %add3A_153 = arith.constant 336 : i32
    %add3A_154 = vector.broadcast %add3A_153 : i32 to vector<16xi32>
    %add3A_155 = arith.addi %iota3A, %add3A_154 : vector<16xi32>
    %swap3A_156 = arith.constant 2 : i32
    %swap3A_157 = arith.index_cast %swap3A_156 : i32 to index
    %swap3A_158 = arith.constant 80 : index
    %swap3A_159 = tpu.vector_load %arg10[%swap3A_157, %swap3A_158] {strides = array<i32>} : memref<5x128xi32, #tpu.memory_space<vmem>>, vector<16xi32>,
    tpu.vector_store %arg10[%swap3A_157, %swap3A_158], %add3A_155 {strides = array<i32>} : memref<5x128xi32, #tpu.memory_space<vmem>>, vector<16xi32>,
    %add3A_160 = arith.constant 352 : i32
    %add3A_161 = vector.broadcast %add3A_160 : i32 to vector<16xi32>
    %add3A_162 = arith.addi %iota3A, %add3A_161 : vector<16xi32>
    %swap3A_163 = arith.constant 2 : i32
    %swap3A_164 = arith.index_cast %swap3A_163 : i32 to index
    %swap3A_165 = arith.constant 96 : index
    %swap3A_166 = tpu.vector_load %arg10[%swap3A_164, %swap3A_165] {strides = array<i32>} : memref<5x128xi32, #tpu.memory_space<vmem>>, vector<16xi32>,
    tpu.vector_store %arg10[%swap3A_164, %swap3A_165], %add3A_162 {strides = array<i32>} : memref<5x128xi32, #tpu.memory_space<vmem>>, vector<16xi32>,
    %add3A_167 = arith.constant 368 : i32
    %add3A_168 = vector.broadcast %add3A_167 : i32 to vector<16xi32>
    %add3A_169 = arith.addi %iota3A, %add3A_168 : vector<16xi32>
    %swap3A_170 = arith.constant 2 : i32
    %swap3A_171 = arith.index_cast %swap3A_170 : i32 to index
    %swap3A_172 = arith.constant 112 : index
    %swap3A_173 = tpu.vector_load %arg10[%swap3A_171, %swap3A_172] {strides = array<i32>} : memref<5x128xi32, #tpu.memory_space<vmem>>, vector<16xi32>,
    tpu.vector_store %arg10[%swap3A_171, %swap3A_172], %add3A_169 {strides = array<i32>} : memref<5x128xi32, #tpu.memory_space<vmem>>, vector<16xi32>,
    %add3A_174 = arith.constant 384 : i32
    %add3A_175 = vector.broadcast %add3A_174 : i32 to vector<16xi32>
    %add3A_176 = arith.addi %iota3A, %add3A_175 : vector<16xi32>
    %swap3A_177 = arith.constant 3 : i32
    %swap3A_178 = arith.index_cast %swap3A_177 : i32 to index
    %swap3A_179 = arith.constant 0 : index
    %swap3A_180 = tpu.vector_load %arg10[%swap3A_178, %swap3A_179] {strides = array<i32>} : memref<5x128xi32, #tpu.memory_space<vmem>>, vector<16xi32>,
    tpu.vector_store %arg10[%swap3A_178, %swap3A_179], %add3A_176 {strides = array<i32>} : memref<5x128xi32, #tpu.memory_space<vmem>>, vector<16xi32>,
    %add3A_181 = arith.constant 400 : i32
    %add3A_182 = vector.broadcast %add3A_181 : i32 to vector<16xi32>
    %add3A_183 = arith.addi %iota3A, %add3A_182 : vector<16xi32>
    %swap3A_184 = arith.constant 3 : i32
    %swap3A_185 = arith.index_cast %swap3A_184 : i32 to index
    %swap3A_186 = arith.constant 16 : index
    %swap3A_187 = tpu.vector_load %arg10[%swap3A_185, %swap3A_186] {strides = array<i32>} : memref<5x128xi32, #tpu.memory_space<vmem>>, vector<16xi32>,
    tpu.vector_store %arg10[%swap3A_185, %swap3A_186], %add3A_183 {strides = array<i32>} : memref<5x128xi32, #tpu.memory_space<vmem>>, vector<16xi32>,
    %add3A_188 = arith.constant 416 : i32
    %add3A_189 = vector.broadcast %add3A_188 : i32 to vector<16xi32>
    %add3A_190 = arith.addi %iota3A, %add3A_189 : vector<16xi32>
    %swap3A_191 = arith.constant 3 : i32
    %swap3A_192 = arith.index_cast %swap3A_191 : i32 to index
    %swap3A_193 = arith.constant 32 : index
    %swap3A_194 = tpu.vector_load %arg10[%swap3A_192, %swap3A_193] {strides = array<i32>} : memref<5x128xi32, #tpu.memory_space<vmem>>, vector<16xi32>,
    tpu.vector_store %arg10[%swap3A_192, %swap3A_193], %add3A_190 {strides = array<i32>} : memref<5x128xi32, #tpu.memory_space<vmem>>, vector<16xi32>,
    %add3A_195 = arith.constant 432 : i32
    %add3A_196 = vector.broadcast %add3A_195 : i32 to vector<16xi32>
    %add3A_197 = arith.addi %iota3A, %add3A_196 : vector<16xi32>
    %swap3A_198 = arith.constant 3 : i32
    %swap3A_199 = arith.index_cast %swap3A_198 : i32 to index
    %swap3A_200 = arith.constant 48 : index
    %swap3A_201 = tpu.vector_load %arg10[%swap3A_199, %swap3A_200] {strides = array<i32>} : memref<5x128xi32, #tpu.memory_space<vmem>>, vector<16xi32>,
    tpu.vector_store %arg10[%swap3A_199, %swap3A_200], %add3A_197 {strides = array<i32>} : memref<5x128xi32, #tpu.memory_space<vmem>>, vector<16xi32>,
    %add3A_202 = arith.constant 448 : i32
    %add3A_203 = vector.broadcast %add3A_202 : i32 to vector<16xi32>
    %add3A_204 = arith.addi %iota3A, %add3A_203 : vector<16xi32>
    %swap3A_205 = arith.constant 3 : i32
    %swap3A_206 = arith.index_cast %swap3A_205 : i32 to index
    %swap3A_207 = arith.constant 64 : index
    %swap3A_208 = tpu.vector_load %arg10[%swap3A_206, %swap3A_207] {strides = array<i32>} : memref<5x128xi32, #tpu.memory_space<vmem>>, vector<16xi32>,
    tpu.vector_store %arg10[%swap3A_206, %swap3A_207], %add3A_204 {strides = array<i32>} : memref<5x128xi32, #tpu.memory_space<vmem>>, vector<16xi32>,
    %add3A_209 = arith.constant 464 : i32
    %add3A_210 = vector.broadcast %add3A_209 : i32 to vector<16xi32>
    %add3A_211 = arith.addi %iota3A, %add3A_210 : vector<16xi32>
    %swap3A_212 = arith.constant 3 : i32
    %swap3A_213 = arith.index_cast %swap3A_212 : i32 to index
    %swap3A_214 = arith.constant 80 : index
    %swap3A_215 = tpu.vector_load %arg10[%swap3A_213, %swap3A_214] {strides = array<i32>} : memref<5x128xi32, #tpu.memory_space<vmem>>, vector<16xi32>,
    tpu.vector_store %arg10[%swap3A_213, %swap3A_214], %add3A_211 {strides = array<i32>} : memref<5x128xi32, #tpu.memory_space<vmem>>, vector<16xi32>,
    %add3A_216 = arith.constant 480 : i32
    %add3A_217 = vector.broadcast %add3A_216 : i32 to vector<16xi32>
    %add3A_218 = arith.addi %iota3A, %add3A_217 : vector<16xi32>
    %swap3A_219 = arith.constant 3 : i32
    %swap3A_220 = arith.index_cast %swap3A_219 : i32 to index
    %swap3A_221 = arith.constant 96 : index
    %swap3A_222 = tpu.vector_load %arg10[%swap3A_220, %swap3A_221] {strides = array<i32>} : memref<5x128xi32, #tpu.memory_space<vmem>>, vector<16xi32>,
    tpu.vector_store %arg10[%swap3A_220, %swap3A_221], %add3A_218 {strides = array<i32>} : memref<5x128xi32, #tpu.memory_space<vmem>>, vector<16xi32>,
    %add3A_223 = arith.constant 496 : i32
    %add3A_224 = vector.broadcast %add3A_223 : i32 to vector<16xi32>
    %add3A_225 = arith.addi %iota3A, %add3A_224 : vector<16xi32>
    %swap3A_226 = arith.constant 3 : i32
    %swap3A_227 = arith.index_cast %swap3A_226 : i32 to index
    %swap3A_228 = arith.constant 112 : index
    %swap3A_229 = tpu.vector_load %arg10[%swap3A_227, %swap3A_228] {strides = array<i32>} : memref<5x128xi32, #tpu.memory_space<vmem>>, vector<16xi32>,
    tpu.vector_store %arg10[%swap3A_227, %swap3A_228], %add3A_225 {strides = array<i32>} : memref<5x128xi32, #tpu.memory_space<vmem>>, vector<16xi32>,
    %add3A_230 = arith.constant 512 : i32
    %add3A_231 = vector.broadcast %add3A_230 : i32 to vector<16xi32>
    %add3A_232 = arith.addi %iota3A, %add3A_231 : vector<16xi32>
    %swap3A_233 = arith.constant 4 : i32
    %swap3A_234 = arith.index_cast %swap3A_233 : i32 to index
    %swap3A_235 = arith.constant 0 : index
    %swap3A_236 = tpu.vector_load %arg10[%swap3A_234, %swap3A_235] {strides = array<i32>} : memref<5x128xi32, #tpu.memory_space<vmem>>, vector<16xi32>,
    tpu.vector_store %arg10[%swap3A_234, %swap3A_235], %add3A_232 {strides = array<i32>} : memref<5x128xi32, #tpu.memory_space<vmem>>, vector<16xi32>,
    %add3A_237 = arith.constant 528 : i32
    %add3A_238 = vector.broadcast %add3A_237 : i32 to vector<16xi32>
    %add3A_239 = arith.addi %iota3A, %add3A_238 : vector<16xi32>
    %swap3A_240 = arith.constant 4 : i32
    %swap3A_241 = arith.index_cast %swap3A_240 : i32 to index
    %swap3A_242 = arith.constant 16 : index
    %swap3A_243 = tpu.vector_load %arg10[%swap3A_241, %swap3A_242] {strides = array<i32>} : memref<5x128xi32, #tpu.memory_space<vmem>>, vector<16xi32>,
    tpu.vector_store %arg10[%swap3A_241, %swap3A_242], %add3A_239 {strides = array<i32>} : memref<5x128xi32, #tpu.memory_space<vmem>>, vector<16xi32>,
    %add3A_244 = arith.constant 544 : i32
    %add3A_245 = vector.broadcast %add3A_244 : i32 to vector<16xi32>
    %add3A_246 = arith.addi %iota3A, %add3A_245 : vector<16xi32>
    %swap3A_247 = arith.constant 4 : i32
    %swap3A_248 = arith.index_cast %swap3A_247 : i32 to index
    %swap3A_249 = arith.constant 32 : index
    %swap3A_250 = tpu.vector_load %arg10[%swap3A_248, %swap3A_249] {strides = array<i32>} : memref<5x128xi32, #tpu.memory_space<vmem>>, vector<16xi32>,
    tpu.vector_store %arg10[%swap3A_248, %swap3A_249], %add3A_246 {strides = array<i32>} : memref<5x128xi32, #tpu.memory_space<vmem>>, vector<16xi32>,
    %add3A_251 = arith.constant 560 : i32
    %add3A_252 = vector.broadcast %add3A_251 : i32 to vector<16xi32>
    %add3A_253 = arith.addi %iota3A, %add3A_252 : vector<16xi32>
    %swap3A_254 = arith.constant 4 : i32
    %swap3A_255 = arith.index_cast %swap3A_254 : i32 to index
    %swap3A_256 = arith.constant 48 : index
    %swap3A_257 = tpu.vector_load %arg10[%swap3A_255, %swap3A_256] {strides = array<i32>} : memref<5x128xi32, #tpu.memory_space<vmem>>, vector<16xi32>,
    tpu.vector_store %arg10[%swap3A_255, %swap3A_256], %add3A_253 {strides = array<i32>} : memref<5x128xi32, #tpu.memory_space<vmem>>, vector<16xi32>,
    %add3A_258 = arith.constant 576 : i32
    %add3A_259 = vector.broadcast %add3A_258 : i32 to vector<16xi32>
    %add3A_260 = arith.addi %iota3A, %add3A_259 : vector<16xi32>
    %swap3A_261 = arith.constant 4 : i32
    %swap3A_262 = arith.index_cast %swap3A_261 : i32 to index
    %swap3A_263 = arith.constant 64 : index
    %swap3A_264 = tpu.vector_load %arg10[%swap3A_262, %swap3A_263] {strides = array<i32>} : memref<5x128xi32, #tpu.memory_space<vmem>>, vector<16xi32>,
    tpu.vector_store %arg10[%swap3A_262, %swap3A_263], %add3A_260 {strides = array<i32>} : memref<5x128xi32, #tpu.memory_space<vmem>>, vector<16xi32>,
    %add3A_265 = arith.constant 592 : i32
    %add3A_266 = vector.broadcast %add3A_265 : i32 to vector<16xi32>
    %add3A_267 = arith.addi %iota3A, %add3A_266 : vector<16xi32>
    %swap3A_268 = arith.constant 4 : i32
    %swap3A_269 = arith.index_cast %swap3A_268 : i32 to index
    %swap3A_270 = arith.constant 80 : index
    %swap3A_271 = tpu.vector_load %arg10[%swap3A_269, %swap3A_270] {strides = array<i32>} : memref<5x128xi32, #tpu.memory_space<vmem>>, vector<16xi32>,
    tpu.vector_store %arg10[%swap3A_269, %swap3A_270], %add3A_267 {strides = array<i32>} : memref<5x128xi32, #tpu.memory_space<vmem>>, vector<16xi32>,
    %add3A_272 = arith.constant 608 : i32
    %add3A_273 = vector.broadcast %add3A_272 : i32 to vector<16xi32>
    %add3A_274 = arith.addi %iota3A, %add3A_273 : vector<16xi32>
    %swap3A_275 = arith.constant 4 : i32
    %swap3A_276 = arith.index_cast %swap3A_275 : i32 to index
    %swap3A_277 = arith.constant 96 : index
    %swap3A_278 = tpu.vector_load %arg10[%swap3A_276, %swap3A_277] {strides = array<i32>} : memref<5x128xi32, #tpu.memory_space<vmem>>, vector<16xi32>,
    tpu.vector_store %arg10[%swap3A_276, %swap3A_277], %add3A_274 {strides = array<i32>} : memref<5x128xi32, #tpu.memory_space<vmem>>, vector<16xi32>,
    %add3A_279 = arith.constant 624 : i32
    %add3A_280 = vector.broadcast %add3A_279 : i32 to vector<16xi32>
    %add3A_281 = arith.addi %iota3A, %add3A_280 : vector<16xi32>
    %swap3A_282 = arith.constant 4 : i32
    %swap3A_283 = arith.index_cast %swap3A_282 : i32 to index
    %swap3A_284 = arith.constant 112 : index
    %swap3A_285 = tpu.vector_load %arg10[%swap3A_283, %swap3A_284] {strides = array<i32>} : memref<5x128xi32, #tpu.memory_space<vmem>>, vector<16xi32>,
    tpu.vector_store %arg10[%swap3A_283, %swap3A_284], %add3A_281 {strides = array<i32>} : memref<5x128xi32, #tpu.memory_space<vmem>>, vector<16xi32>,
    %eq3A = arith.constant 0 : i32
    %eq3A_286 = arith.cmpi eq, %arg1, %eq3A : i32
    %convert_element_type3A = arith.extui %eq3A_286 : i1 to i32
    %cond3A = arith.constant 0 : i32
    %cond3A_287 = arith.cmpi ne, %convert_element_type3A, %cond3A : i32
    scf.if %cond3A_287 {
      "tpu.region"() ({
        %run_scoped3A_311 = tpu.sem_alloc : memref<!tpu.dma_semaphore, #tpu.memory_space<semaphore_mem>>
        tpu.enqueue_dma source(%arg8 : memref<640x16xf32, #tpu.memory_space<vmem>>) target(%arg12 : memref<640x16xf32, #tpu.memory_space<vmem_shared>>) target_semaphore(%run_scoped3A_311 : memref<!tpu.dma_semaphore, #tpu.memory_space<semaphore_mem>>)
        tpu.wait_dma2 semaphore(%run_scoped3A_311 : memref<!tpu.dma_semaphore, #tpu.memory_space<semaphore_mem>>) src(%arg8 : memref<640x16xf32, #tpu.memory_space<vmem>>) dst(%arg12 : memref<640x16xf32, #tpu.memory_space<vmem_shared>>)
        tpu.yield
      }) : () -> ()
      "tpu.region"() ({
        %run_scoped3A_311 = tpu.sem_alloc : memref<!tpu.dma_semaphore, #tpu.memory_space<semaphore_mem>>
        tpu.enqueue_dma source(%arg9 : memref<640x16xf32, #tpu.memory_space<vmem>>) target(%arg13 : memref<640x16xf32, #tpu.memory_space<vmem_shared>>) target_semaphore(%run_scoped3A_311 : memref<!tpu.dma_semaphore, #tpu.memory_space<semaphore_mem>>)
        tpu.wait_dma2 semaphore(%run_scoped3A_311 : memref<!tpu.dma_semaphore, #tpu.memory_space<semaphore_mem>>) src(%arg9 : memref<640x16xf32, #tpu.memory_space<vmem>>) dst(%arg13 : memref<640x16xf32, #tpu.memory_space<vmem_shared>>)
        tpu.yield
      }) : () -> ()
    } else {
    }
    %barrier3A = arith.constant 0 : index
    tpu.barrier barrier_id(%barrier3A)
    "tpu.region"() ({
      %run_scoped3A_311 = tpu.sem_alloc : memref<!tpu.dma_semaphore, #tpu.memory_space<semaphore_mem>>
      %dma_start3A = arith.constant 0 : i32
      %dma_start3A_312 = arith.constant 0 : i32
      %dma_start3A_313 = tpu.memref_slice %arg2[%arg0, %arg1, %dma_start3A, %dma_start3A_312] : memref<2x16x125x80xi32, #tpu.memory_space<hbm>> -> memref<1x1x125x80xi32, #tpu.memory_space<hbm>>
      %dma_start3A_314 = tpu.memref_squeeze %dma_start3A_313 : memref<1x1x125x80xi32, #tpu.memory_space<hbm>> -> memref<125x80xi32, #tpu.memory_space<hbm>>
      %dma_start3A_315 = arith.constant 0 : i32
      %dma_start3A_316 = arith.constant 0 : i32
      %dma_start3A_317 = tpu.memref_slice %arg2[%arg0, %arg1, %dma_start3A_315, %dma_start3A_316] : memref<2x16x125x80xi32, #tpu.memory_space<hbm>> -> memref<1x1x125x80xi32, #tpu.memory_space<hbm>>
      %dma_start3A_318 = tpu.memref_squeeze %dma_start3A_317 : memref<1x1x125x80xi32, #tpu.memory_space<hbm>> -> memref<125x80xi32, #tpu.memory_space<hbm>>
      tpu.enqueue_dma source(%dma_start3A_318 : memref<125x80xi32, #tpu.memory_space<hbm>>) target(%arg6 : memref<125x80xi32, #tpu.memory_space<vmem>>) target_semaphore(%run_scoped3A_311 : memref<!tpu.dma_semaphore, #tpu.memory_space<semaphore_mem>>)
      %dma_wait3A = arith.constant 0 : i32
      %dma_wait3A_319 = arith.constant 0 : i32
      %dma_wait3A_320 = tpu.memref_slice %arg2[%arg0, %arg1, %dma_wait3A, %dma_wait3A_319] : memref<2x16x125x80xi32, #tpu.memory_space<hbm>> -> memref<1x1x125x80xi32, #tpu.memory_space<hbm>>
      %dma_wait3A_321 = tpu.memref_squeeze %dma_wait3A_320 : memref<1x1x125x80xi32, #tpu.memory_space<hbm>> -> memref<125x80xi32, #tpu.memory_space<hbm>>
      %dma_wait3A_322 = arith.constant 0 : i32
      %dma_wait3A_323 = arith.constant 0 : i32
      %dma_wait3A_324 = tpu.memref_slice %arg2[%arg0, %arg1, %dma_wait3A_322, %dma_wait3A_323] : memref<2x16x125x80xi32, #tpu.memory_space<hbm>> -> memref<1x1x125x80xi32, #tpu.memory_space<hbm>>
      %dma_wait3A_325 = tpu.memref_squeeze %dma_wait3A_324 : memref<1x1x125x80xi32, #tpu.memory_space<hbm>> -> memref<125x80xi32, #tpu.memory_space<hbm>>
      tpu.wait_dma2 semaphore(%run_scoped3A_311 : memref<!tpu.dma_semaphore, #tpu.memory_space<semaphore_mem>>) src(%dma_wait3A_325 : memref<125x80xi32, #tpu.memory_space<hbm>>) dst(%arg6 : memref<125x80xi32, #tpu.memory_space<vmem>>)
      tpu.yield
    }) : () -> ()
    "tpu.region"() ({
      %run_scoped3A_311 = tpu.sem_alloc : memref<!tpu.dma_semaphore, #tpu.memory_space<semaphore_mem>>
      %dma_start3A = arith.constant 0 : i32
      %dma_start3A_312 = arith.constant 0 : i32
      %dma_start3A_313 = tpu.memref_slice %arg3[%arg0, %arg1, %dma_start3A, %dma_start3A_312] : memref<2x16x125x80xi32, #tpu.memory_space<hbm>> -> memref<1x1x125x80xi32, #tpu.memory_space<hbm>>
      %dma_start3A_314 = tpu.memref_squeeze %dma_start3A_313 : memref<1x1x125x80xi32, #tpu.memory_space<hbm>> -> memref<125x80xi32, #tpu.memory_space<hbm>>
      %dma_start3A_315 = arith.constant 0 : i32
      %dma_start3A_316 = arith.constant 0 : i32
      %dma_start3A_317 = tpu.memref_slice %arg3[%arg0, %arg1, %dma_start3A_315, %dma_start3A_316] : memref<2x16x125x80xi32, #tpu.memory_space<hbm>> -> memref<1x1x125x80xi32, #tpu.memory_space<hbm>>
      %dma_start3A_318 = tpu.memref_squeeze %dma_start3A_317 : memref<1x1x125x80xi32, #tpu.memory_space<hbm>> -> memref<125x80xi32, #tpu.memory_space<hbm>>
      tpu.enqueue_dma source(%dma_start3A_318 : memref<125x80xi32, #tpu.memory_space<hbm>>) target(%arg7 : memref<125x80xi32, #tpu.memory_space<vmem>>) target_semaphore(%run_scoped3A_311 : memref<!tpu.dma_semaphore, #tpu.memory_space<semaphore_mem>>)
      %dma_wait3A = arith.constant 0 : i32
      %dma_wait3A_319 = arith.constant 0 : i32
      %dma_wait3A_320 = tpu.memref_slice %arg3[%arg0, %arg1, %dma_wait3A, %dma_wait3A_319] : memref<2x16x125x80xi32, #tpu.memory_space<hbm>> -> memref<1x1x125x80xi32, #tpu.memory_space<hbm>>
      %dma_wait3A_321 = tpu.memref_squeeze %dma_wait3A_320 : memref<1x1x125x80xi32, #tpu.memory_space<hbm>> -> memref<125x80xi32, #tpu.memory_space<hbm>>
      %dma_wait3A_322 = arith.constant 0 : i32
      %dma_wait3A_323 = arith.constant 0 : i32
      %dma_wait3A_324 = tpu.memref_slice %arg3[%arg0, %arg1, %dma_wait3A_322, %dma_wait3A_323] : memref<2x16x125x80xi32, #tpu.memory_space<hbm>> -> memref<1x1x125x80xi32, #tpu.memory_space<hbm>>
      %dma_wait3A_325 = tpu.memref_squeeze %dma_wait3A_324 : memref<1x1x125x80xi32, #tpu.memory_space<hbm>> -> memref<125x80xi32, #tpu.memory_space<hbm>>
      tpu.wait_dma2 semaphore(%run_scoped3A_311 : memref<!tpu.dma_semaphore, #tpu.memory_space<semaphore_mem>>) src(%dma_wait3A_325 : memref<125x80xi32, #tpu.memory_space<hbm>>) dst(%arg7 : memref<125x80xi32, #tpu.memory_space<vmem>>)
      tpu.yield
    }) : () -> ()
    %scan3A_288 = arith.constant 0 : i32
    %scan3A_289 = arith.constant 0 : i32
    %scan3A_290 = arith.constant 125 : i32
    %scan3A_291 = arith.addi %scan3A_289, %scan3A_290 : i32
    %scan3A_292 = arith.constant 1 : i32
    scf.for %scan3A_311 = %scan3A_289 to %scan3A_291 step %scan3A_292  : i32 {
      %get3A = arith.index_cast %scan3A_311 : i32 to index
      %get3A_312 = arith.constant 0 : index
      %get3A_313 = tpu.vector_load %arg6[%get3A, %get3A_312] {strides = array<i32>} : memref<125x80xi32, #tpu.memory_space<vmem>>, vector<16xi32>,
      %shift_right_logical3A = arith.constant 4 : i32
      %shift_right_logical3A_314 = vector.broadcast %shift_right_logical3A : i32 to vector<16xi32>
      %shift_right_logical3A_315 = arith.shrui %get3A_313, %shift_right_logical3A_314 : vector<16xi32>
      %and3A = arith.constant 15 : i32
      %and3A_316 = vector.broadcast %and3A : i32 to vector<16xi32>
      %and3A_317 = arith.andi %get3A_313, %and3A_316 : vector<16xi32>
      tpu.vector_store_idx %arg8[%shift_right_logical3A_315, %and3A_317], %broadcast_in_dim3A_2 {add = true} : memref<640x16xf32, #tpu.memory_space<vmem>>[vector<16xi32>, vector<16xi32>], vector<16xf32>,
      %get3A_318 = arith.index_cast %scan3A_311 : i32 to index
      %get3A_319 = arith.constant 0 : index
      %get3A_320 = tpu.vector_load %arg7[%get3A_318, %get3A_319] {strides = array<i32>} : memref<125x80xi32, #tpu.memory_space<vmem>>, vector<16xi32>,
      %shift_right_logical3A_321 = arith.constant 4 : i32
      %shift_right_logical3A_322 = vector.broadcast %shift_right_logical3A_321 : i32 to vector<16xi32>
      %shift_right_logical3A_323 = arith.shrui %get3A_320, %shift_right_logical3A_322 : vector<16xi32>
      %and3A_324 = arith.constant 15 : i32
      %and3A_325 = vector.broadcast %and3A_324 : i32 to vector<16xi32>
      %and3A_326 = arith.andi %get3A_320, %and3A_325 : vector<16xi32>
      tpu.vector_store_idx %arg9[%shift_right_logical3A_323, %and3A_326], %broadcast_in_dim3A_2 {add = true} : memref<640x16xf32, #tpu.memory_space<vmem>>[vector<16xi32>, vector<16xi32>], vector<16xf32>,
      %get3A_327 = arith.index_cast %scan3A_311 : i32 to index
      %get3A_328 = arith.constant 16 : index
      %get3A_329 = tpu.vector_load %arg6[%get3A_327, %get3A_328] {strides = array<i32>} : memref<125x80xi32, #tpu.memory_space<vmem>>, vector<16xi32>,
      %shift_right_logical3A_330 = arith.constant 4 : i32
      %shift_right_logical3A_331 = vector.broadcast %shift_right_logical3A_330 : i32 to vector<16xi32>
      %shift_right_logical3A_332 = arith.shrui %get3A_329, %shift_right_logical3A_331 : vector<16xi32>
      %and3A_333 = arith.constant 15 : i32
      %and3A_334 = vector.broadcast %and3A_333 : i32 to vector<16xi32>
      %and3A_335 = arith.andi %get3A_329, %and3A_334 : vector<16xi32>
      tpu.vector_store_idx %arg8[%shift_right_logical3A_332, %and3A_335], %broadcast_in_dim3A_2 {add = true} : memref<640x16xf32, #tpu.memory_space<vmem>>[vector<16xi32>, vector<16xi32>], vector<16xf32>,
      %get3A_336 = arith.index_cast %scan3A_311 : i32 to index
      %get3A_337 = arith.constant 16 : index
      %get3A_338 = tpu.vector_load %arg7[%get3A_336, %get3A_337] {strides = array<i32>} : memref<125x80xi32, #tpu.memory_space<vmem>>, vector<16xi32>,
      %shift_right_logical3A_339 = arith.constant 4 : i32
      %shift_right_logical3A_340 = vector.broadcast %shift_right_logical3A_339 : i32 to vector<16xi32>
      %shift_right_logical3A_341 = arith.shrui %get3A_338, %shift_right_logical3A_340 : vector<16xi32>
      %and3A_342 = arith.constant 15 : i32
      %and3A_343 = vector.broadcast %and3A_342 : i32 to vector<16xi32>
      %and3A_344 = arith.andi %get3A_338, %and3A_343 : vector<16xi32>
      tpu.vector_store_idx %arg9[%shift_right_logical3A_341, %and3A_344], %broadcast_in_dim3A_2 {add = true} : memref<640x16xf32, #tpu.memory_space<vmem>>[vector<16xi32>, vector<16xi32>], vector<16xf32>,
      %get3A_345 = arith.index_cast %scan3A_311 : i32 to index
      %get3A_346 = arith.constant 32 : index
      %get3A_347 = tpu.vector_load %arg6[%get3A_345, %get3A_346] {strides = array<i32>} : memref<125x80xi32, #tpu.memory_space<vmem>>, vector<16xi32>,
      %shift_right_logical3A_348 = arith.constant 4 : i32
      %shift_right_logical3A_349 = vector.broadcast %shift_right_logical3A_348 : i32 to vector<16xi32>
      %shift_right_logical3A_350 = arith.shrui %get3A_347, %shift_right_logical3A_349 : vector<16xi32>
      %and3A_351 = arith.constant 15 : i32
      %and3A_352 = vector.broadcast %and3A_351 : i32 to vector<16xi32>
      %and3A_353 = arith.andi %get3A_347, %and3A_352 : vector<16xi32>
      tpu.vector_store_idx %arg8[%shift_right_logical3A_350, %and3A_353], %broadcast_in_dim3A_2 {add = true} : memref<640x16xf32, #tpu.memory_space<vmem>>[vector<16xi32>, vector<16xi32>], vector<16xf32>,
      %get3A_354 = arith.index_cast %scan3A_311 : i32 to index
      %get3A_355 = arith.constant 32 : index
      %get3A_356 = tpu.vector_load %arg7[%get3A_354, %get3A_355] {strides = array<i32>} : memref<125x80xi32, #tpu.memory_space<vmem>>, vector<16xi32>,
      %shift_right_logical3A_357 = arith.constant 4 : i32
      %shift_right_logical3A_358 = vector.broadcast %shift_right_logical3A_357 : i32 to vector<16xi32>
      %shift_right_logical3A_359 = arith.shrui %get3A_356, %shift_right_logical3A_358 : vector<16xi32>
      %and3A_360 = arith.constant 15 : i32
      %and3A_361 = vector.broadcast %and3A_360 : i32 to vector<16xi32>
      %and3A_362 = arith.andi %get3A_356, %and3A_361 : vector<16xi32>
      tpu.vector_store_idx %arg9[%shift_right_logical3A_359, %and3A_362], %broadcast_in_dim3A_2 {add = true} : memref<640x16xf32, #tpu.memory_space<vmem>>[vector<16xi32>, vector<16xi32>], vector<16xf32>,
      %get3A_363 = arith.index_cast %scan3A_311 : i32 to index
      %get3A_364 = arith.constant 48 : index
      %get3A_365 = tpu.vector_load %arg6[%get3A_363, %get3A_364] {strides = array<i32>} : memref<125x80xi32, #tpu.memory_space<vmem>>, vector<16xi32>,
      %shift_right_logical3A_366 = arith.constant 4 : i32
      %shift_right_logical3A_367 = vector.broadcast %shift_right_logical3A_366 : i32 to vector<16xi32>
      %shift_right_logical3A_368 = arith.shrui %get3A_365, %shift_right_logical3A_367 : vector<16xi32>
      %and3A_369 = arith.constant 15 : i32
      %and3A_370 = vector.broadcast %and3A_369 : i32 to vector<16xi32>
      %and3A_371 = arith.andi %get3A_365, %and3A_370 : vector<16xi32>
      tpu.vector_store_idx %arg8[%shift_right_logical3A_368, %and3A_371], %broadcast_in_dim3A_2 {add = true} : memref<640x16xf32, #tpu.memory_space<vmem>>[vector<16xi32>, vector<16xi32>], vector<16xf32>,
      %get3A_372 = arith.index_cast %scan3A_311 : i32 to index
      %get3A_373 = arith.constant 48 : index
      %get3A_374 = tpu.vector_load %arg7[%get3A_372, %get3A_373] {strides = array<i32>} : memref<125x80xi32, #tpu.memory_space<vmem>>, vector<16xi32>,
      %shift_right_logical3A_375 = arith.constant 4 : i32
      %shift_right_logical3A_376 = vector.broadcast %shift_right_logical3A_375 : i32 to vector<16xi32>
      %shift_right_logical3A_377 = arith.shrui %get3A_374, %shift_right_logical3A_376 : vector<16xi32>
      %and3A_378 = arith.constant 15 : i32
      %and3A_379 = vector.broadcast %and3A_378 : i32 to vector<16xi32>
      %and3A_380 = arith.andi %get3A_374, %and3A_379 : vector<16xi32>
      tpu.vector_store_idx %arg9[%shift_right_logical3A_377, %and3A_380], %broadcast_in_dim3A_2 {add = true} : memref<640x16xf32, #tpu.memory_space<vmem>>[vector<16xi32>, vector<16xi32>], vector<16xf32>,
      %get3A_381 = arith.index_cast %scan3A_311 : i32 to index
      %get3A_382 = arith.constant 64 : index
      %get3A_383 = tpu.vector_load %arg6[%get3A_381, %get3A_382] {strides = array<i32>} : memref<125x80xi32, #tpu.memory_space<vmem>>, vector<16xi32>,
      %shift_right_logical3A_384 = arith.constant 4 : i32
      %shift_right_logical3A_385 = vector.broadcast %shift_right_logical3A_384 : i32 to vector<16xi32>
      %shift_right_logical3A_386 = arith.shrui %get3A_383, %shift_right_logical3A_385 : vector<16xi32>
      %and3A_387 = arith.constant 15 : i32
      %and3A_388 = vector.broadcast %and3A_387 : i32 to vector<16xi32>
      %and3A_389 = arith.andi %get3A_383, %and3A_388 : vector<16xi32>
      tpu.vector_store_idx %arg8[%shift_right_logical3A_386, %and3A_389], %broadcast_in_dim3A_2 {add = true} : memref<640x16xf32, #tpu.memory_space<vmem>>[vector<16xi32>, vector<16xi32>], vector<16xf32>,
      %get3A_390 = arith.index_cast %scan3A_311 : i32 to index
      %get3A_391 = arith.constant 64 : index
      %get3A_392 = tpu.vector_load %arg7[%get3A_390, %get3A_391] {strides = array<i32>} : memref<125x80xi32, #tpu.memory_space<vmem>>, vector<16xi32>,
      %shift_right_logical3A_393 = arith.constant 4 : i32
      %shift_right_logical3A_394 = vector.broadcast %shift_right_logical3A_393 : i32 to vector<16xi32>
      %shift_right_logical3A_395 = arith.shrui %get3A_392, %shift_right_logical3A_394 : vector<16xi32>
      %and3A_396 = arith.constant 15 : i32
      %and3A_397 = vector.broadcast %and3A_396 : i32 to vector<16xi32>
      %and3A_398 = arith.andi %get3A_392, %and3A_397 : vector<16xi32>
      tpu.vector_store_idx %arg9[%shift_right_logical3A_395, %and3A_398], %broadcast_in_dim3A_2 {add = true} : memref<640x16xf32, #tpu.memory_space<vmem>>[vector<16xi32>, vector<16xi32>], vector<16xf32>,
    }
    %scan3A_293 = arith.constant 125 : i32
    %run_scoped3A = arith.constant 0 : i32
    "tpu.region"() ({
      %run_scoped3A_311 = tpu.sem_alloc : memref<!tpu.dma_semaphore, #tpu.memory_space<semaphore_mem>>
      %dma_start3A = arith.constant 0 : i32
      %dma_start3A_312 = arith.constant 0 : i32
      %dma_start3A_313 = tpu.memref_slice %arg8[%dma_start3A, %dma_start3A_312] : memref<640x16xf32, #tpu.memory_space<vmem>> -> memref<128x16xf32, #tpu.memory_space<vmem>>
      %dma_start3A_314 = arith.constant 0 : i32
      %dma_start3A_315 = tpu.memref_slice %arg10[%run_scoped3A, %dma_start3A_314] : memref<5x128xi32, #tpu.memory_space<vmem>> -> memref<1x128xi32, #tpu.memory_space<vmem>>
      %dma_start3A_316 = tpu.memref_squeeze %dma_start3A_315 : memref<1x128xi32, #tpu.memory_space<vmem>> -> memref<128xi32, #tpu.memory_space<vmem>>
      %dma_start3A_317 = arith.constant 0 : i32
      %dma_start3A_318 = arith.constant 0 : i32
      %dma_start3A_319 = tpu.memref_slice %arg12[%dma_start3A_317, %dma_start3A_318] : memref<640x16xf32, #tpu.memory_space<vmem_shared>> -> memref<640x16xf32, #tpu.memory_space<vmem_shared>>
      tpu.enqueue_indirect_dma source(%dma_start3A_313 : memref<128x16xf32, #tpu.memory_space<vmem>>) target(%dma_start3A_319 : memref<640x16xf32, #tpu.memory_space<vmem_shared>>) offsets(%dma_start3A_316 : memref<128xi32, #tpu.memory_space<vmem>>) semaphore(%run_scoped3A_311 : memref<!tpu.dma_semaphore, #tpu.memory_space<semaphore_mem>>) {add = true}
      %dma_wait3A = arith.constant 0 : i32
      %dma_wait3A_320 = arith.constant 0 : i32
      %dma_wait3A_321 = tpu.memref_slice %arg8[%dma_wait3A, %dma_wait3A_320] : memref<640x16xf32, #tpu.memory_space<vmem>> -> memref<128x16xf32, #tpu.memory_space<vmem>>
      %dma_wait3A_322 = arith.constant 0 : i32
      %dma_wait3A_323 = tpu.memref_slice %arg10[%run_scoped3A, %dma_wait3A_322] : memref<5x128xi32, #tpu.memory_space<vmem>> -> memref<1x128xi32, #tpu.memory_space<vmem>>
      %dma_wait3A_324 = tpu.memref_squeeze %dma_wait3A_323 : memref<1x128xi32, #tpu.memory_space<vmem>> -> memref<128xi32, #tpu.memory_space<vmem>>
      %dma_wait3A_325 = arith.constant 0 : i32
      %dma_wait3A_326 = arith.constant 0 : i32
      %dma_wait3A_327 = tpu.memref_slice %arg12[%dma_wait3A_325, %dma_wait3A_326] : memref<640x16xf32, #tpu.memory_space<vmem_shared>> -> memref<640x16xf32, #tpu.memory_space<vmem_shared>>
      tpu.wait_indirect_dma semaphore(%run_scoped3A_311 : memref<!tpu.dma_semaphore, #tpu.memory_space<semaphore_mem>>) src(%dma_wait3A_321 : memref<128x16xf32, #tpu.memory_space<vmem>>) dst(%dma_wait3A_327 : memref<640x16xf32, #tpu.memory_space<vmem_shared>>)
      tpu.yield
    }) : () -> ()
    %run_scoped3A_294 = arith.constant 0 : i32
    "tpu.region"() ({
      %run_scoped3A_311 = tpu.sem_alloc : memref<!tpu.dma_semaphore, #tpu.memory_space<semaphore_mem>>
      %dma_start3A = arith.constant 0 : i32
      %dma_start3A_312 = arith.constant 0 : i32
      %dma_start3A_313 = tpu.memref_slice %arg9[%dma_start3A, %dma_start3A_312] : memref<640x16xf32, #tpu.memory_space<vmem>> -> memref<128x16xf32, #tpu.memory_space<vmem>>
      %dma_start3A_314 = arith.constant 0 : i32
      %dma_start3A_315 = tpu.memref_slice %arg10[%run_scoped3A_294, %dma_start3A_314] : memref<5x128xi32, #tpu.memory_space<vmem>> -> memref<1x128xi32, #tpu.memory_space<vmem>>
      %dma_start3A_316 = tpu.memref_squeeze %dma_start3A_315 : memref<1x128xi32, #tpu.memory_space<vmem>> -> memref<128xi32, #tpu.memory_space<vmem>>
      %dma_start3A_317 = arith.constant 0 : i32
      %dma_start3A_318 = arith.constant 0 : i32
      %dma_start3A_319 = tpu.memref_slice %arg13[%dma_start3A_317, %dma_start3A_318] : memref<640x16xf32, #tpu.memory_space<vmem_shared>> -> memref<640x16xf32, #tpu.memory_space<vmem_shared>>
      tpu.enqueue_indirect_dma source(%dma_start3A_313 : memref<128x16xf32, #tpu.memory_space<vmem>>) target(%dma_start3A_319 : memref<640x16xf32, #tpu.memory_space<vmem_shared>>) offsets(%dma_start3A_316 : memref<128xi32, #tpu.memory_space<vmem>>) semaphore(%run_scoped3A_311 : memref<!tpu.dma_semaphore, #tpu.memory_space<semaphore_mem>>) {add = true}
      %dma_wait3A = arith.constant 0 : i32
      %dma_wait3A_320 = arith.constant 0 : i32
      %dma_wait3A_321 = tpu.memref_slice %arg9[%dma_wait3A, %dma_wait3A_320] : memref<640x16xf32, #tpu.memory_space<vmem>> -> memref<128x16xf32, #tpu.memory_space<vmem>>
      %dma_wait3A_322 = arith.constant 0 : i32
      %dma_wait3A_323 = tpu.memref_slice %arg10[%run_scoped3A_294, %dma_wait3A_322] : memref<5x128xi32, #tpu.memory_space<vmem>> -> memref<1x128xi32, #tpu.memory_space<vmem>>
      %dma_wait3A_324 = tpu.memref_squeeze %dma_wait3A_323 : memref<1x128xi32, #tpu.memory_space<vmem>> -> memref<128xi32, #tpu.memory_space<vmem>>
      %dma_wait3A_325 = arith.constant 0 : i32
      %dma_wait3A_326 = arith.constant 0 : i32
      %dma_wait3A_327 = tpu.memref_slice %arg13[%dma_wait3A_325, %dma_wait3A_326] : memref<640x16xf32, #tpu.memory_space<vmem_shared>> -> memref<640x16xf32, #tpu.memory_space<vmem_shared>>
      tpu.wait_indirect_dma semaphore(%run_scoped3A_311 : memref<!tpu.dma_semaphore, #tpu.memory_space<semaphore_mem>>) src(%dma_wait3A_321 : memref<128x16xf32, #tpu.memory_space<vmem>>) dst(%dma_wait3A_327 : memref<640x16xf32, #tpu.memory_space<vmem_shared>>)
      tpu.yield
    }) : () -> ()
    %run_scoped3A_295 = arith.constant 1 : i32
    "tpu.region"() ({
      %run_scoped3A_311 = tpu.sem_alloc : memref<!tpu.dma_semaphore, #tpu.memory_space<semaphore_mem>>
      %dma_start3A = arith.constant 128 : i32
      %dma_start3A_312 = arith.constant 0 : i32
      %dma_start3A_313 = tpu.memref_slice %arg8[%dma_start3A, %dma_start3A_312] : memref<640x16xf32, #tpu.memory_space<vmem>> -> memref<128x16xf32, #tpu.memory_space<vmem>>
      %dma_start3A_314 = arith.constant 0 : i32
      %dma_start3A_315 = tpu.memref_slice %arg10[%run_scoped3A_295, %dma_start3A_314] : memref<5x128xi32, #tpu.memory_space<vmem>> -> memref<1x128xi32, #tpu.memory_space<vmem>>
      %dma_start3A_316 = tpu.memref_squeeze %dma_start3A_315 : memref<1x128xi32, #tpu.memory_space<vmem>> -> memref<128xi32, #tpu.memory_space<vmem>>
      %dma_start3A_317 = arith.constant 0 : i32
      %dma_start3A_318 = arith.constant 0 : i32
      %dma_start3A_319 = tpu.memref_slice %arg12[%dma_start3A_317, %dma_start3A_318] : memref<640x16xf32, #tpu.memory_space<vmem_shared>> -> memref<640x16xf32, #tpu.memory_space<vmem_shared>>
      tpu.enqueue_indirect_dma source(%dma_start3A_313 : memref<128x16xf32, #tpu.memory_space<vmem>>) target(%dma_start3A_319 : memref<640x16xf32, #tpu.memory_space<vmem_shared>>) offsets(%dma_start3A_316 : memref<128xi32, #tpu.memory_space<vmem>>) semaphore(%run_scoped3A_311 : memref<!tpu.dma_semaphore, #tpu.memory_space<semaphore_mem>>) {add = true}
      %dma_wait3A = arith.constant 128 : i32
      %dma_wait3A_320 = arith.constant 0 : i32
      %dma_wait3A_321 = tpu.memref_slice %arg8[%dma_wait3A, %dma_wait3A_320] : memref<640x16xf32, #tpu.memory_space<vmem>> -> memref<128x16xf32, #tpu.memory_space<vmem>>
      %dma_wait3A_322 = arith.constant 0 : i32
      %dma_wait3A_323 = tpu.memref_slice %arg10[%run_scoped3A_295, %dma_wait3A_322] : memref<5x128xi32, #tpu.memory_space<vmem>> -> memref<1x128xi32, #tpu.memory_space<vmem>>
      %dma_wait3A_324 = tpu.memref_squeeze %dma_wait3A_323 : memref<1x128xi32, #tpu.memory_space<vmem>> -> memref<128xi32, #tpu.memory_space<vmem>>
      %dma_wait3A_325 = arith.constant 0 : i32
      %dma_wait3A_326 = arith.constant 0 : i32
      %dma_wait3A_327 = tpu.memref_slice %arg12[%dma_wait3A_325, %dma_wait3A_326] : memref<640x16xf32, #tpu.memory_space<vmem_shared>> -> memref<640x16xf32, #tpu.memory_space<vmem_shared>>
      tpu.wait_indirect_dma semaphore(%run_scoped3A_311 : memref<!tpu.dma_semaphore, #tpu.memory_space<semaphore_mem>>) src(%dma_wait3A_321 : memref<128x16xf32, #tpu.memory_space<vmem>>) dst(%dma_wait3A_327 : memref<640x16xf32, #tpu.memory_space<vmem_shared>>)
      tpu.yield
    }) : () -> ()
    %run_scoped3A_296 = arith.constant 1 : i32
    "tpu.region"() ({
      %run_scoped3A_311 = tpu.sem_alloc : memref<!tpu.dma_semaphore, #tpu.memory_space<semaphore_mem>>
      %dma_start3A = arith.constant 128 : i32
      %dma_start3A_312 = arith.constant 0 : i32
      %dma_start3A_313 = tpu.memref_slice %arg9[%dma_start3A, %dma_start3A_312] : memref<640x16xf32, #tpu.memory_space<vmem>> -> memref<128x16xf32, #tpu.memory_space<vmem>>
      %dma_start3A_314 = arith.constant 0 : i32
      %dma_start3A_315 = tpu.memref_slice %arg10[%run_scoped3A_296, %dma_start3A_314] : memref<5x128xi32, #tpu.memory_space<vmem>> -> memref<1x128xi32, #tpu.memory_space<vmem>>
      %dma_start3A_316 = tpu.memref_squeeze %dma_start3A_315 : memref<1x128xi32, #tpu.memory_space<vmem>> -> memref<128xi32, #tpu.memory_space<vmem>>
      %dma_start3A_317 = arith.constant 0 : i32
      %dma_start3A_318 = arith.constant 0 : i32
      %dma_start3A_319 = tpu.memref_slice %arg13[%dma_start3A_317, %dma_start3A_318] : memref<640x16xf32, #tpu.memory_space<vmem_shared>> -> memref<640x16xf32, #tpu.memory_space<vmem_shared>>
      tpu.enqueue_indirect_dma source(%dma_start3A_313 : memref<128x16xf32, #tpu.memory_space<vmem>>) target(%dma_start3A_319 : memref<640x16xf32, #tpu.memory_space<vmem_shared>>) offsets(%dma_start3A_316 : memref<128xi32, #tpu.memory_space<vmem>>) semaphore(%run_scoped3A_311 : memref<!tpu.dma_semaphore, #tpu.memory_space<semaphore_mem>>) {add = true}
      %dma_wait3A = arith.constant 128 : i32
      %dma_wait3A_320 = arith.constant 0 : i32
      %dma_wait3A_321 = tpu.memref_slice %arg9[%dma_wait3A, %dma_wait3A_320] : memref<640x16xf32, #tpu.memory_space<vmem>> -> memref<128x16xf32, #tpu.memory_space<vmem>>
      %dma_wait3A_322 = arith.constant 0 : i32
      %dma_wait3A_323 = tpu.memref_slice %arg10[%run_scoped3A_296, %dma_wait3A_322] : memref<5x128xi32, #tpu.memory_space<vmem>> -> memref<1x128xi32, #tpu.memory_space<vmem>>
      %dma_wait3A_324 = tpu.memref_squeeze %dma_wait3A_323 : memref<1x128xi32, #tpu.memory_space<vmem>> -> memref<128xi32, #tpu.memory_space<vmem>>
      %dma_wait3A_325 = arith.constant 0 : i32
      %dma_wait3A_326 = arith.constant 0 : i32
      %dma_wait3A_327 = tpu.memref_slice %arg13[%dma_wait3A_325, %dma_wait3A_326] : memref<640x16xf32, #tpu.memory_space<vmem_shared>> -> memref<640x16xf32, #tpu.memory_space<vmem_shared>>
      tpu.wait_indirect_dma semaphore(%run_scoped3A_311 : memref<!tpu.dma_semaphore, #tpu.memory_space<semaphore_mem>>) src(%dma_wait3A_321 : memref<128x16xf32, #tpu.memory_space<vmem>>) dst(%dma_wait3A_327 : memref<640x16xf32, #tpu.memory_space<vmem_shared>>)
      tpu.yield
    }) : () -> ()
    %run_scoped3A_297 = arith.constant 2 : i32
    "tpu.region"() ({
      %run_scoped3A_311 = tpu.sem_alloc : memref<!tpu.dma_semaphore, #tpu.memory_space<semaphore_mem>>
      %dma_start3A = arith.constant 256 : i32
      %dma_start3A_312 = arith.constant 0 : i32
      %dma_start3A_313 = tpu.memref_slice %arg8[%dma_start3A, %dma_start3A_312] : memref<640x16xf32, #tpu.memory_space<vmem>> -> memref<128x16xf32, #tpu.memory_space<vmem>>
      %dma_start3A_314 = arith.constant 0 : i32
      %dma_start3A_315 = tpu.memref_slice %arg10[%run_scoped3A_297, %dma_start3A_314] : memref<5x128xi32, #tpu.memory_space<vmem>> -> memref<1x128xi32, #tpu.memory_space<vmem>>
      %dma_start3A_316 = tpu.memref_squeeze %dma_start3A_315 : memref<1x128xi32, #tpu.memory_space<vmem>> -> memref<128xi32, #tpu.memory_space<vmem>>
      %dma_start3A_317 = arith.constant 0 : i32
      %dma_start3A_318 = arith.constant 0 : i32
      %dma_start3A_319 = tpu.memref_slice %arg12[%dma_start3A_317, %dma_start3A_318] : memref<640x16xf32, #tpu.memory_space<vmem_shared>> -> memref<640x16xf32, #tpu.memory_space<vmem_shared>>
      tpu.enqueue_indirect_dma source(%dma_start3A_313 : memref<128x16xf32, #tpu.memory_space<vmem>>) target(%dma_start3A_319 : memref<640x16xf32, #tpu.memory_space<vmem_shared>>) offsets(%dma_start3A_316 : memref<128xi32, #tpu.memory_space<vmem>>) semaphore(%run_scoped3A_311 : memref<!tpu.dma_semaphore, #tpu.memory_space<semaphore_mem>>) {add = true}
      %dma_wait3A = arith.constant 256 : i32
      %dma_wait3A_320 = arith.constant 0 : i32
      %dma_wait3A_321 = tpu.memref_slice %arg8[%dma_wait3A, %dma_wait3A_320] : memref<640x16xf32, #tpu.memory_space<vmem>> -> memref<128x16xf32, #tpu.memory_space<vmem>>
      %dma_wait3A_322 = arith.constant 0 : i32
      %dma_wait3A_323 = tpu.memref_slice %arg10[%run_scoped3A_297, %dma_wait3A_322] : memref<5x128xi32, #tpu.memory_space<vmem>> -> memref<1x128xi32, #tpu.memory_space<vmem>>
      %dma_wait3A_324 = tpu.memref_squeeze %dma_wait3A_323 : memref<1x128xi32, #tpu.memory_space<vmem>> -> memref<128xi32, #tpu.memory_space<vmem>>
      %dma_wait3A_325 = arith.constant 0 : i32
      %dma_wait3A_326 = arith.constant 0 : i32
      %dma_wait3A_327 = tpu.memref_slice %arg12[%dma_wait3A_325, %dma_wait3A_326] : memref<640x16xf32, #tpu.memory_space<vmem_shared>> -> memref<640x16xf32, #tpu.memory_space<vmem_shared>>
      tpu.wait_indirect_dma semaphore(%run_scoped3A_311 : memref<!tpu.dma_semaphore, #tpu.memory_space<semaphore_mem>>) src(%dma_wait3A_321 : memref<128x16xf32, #tpu.memory_space<vmem>>) dst(%dma_wait3A_327 : memref<640x16xf32, #tpu.memory_space<vmem_shared>>)
      tpu.yield
    }) : () -> ()
    %run_scoped3A_298 = arith.constant 2 : i32
    "tpu.region"() ({
      %run_scoped3A_311 = tpu.sem_alloc : memref<!tpu.dma_semaphore, #tpu.memory_space<semaphore_mem>>
      %dma_start3A = arith.constant 256 : i32
      %dma_start3A_312 = arith.constant 0 : i32
      %dma_start3A_313 = tpu.memref_slice %arg9[%dma_start3A, %dma_start3A_312] : memref<640x16xf32, #tpu.memory_space<vmem>> -> memref<128x16xf32, #tpu.memory_space<vmem>>
      %dma_start3A_314 = arith.constant 0 : i32
      %dma_start3A_315 = tpu.memref_slice %arg10[%run_scoped3A_298, %dma_start3A_314] : memref<5x128xi32, #tpu.memory_space<vmem>> -> memref<1x128xi32, #tpu.memory_space<vmem>>
      %dma_start3A_316 = tpu.memref_squeeze %dma_start3A_315 : memref<1x128xi32, #tpu.memory_space<vmem>> -> memref<128xi32, #tpu.memory_space<vmem>>
      %dma_start3A_317 = arith.constant 0 : i32
      %dma_start3A_318 = arith.constant 0 : i32
      %dma_start3A_319 = tpu.memref_slice %arg13[%dma_start3A_317, %dma_start3A_318] : memref<640x16xf32, #tpu.memory_space<vmem_shared>> -> memref<640x16xf32, #tpu.memory_space<vmem_shared>>
      tpu.enqueue_indirect_dma source(%dma_start3A_313 : memref<128x16xf32, #tpu.memory_space<vmem>>) target(%dma_start3A_319 : memref<640x16xf32, #tpu.memory_space<vmem_shared>>) offsets(%dma_start3A_316 : memref<128xi32, #tpu.memory_space<vmem>>) semaphore(%run_scoped3A_311 : memref<!tpu.dma_semaphore, #tpu.memory_space<semaphore_mem>>) {add = true}
      %dma_wait3A = arith.constant 256 : i32
      %dma_wait3A_320 = arith.constant 0 : i32
      %dma_wait3A_321 = tpu.memref_slice %arg9[%dma_wait3A, %dma_wait3A_320] : memref<640x16xf32, #tpu.memory_space<vmem>> -> memref<128x16xf32, #tpu.memory_space<vmem>>
      %dma_wait3A_322 = arith.constant 0 : i32
      %dma_wait3A_323 = tpu.memref_slice %arg10[%run_scoped3A_298, %dma_wait3A_322] : memref<5x128xi32, #tpu.memory_space<vmem>> -> memref<1x128xi32, #tpu.memory_space<vmem>>
      %dma_wait3A_324 = tpu.memref_squeeze %dma_wait3A_323 : memref<1x128xi32, #tpu.memory_space<vmem>> -> memref<128xi32, #tpu.memory_space<vmem>>
      %dma_wait3A_325 = arith.constant 0 : i32
      %dma_wait3A_326 = arith.constant 0 : i32
      %dma_wait3A_327 = tpu.memref_slice %arg13[%dma_wait3A_325, %dma_wait3A_326] : memref<640x16xf32, #tpu.memory_space<vmem_shared>> -> memref<640x16xf32, #tpu.memory_space<vmem_shared>>
      tpu.wait_indirect_dma semaphore(%run_scoped3A_311 : memref<!tpu.dma_semaphore, #tpu.memory_space<semaphore_mem>>) src(%dma_wait3A_321 : memref<128x16xf32, #tpu.memory_space<vmem>>) dst(%dma_wait3A_327 : memref<640x16xf32, #tpu.memory_space<vmem_shared>>)
      tpu.yield
    }) : () -> ()
    %run_scoped3A_299 = arith.constant 3 : i32
    "tpu.region"() ({
      %run_scoped3A_311 = tpu.sem_alloc : memref<!tpu.dma_semaphore, #tpu.memory_space<semaphore_mem>>
      %dma_start3A = arith.constant 384 : i32
      %dma_start3A_312 = arith.constant 0 : i32
      %dma_start3A_313 = tpu.memref_slice %arg8[%dma_start3A, %dma_start3A_312] : memref<640x16xf32, #tpu.memory_space<vmem>> -> memref<128x16xf32, #tpu.memory_space<vmem>>
      %dma_start3A_314 = arith.constant 0 : i32
      %dma_start3A_315 = tpu.memref_slice %arg10[%run_scoped3A_299, %dma_start3A_314] : memref<5x128xi32, #tpu.memory_space<vmem>> -> memref<1x128xi32, #tpu.memory_space<vmem>>
      %dma_start3A_316 = tpu.memref_squeeze %dma_start3A_315 : memref<1x128xi32, #tpu.memory_space<vmem>> -> memref<128xi32, #tpu.memory_space<vmem>>
      %dma_start3A_317 = arith.constant 0 : i32
      %dma_start3A_318 = arith.constant 0 : i32
      %dma_start3A_319 = tpu.memref_slice %arg12[%dma_start3A_317, %dma_start3A_318] : memref<640x16xf32, #tpu.memory_space<vmem_shared>> -> memref<640x16xf32, #tpu.memory_space<vmem_shared>>
      tpu.enqueue_indirect_dma source(%dma_start3A_313 : memref<128x16xf32, #tpu.memory_space<vmem>>) target(%dma_start3A_319 : memref<640x16xf32, #tpu.memory_space<vmem_shared>>) offsets(%dma_start3A_316 : memref<128xi32, #tpu.memory_space<vmem>>) semaphore(%run_scoped3A_311 : memref<!tpu.dma_semaphore, #tpu.memory_space<semaphore_mem>>) {add = true}
      %dma_wait3A = arith.constant 384 : i32
      %dma_wait3A_320 = arith.constant 0 : i32
      %dma_wait3A_321 = tpu.memref_slice %arg8[%dma_wait3A, %dma_wait3A_320] : memref<640x16xf32, #tpu.memory_space<vmem>> -> memref<128x16xf32, #tpu.memory_space<vmem>>
      %dma_wait3A_322 = arith.constant 0 : i32
      %dma_wait3A_323 = tpu.memref_slice %arg10[%run_scoped3A_299, %dma_wait3A_322] : memref<5x128xi32, #tpu.memory_space<vmem>> -> memref<1x128xi32, #tpu.memory_space<vmem>>
      %dma_wait3A_324 = tpu.memref_squeeze %dma_wait3A_323 : memref<1x128xi32, #tpu.memory_space<vmem>> -> memref<128xi32, #tpu.memory_space<vmem>>
      %dma_wait3A_325 = arith.constant 0 : i32
      %dma_wait3A_326 = arith.constant 0 : i32
      %dma_wait3A_327 = tpu.memref_slice %arg12[%dma_wait3A_325, %dma_wait3A_326] : memref<640x16xf32, #tpu.memory_space<vmem_shared>> -> memref<640x16xf32, #tpu.memory_space<vmem_shared>>
      tpu.wait_indirect_dma semaphore(%run_scoped3A_311 : memref<!tpu.dma_semaphore, #tpu.memory_space<semaphore_mem>>) src(%dma_wait3A_321 : memref<128x16xf32, #tpu.memory_space<vmem>>) dst(%dma_wait3A_327 : memref<640x16xf32, #tpu.memory_space<vmem_shared>>)
      tpu.yield
    }) : () -> ()
    %run_scoped3A_300 = arith.constant 3 : i32
    "tpu.region"() ({
      %run_scoped3A_311 = tpu.sem_alloc : memref<!tpu.dma_semaphore, #tpu.memory_space<semaphore_mem>>
      %dma_start3A = arith.constant 384 : i32
      %dma_start3A_312 = arith.constant 0 : i32
      %dma_start3A_313 = tpu.memref_slice %arg9[%dma_start3A, %dma_start3A_312] : memref<640x16xf32, #tpu.memory_space<vmem>> -> memref<128x16xf32, #tpu.memory_space<vmem>>
      %dma_start3A_314 = arith.constant 0 : i32
      %dma_start3A_315 = tpu.memref_slice %arg10[%run_scoped3A_300, %dma_start3A_314] : memref<5x128xi32, #tpu.memory_space<vmem>> -> memref<1x128xi32, #tpu.memory_space<vmem>>
      %dma_start3A_316 = tpu.memref_squeeze %dma_start3A_315 : memref<1x128xi32, #tpu.memory_space<vmem>> -> memref<128xi32, #tpu.memory_space<vmem>>
      %dma_start3A_317 = arith.constant 0 : i32
      %dma_start3A_318 = arith.constant 0 : i32
      %dma_start3A_319 = tpu.memref_slice %arg13[%dma_start3A_317, %dma_start3A_318] : memref<640x16xf32, #tpu.memory_space<vmem_shared>> -> memref<640x16xf32, #tpu.memory_space<vmem_shared>>
      tpu.enqueue_indirect_dma source(%dma_start3A_313 : memref<128x16xf32, #tpu.memory_space<vmem>>) target(%dma_start3A_319 : memref<640x16xf32, #tpu.memory_space<vmem_shared>>) offsets(%dma_start3A_316 : memref<128xi32, #tpu.memory_space<vmem>>) semaphore(%run_scoped3A_311 : memref<!tpu.dma_semaphore, #tpu.memory_space<semaphore_mem>>) {add = true}
      %dma_wait3A = arith.constant 384 : i32
      %dma_wait3A_320 = arith.constant 0 : i32
      %dma_wait3A_321 = tpu.memref_slice %arg9[%dma_wait3A, %dma_wait3A_320] : memref<640x16xf32, #tpu.memory_space<vmem>> -> memref<128x16xf32, #tpu.memory_space<vmem>>
      %dma_wait3A_322 = arith.constant 0 : i32
      %dma_wait3A_323 = tpu.memref_slice %arg10[%run_scoped3A_300, %dma_wait3A_322] : memref<5x128xi32, #tpu.memory_space<vmem>> -> memref<1x128xi32, #tpu.memory_space<vmem>>
      %dma_wait3A_324 = tpu.memref_squeeze %dma_wait3A_323 : memref<1x128xi32, #tpu.memory_space<vmem>> -> memref<128xi32, #tpu.memory_space<vmem>>
      %dma_wait3A_325 = arith.constant 0 : i32
      %dma_wait3A_326 = arith.constant 0 : i32
      %dma_wait3A_327 = tpu.memref_slice %arg13[%dma_wait3A_325, %dma_wait3A_326] : memref<640x16xf32, #tpu.memory_space<vmem_shared>> -> memref<640x16xf32, #tpu.memory_space<vmem_shared>>
      tpu.wait_indirect_dma semaphore(%run_scoped3A_311 : memref<!tpu.dma_semaphore, #tpu.memory_space<semaphore_mem>>) src(%dma_wait3A_321 : memref<128x16xf32, #tpu.memory_space<vmem>>) dst(%dma_wait3A_327 : memref<640x16xf32, #tpu.memory_space<vmem_shared>>)
      tpu.yield
    }) : () -> ()
    %run_scoped3A_301 = arith.constant 4 : i32
    "tpu.region"() ({
      %run_scoped3A_311 = tpu.sem_alloc : memref<!tpu.dma_semaphore, #tpu.memory_space<semaphore_mem>>
      %dma_start3A = arith.constant 512 : i32
      %dma_start3A_312 = arith.constant 0 : i32
      %dma_start3A_313 = tpu.memref_slice %arg8[%dma_start3A, %dma_start3A_312] : memref<640x16xf32, #tpu.memory_space<vmem>> -> memref<128x16xf32, #tpu.memory_space<vmem>>
      %dma_start3A_314 = arith.constant 0 : i32
      %dma_start3A_315 = tpu.memref_slice %arg10[%run_scoped3A_301, %dma_start3A_314] : memref<5x128xi32, #tpu.memory_space<vmem>> -> memref<1x128xi32, #tpu.memory_space<vmem>>
      %dma_start3A_316 = tpu.memref_squeeze %dma_start3A_315 : memref<1x128xi32, #tpu.memory_space<vmem>> -> memref<128xi32, #tpu.memory_space<vmem>>
      %dma_start3A_317 = arith.constant 0 : i32
      %dma_start3A_318 = arith.constant 0 : i32
      %dma_start3A_319 = tpu.memref_slice %arg12[%dma_start3A_317, %dma_start3A_318] : memref<640x16xf32, #tpu.memory_space<vmem_shared>> -> memref<640x16xf32, #tpu.memory_space<vmem_shared>>
      tpu.enqueue_indirect_dma source(%dma_start3A_313 : memref<128x16xf32, #tpu.memory_space<vmem>>) target(%dma_start3A_319 : memref<640x16xf32, #tpu.memory_space<vmem_shared>>) offsets(%dma_start3A_316 : memref<128xi32, #tpu.memory_space<vmem>>) semaphore(%run_scoped3A_311 : memref<!tpu.dma_semaphore, #tpu.memory_space<semaphore_mem>>) {add = true}
      %dma_wait3A = arith.constant 512 : i32
      %dma_wait3A_320 = arith.constant 0 : i32
      %dma_wait3A_321 = tpu.memref_slice %arg8[%dma_wait3A, %dma_wait3A_320] : memref<640x16xf32, #tpu.memory_space<vmem>> -> memref<128x16xf32, #tpu.memory_space<vmem>>
      %dma_wait3A_322 = arith.constant 0 : i32
      %dma_wait3A_323 = tpu.memref_slice %arg10[%run_scoped3A_301, %dma_wait3A_322] : memref<5x128xi32, #tpu.memory_space<vmem>> -> memref<1x128xi32, #tpu.memory_space<vmem>>
      %dma_wait3A_324 = tpu.memref_squeeze %dma_wait3A_323 : memref<1x128xi32, #tpu.memory_space<vmem>> -> memref<128xi32, #tpu.memory_space<vmem>>
      %dma_wait3A_325 = arith.constant 0 : i32
      %dma_wait3A_326 = arith.constant 0 : i32
      %dma_wait3A_327 = tpu.memref_slice %arg12[%dma_wait3A_325, %dma_wait3A_326] : memref<640x16xf32, #tpu.memory_space<vmem_shared>> -> memref<640x16xf32, #tpu.memory_space<vmem_shared>>
      tpu.wait_indirect_dma semaphore(%run_scoped3A_311 : memref<!tpu.dma_semaphore, #tpu.memory_space<semaphore_mem>>) src(%dma_wait3A_321 : memref<128x16xf32, #tpu.memory_space<vmem>>) dst(%dma_wait3A_327 : memref<640x16xf32, #tpu.memory_space<vmem_shared>>)
      tpu.yield
    }) : () -> ()
    %run_scoped3A_302 = arith.constant 4 : i32
    "tpu.region"() ({
      %run_scoped3A_311 = tpu.sem_alloc : memref<!tpu.dma_semaphore, #tpu.memory_space<semaphore_mem>>
      %dma_start3A = arith.constant 512 : i32
      %dma_start3A_312 = arith.constant 0 : i32
      %dma_start3A_313 = tpu.memref_slice %arg9[%dma_start3A, %dma_start3A_312] : memref<640x16xf32, #tpu.memory_space<vmem>> -> memref<128x16xf32, #tpu.memory_space<vmem>>
      %dma_start3A_314 = arith.constant 0 : i32
      %dma_start3A_315 = tpu.memref_slice %arg10[%run_scoped3A_302, %dma_start3A_314] : memref<5x128xi32, #tpu.memory_space<vmem>> -> memref<1x128xi32, #tpu.memory_space<vmem>>
      %dma_start3A_316 = tpu.memref_squeeze %dma_start3A_315 : memref<1x128xi32, #tpu.memory_space<vmem>> -> memref<128xi32, #tpu.memory_space<vmem>>
      %dma_start3A_317 = arith.constant 0 : i32
      %dma_start3A_318 = arith.constant 0 : i32
      %dma_start3A_319 = tpu.memref_slice %arg13[%dma_start3A_317, %dma_start3A_318] : memref<640x16xf32, #tpu.memory_space<vmem_shared>> -> memref<640x16xf32, #tpu.memory_space<vmem_shared>>
      tpu.enqueue_indirect_dma source(%dma_start3A_313 : memref<128x16xf32, #tpu.memory_space<vmem>>) target(%dma_start3A_319 : memref<640x16xf32, #tpu.memory_space<vmem_shared>>) offsets(%dma_start3A_316 : memref<128xi32, #tpu.memory_space<vmem>>) semaphore(%run_scoped3A_311 : memref<!tpu.dma_semaphore, #tpu.memory_space<semaphore_mem>>) {add = true}
      %dma_wait3A = arith.constant 512 : i32
      %dma_wait3A_320 = arith.constant 0 : i32
      %dma_wait3A_321 = tpu.memref_slice %arg9[%dma_wait3A, %dma_wait3A_320] : memref<640x16xf32, #tpu.memory_space<vmem>> -> memref<128x16xf32, #tpu.memory_space<vmem>>
      %dma_wait3A_322 = arith.constant 0 : i32
      %dma_wait3A_323 = tpu.memref_slice %arg10[%run_scoped3A_302, %dma_wait3A_322] : memref<5x128xi32, #tpu.memory_space<vmem>> -> memref<1x128xi32, #tpu.memory_space<vmem>>
      %dma_wait3A_324 = tpu.memref_squeeze %dma_wait3A_323 : memref<1x128xi32, #tpu.memory_space<vmem>> -> memref<128xi32, #tpu.memory_space<vmem>>
      %dma_wait3A_325 = arith.constant 0 : i32
      %dma_wait3A_326 = arith.constant 0 : i32
      %dma_wait3A_327 = tpu.memref_slice %arg13[%dma_wait3A_325, %dma_wait3A_326] : memref<640x16xf32, #tpu.memory_space<vmem_shared>> -> memref<640x16xf32, #tpu.memory_space<vmem_shared>>
      tpu.wait_indirect_dma semaphore(%run_scoped3A_311 : memref<!tpu.dma_semaphore, #tpu.memory_space<semaphore_mem>>) src(%dma_wait3A_321 : memref<128x16xf32, #tpu.memory_space<vmem>>) dst(%dma_wait3A_327 : memref<640x16xf32, #tpu.memory_space<vmem_shared>>)
      tpu.yield
    }) : () -> ()
    %barrier3A_303 = arith.constant 0 : index
    tpu.barrier barrier_id(%barrier3A_303)
    %mul3A = arith.constant 40 : i32
    %mul3A_304 = arith.muli %arg1, %mul3A : i32
    "tpu.region"() ({
      %run_scoped3A_311 = tpu.sem_alloc : memref<!tpu.dma_semaphore, #tpu.memory_space<semaphore_mem>>
      %dma_start3A = arith.constant 0 : i32
      %dma_start3A_312 = tpu.memref_slice %arg12[%mul3A_304, %dma_start3A] : memref<640x16xf32, #tpu.memory_space<vmem_shared>> -> memref<40x16xf32, #tpu.memory_space<vmem_shared>>
      %dma_start3A_313 = arith.constant 0 : i32
      %dma_start3A_314 = tpu.memref_slice %arg12[%mul3A_304, %dma_start3A_313] : memref<640x16xf32, #tpu.memory_space<vmem_shared>> -> memref<40x16xf32, #tpu.memory_space<vmem_shared>>
      tpu.enqueue_dma source(%dma_start3A_314 : memref<40x16xf32, #tpu.memory_space<vmem_shared>>) target(%arg11 : memref<40x16xf32, #tpu.memory_space<vmem>>) target_semaphore(%run_scoped3A_311 : memref<!tpu.dma_semaphore, #tpu.memory_space<semaphore_mem>>)
      %dma_wait3A = arith.constant 0 : i32
      %dma_wait3A_315 = tpu.memref_slice %arg12[%mul3A_304, %dma_wait3A] : memref<640x16xf32, #tpu.memory_space<vmem_shared>> -> memref<40x16xf32, #tpu.memory_space<vmem_shared>>
      %dma_wait3A_316 = arith.constant 0 : i32
      %dma_wait3A_317 = tpu.memref_slice %arg12[%mul3A_304, %dma_wait3A_316] : memref<640x16xf32, #tpu.memory_space<vmem_shared>> -> memref<40x16xf32, #tpu.memory_space<vmem_shared>>
      tpu.wait_dma2 semaphore(%run_scoped3A_311 : memref<!tpu.dma_semaphore, #tpu.memory_space<semaphore_mem>>) src(%dma_wait3A_317 : memref<40x16xf32, #tpu.memory_space<vmem_shared>>) dst(%arg11 : memref<40x16xf32, #tpu.memory_space<vmem>>)
      tpu.yield
    }) : () -> ()
    %mul3A_305 = arith.constant 40 : i32
    %mul3A_306 = arith.muli %arg1, %mul3A_305 : i32
    "tpu.region"() ({
      %run_scoped3A_311 = tpu.sem_alloc : memref<!tpu.dma_semaphore, #tpu.memory_space<semaphore_mem>>
      %dma_start3A = arith.constant 0 : i32
      %dma_start3A_312 = tpu.memref_slice %arg4[%arg0, %mul3A_306, %dma_start3A] : memref<2x640x16xf32, #tpu.memory_space<hbm>> -> memref<1x40x16xf32, #tpu.memory_space<hbm>>
      %dma_start3A_313 = tpu.memref_squeeze %dma_start3A_312 : memref<1x40x16xf32, #tpu.memory_space<hbm>> -> memref<40x16xf32, #tpu.memory_space<hbm>>
      %dma_start3A_314 = arith.constant 0 : i32
      %dma_start3A_315 = tpu.memref_slice %arg4[%arg0, %mul3A_306, %dma_start3A_314] : memref<2x640x16xf32, #tpu.memory_space<hbm>> -> memref<1x40x16xf32, #tpu.memory_space<hbm>>
      %dma_start3A_316 = tpu.memref_squeeze %dma_start3A_315 : memref<1x40x16xf32, #tpu.memory_space<hbm>> -> memref<40x16xf32, #tpu.memory_space<hbm>>
      tpu.enqueue_dma source(%arg11 : memref<40x16xf32, #tpu.memory_space<vmem>>) target(%dma_start3A_316 : memref<40x16xf32, #tpu.memory_space<hbm>>) target_semaphore(%run_scoped3A_311 : memref<!tpu.dma_semaphore, #tpu.memory_space<semaphore_mem>>)
      %dma_wait3A = arith.constant 0 : i32
      %dma_wait3A_317 = tpu.memref_slice %arg4[%arg0, %mul3A_306, %dma_wait3A] : memref<2x640x16xf32, #tpu.memory_space<hbm>> -> memref<1x40x16xf32, #tpu.memory_space<hbm>>
      %dma_wait3A_318 = tpu.memref_squeeze %dma_wait3A_317 : memref<1x40x16xf32, #tpu.memory_space<hbm>> -> memref<40x16xf32, #tpu.memory_space<hbm>>
      %dma_wait3A_319 = arith.constant 0 : i32
      %dma_wait3A_320 = tpu.memref_slice %arg4[%arg0, %mul3A_306, %dma_wait3A_319] : memref<2x640x16xf32, #tpu.memory_space<hbm>> -> memref<1x40x16xf32, #tpu.memory_space<hbm>>
      %dma_wait3A_321 = tpu.memref_squeeze %dma_wait3A_320 : memref<1x40x16xf32, #tpu.memory_space<hbm>> -> memref<40x16xf32, #tpu.memory_space<hbm>>
      tpu.wait_dma2 semaphore(%run_scoped3A_311 : memref<!tpu.dma_semaphore, #tpu.memory_space<semaphore_mem>>) src(%arg11 : memref<40x16xf32, #tpu.memory_space<vmem>>) dst(%dma_wait3A_321 : memref<40x16xf32, #tpu.memory_space<hbm>>)
      tpu.yield
    }) : () -> ()
    %mul3A_307 = arith.constant 40 : i32
    %mul3A_308 = arith.muli %arg1, %mul3A_307 : i32
    "tpu.region"() ({
      %run_scoped3A_311 = tpu.sem_alloc : memref<!tpu.dma_semaphore, #tpu.memory_space<semaphore_mem>>
      %dma_start3A = arith.constant 0 : i32
      %dma_start3A_312 = tpu.memref_slice %arg13[%mul3A_308, %dma_start3A] : memref<640x16xf32, #tpu.memory_space<vmem_shared>> -> memref<40x16xf32, #tpu.memory_space<vmem_shared>>
      %dma_start3A_313 = arith.constant 0 : i32
      %dma_start3A_314 = tpu.memref_slice %arg13[%mul3A_308, %dma_start3A_313] : memref<640x16xf32, #tpu.memory_space<vmem_shared>> -> memref<40x16xf32, #tpu.memory_space<vmem_shared>>
      tpu.enqueue_dma source(%dma_start3A_314 : memref<40x16xf32, #tpu.memory_space<vmem_shared>>) target(%arg11 : memref<40x16xf32, #tpu.memory_space<vmem>>) target_semaphore(%run_scoped3A_311 : memref<!tpu.dma_semaphore, #tpu.memory_space<semaphore_mem>>)
      %dma_wait3A = arith.constant 0 : i32
      %dma_wait3A_315 = tpu.memref_slice %arg13[%mul3A_308, %dma_wait3A] : memref<640x16xf32, #tpu.memory_space<vmem_shared>> -> memref<40x16xf32, #tpu.memory_space<vmem_shared>>
      %dma_wait3A_316 = arith.constant 0 : i32
      %dma_wait3A_317 = tpu.memref_slice %arg13[%mul3A_308, %dma_wait3A_316] : memref<640x16xf32, #tpu.memory_space<vmem_shared>> -> memref<40x16xf32, #tpu.memory_space<vmem_shared>>
      tpu.wait_dma2 semaphore(%run_scoped3A_311 : memref<!tpu.dma_semaphore, #tpu.memory_space<semaphore_mem>>) src(%dma_wait3A_317 : memref<40x16xf32, #tpu.memory_space<vmem_shared>>) dst(%arg11 : memref<40x16xf32, #tpu.memory_space<vmem>>)
      tpu.yield
    }) : () -> ()
    %mul3A_309 = arith.constant 40 : i32
    %mul3A_310 = arith.muli %arg1, %mul3A_309 : i32
    "tpu.region"() ({
      %run_scoped3A_311 = tpu.sem_alloc : memref<!tpu.dma_semaphore, #tpu.memory_space<semaphore_mem>>
      %dma_start3A = arith.constant 0 : i32
      %dma_start3A_312 = tpu.memref_slice %arg5[%arg0, %mul3A_310, %dma_start3A] : memref<2x640x16xf32, #tpu.memory_space<hbm>> -> memref<1x40x16xf32, #tpu.memory_space<hbm>>
      %dma_start3A_313 = tpu.memref_squeeze %dma_start3A_312 : memref<1x40x16xf32, #tpu.memory_space<hbm>> -> memref<40x16xf32, #tpu.memory_space<hbm>>
      %dma_start3A_314 = arith.constant 0 : i32
      %dma_start3A_315 = tpu.memref_slice %arg5[%arg0, %mul3A_310, %dma_start3A_314] : memref<2x640x16xf32, #tpu.memory_space<hbm>> -> memref<1x40x16xf32, #tpu.memory_space<hbm>>
      %dma_start3A_316 = tpu.memref_squeeze %dma_start3A_315 : memref<1x40x16xf32, #tpu.memory_space<hbm>> -> memref<40x16xf32, #tpu.memory_space<hbm>>
      tpu.enqueue_dma source(%arg11 : memref<40x16xf32, #tpu.memory_space<vmem>>) target(%dma_start3A_316 : memref<40x16xf32, #tpu.memory_space<hbm>>) target_semaphore(%run_scoped3A_311 : memref<!tpu.dma_semaphore, #tpu.memory_space<semaphore_mem>>)
      %dma_wait3A = arith.constant 0 : i32
      %dma_wait3A_317 = tpu.memref_slice %arg5[%arg0, %mul3A_310, %dma_wait3A] : memref<2x640x16xf32, #tpu.memory_space<hbm>> -> memref<1x40x16xf32, #tpu.memory_space<hbm>>
      %dma_wait3A_318 = tpu.memref_squeeze %dma_wait3A_317 : memref<1x40x16xf32, #tpu.memory_space<hbm>> -> memref<40x16xf32, #tpu.memory_space<hbm>>
      %dma_wait3A_319 = arith.constant 0 : i32
      %dma_wait3A_320 = tpu.memref_slice %arg5[%arg0, %mul3A_310, %dma_wait3A_319] : memref<2x640x16xf32, #tpu.memory_space<hbm>> -> memref<1x40x16xf32, #tpu.memory_space<hbm>>
      %dma_wait3A_321 = tpu.memref_squeeze %dma_wait3A_320 : memref<1x40x16xf32, #tpu.memory_space<hbm>> -> memref<40x16xf32, #tpu.memory_space<hbm>>
      tpu.wait_dma2 semaphore(%run_scoped3A_311 : memref<!tpu.dma_semaphore, #tpu.memory_space<semaphore_mem>>) src(%arg11 : memref<40x16xf32, #tpu.memory_space<vmem>>) dst(%dma_wait3A_321 : memref<40x16xf32, #tpu.memory_space<hbm>>)
      tpu.yield
    }) : () -> ()
    return
  }
}

#map = affine_map<(d0, d1) -> (0, 0)>
#map1 = affine_map<(d0, d1) -> (0, 0, 0, 0)>
#map2 = affine_map<(d0, d1) -> (0, 0, 0)>
module attributes {stable_mosaic.version = 14 : i64} {
  func.func @_mp_body(%arg0: i32, %arg1: i32, %arg2: memref<10000x128xf32, #tpu.memory_space<hbm>>, %arg3: memref<2x16x125x80xi32, #tpu.memory_space<hbm>>, %arg4: memref<2x16x125x80xi32, #tpu.memory_space<hbm>>, %arg5: memref<2x10000x128xf32, #tpu.memory_space<hbm>>, %arg6: memref<125x80xi32, #tpu.memory_space<vmem>>, %arg7: memref<125x80xi32, #tpu.memory_space<vmem>>, %arg8: memref<3x80x128xf32, #tpu.memory_space<vmem>>, %arg9: memref<10000x128xf32, #tpu.memory_space<vmem_shared>>, %arg10: memref<!tpu.dma_semaphore, #tpu.memory_space<semaphore_mem>>) attributes {dimension_semantics = [#tpu.dimension_semantics<core_parallel>, #tpu.dimension_semantics<subcore_parallel>], iteration_bounds = array<i64: 2, 16>, scalar_prefetch = 0 : i64, scratch_operands = 5 : i64, tpu.core_type = #tpu.core_type<sc_vector_subcore>, window_params = [{transform_indices = #map}, {transform_indices = #map1}, {transform_indices = #map1}, {transform_indices = #map2}]} {
    %broadcast_in_dim3A = arith.constant 0.000000e+00 : f32
    %broadcast_in_dim3A_0 = vector.broadcast %broadcast_in_dim3A : f32 to vector<16xf32>
    "tpu.region"() ({
      %run_scoped3A_68 = tpu.sem_alloc : memref<!tpu.dma_semaphore, #tpu.memory_space<semaphore_mem>>
      %dma_start3A_69 = arith.constant 0 : i32
      %dma_start3A_70 = arith.constant 0 : i32
      %dma_start3A_71 = tpu.memref_slice %arg3[%arg0, %arg1, %dma_start3A_69, %dma_start3A_70] : memref<2x16x125x80xi32, #tpu.memory_space<hbm>> -> memref<1x1x125x80xi32, #tpu.memory_space<hbm>>
      %dma_start3A_72 = tpu.memref_squeeze %dma_start3A_71 : memref<1x1x125x80xi32, #tpu.memory_space<hbm>> -> memref<125x80xi32, #tpu.memory_space<hbm>>
      %dma_start3A_73 = arith.constant 0 : i32
      %dma_start3A_74 = arith.constant 0 : i32
      %dma_start3A_75 = tpu.memref_slice %arg3[%arg0, %arg1, %dma_start3A_73, %dma_start3A_74] : memref<2x16x125x80xi32, #tpu.memory_space<hbm>> -> memref<1x1x125x80xi32, #tpu.memory_space<hbm>>
      %dma_start3A_76 = tpu.memref_squeeze %dma_start3A_75 : memref<1x1x125x80xi32, #tpu.memory_space<hbm>> -> memref<125x80xi32, #tpu.memory_space<hbm>>
      tpu.enqueue_dma source(%dma_start3A_76 : memref<125x80xi32, #tpu.memory_space<hbm>>) target(%arg6 : memref<125x80xi32, #tpu.memory_space<vmem>>) target_semaphore(%run_scoped3A_68 : memref<!tpu.dma_semaphore, #tpu.memory_space<semaphore_mem>>)
      %dma_wait3A = arith.constant 0 : i32
      %dma_wait3A_77 = arith.constant 0 : i32
      %dma_wait3A_78 = tpu.memref_slice %arg3[%arg0, %arg1, %dma_wait3A, %dma_wait3A_77] : memref<2x16x125x80xi32, #tpu.memory_space<hbm>> -> memref<1x1x125x80xi32, #tpu.memory_space<hbm>>
      %dma_wait3A_79 = tpu.memref_squeeze %dma_wait3A_78 : memref<1x1x125x80xi32, #tpu.memory_space<hbm>> -> memref<125x80xi32, #tpu.memory_space<hbm>>
      %dma_wait3A_80 = arith.constant 0 : i32
      %dma_wait3A_81 = arith.constant 0 : i32
      %dma_wait3A_82 = tpu.memref_slice %arg3[%arg0, %arg1, %dma_wait3A_80, %dma_wait3A_81] : memref<2x16x125x80xi32, #tpu.memory_space<hbm>> -> memref<1x1x125x80xi32, #tpu.memory_space<hbm>>
      %dma_wait3A_83 = tpu.memref_squeeze %dma_wait3A_82 : memref<1x1x125x80xi32, #tpu.memory_space<hbm>> -> memref<125x80xi32, #tpu.memory_space<hbm>>
      tpu.wait_dma2 semaphore(%run_scoped3A_68 : memref<!tpu.dma_semaphore, #tpu.memory_space<semaphore_mem>>) src(%dma_wait3A_83 : memref<125x80xi32, #tpu.memory_space<hbm>>) dst(%arg6 : memref<125x80xi32, #tpu.memory_space<vmem>>)
      tpu.yield
    }) : () -> ()
    "tpu.region"() ({
      %run_scoped3A_68 = tpu.sem_alloc : memref<!tpu.dma_semaphore, #tpu.memory_space<semaphore_mem>>
      %dma_start3A_69 = arith.constant 0 : i32
      %dma_start3A_70 = arith.constant 0 : i32
      %dma_start3A_71 = tpu.memref_slice %arg4[%arg0, %arg1, %dma_start3A_69, %dma_start3A_70] : memref<2x16x125x80xi32, #tpu.memory_space<hbm>> -> memref<1x1x125x80xi32, #tpu.memory_space<hbm>>
      %dma_start3A_72 = tpu.memref_squeeze %dma_start3A_71 : memref<1x1x125x80xi32, #tpu.memory_space<hbm>> -> memref<125x80xi32, #tpu.memory_space<hbm>>
      %dma_start3A_73 = arith.constant 0 : i32
      %dma_start3A_74 = arith.constant 0 : i32
      %dma_start3A_75 = tpu.memref_slice %arg4[%arg0, %arg1, %dma_start3A_73, %dma_start3A_74] : memref<2x16x125x80xi32, #tpu.memory_space<hbm>> -> memref<1x1x125x80xi32, #tpu.memory_space<hbm>>
      %dma_start3A_76 = tpu.memref_squeeze %dma_start3A_75 : memref<1x1x125x80xi32, #tpu.memory_space<hbm>> -> memref<125x80xi32, #tpu.memory_space<hbm>>
      tpu.enqueue_dma source(%dma_start3A_76 : memref<125x80xi32, #tpu.memory_space<hbm>>) target(%arg7 : memref<125x80xi32, #tpu.memory_space<vmem>>) target_semaphore(%run_scoped3A_68 : memref<!tpu.dma_semaphore, #tpu.memory_space<semaphore_mem>>)
      %dma_wait3A = arith.constant 0 : i32
      %dma_wait3A_77 = arith.constant 0 : i32
      %dma_wait3A_78 = tpu.memref_slice %arg4[%arg0, %arg1, %dma_wait3A, %dma_wait3A_77] : memref<2x16x125x80xi32, #tpu.memory_space<hbm>> -> memref<1x1x125x80xi32, #tpu.memory_space<hbm>>
      %dma_wait3A_79 = tpu.memref_squeeze %dma_wait3A_78 : memref<1x1x125x80xi32, #tpu.memory_space<hbm>> -> memref<125x80xi32, #tpu.memory_space<hbm>>
      %dma_wait3A_80 = arith.constant 0 : i32
      %dma_wait3A_81 = arith.constant 0 : i32
      %dma_wait3A_82 = tpu.memref_slice %arg4[%arg0, %arg1, %dma_wait3A_80, %dma_wait3A_81] : memref<2x16x125x80xi32, #tpu.memory_space<hbm>> -> memref<1x1x125x80xi32, #tpu.memory_space<hbm>>
      %dma_wait3A_83 = tpu.memref_squeeze %dma_wait3A_82 : memref<1x1x125x80xi32, #tpu.memory_space<hbm>> -> memref<125x80xi32, #tpu.memory_space<hbm>>
      tpu.wait_dma2 semaphore(%run_scoped3A_68 : memref<!tpu.dma_semaphore, #tpu.memory_space<semaphore_mem>>) src(%dma_wait3A_83 : memref<125x80xi32, #tpu.memory_space<hbm>>) dst(%arg7 : memref<125x80xi32, #tpu.memory_space<vmem>>)
      tpu.yield
    }) : () -> ()
    %scan3A = arith.constant 0 : i32
    %scan3A_1 = arith.constant 0 : i32
    %scan3A_2 = arith.constant 80 : i32
    %scan3A_3 = arith.addi %scan3A_1, %scan3A_2 : i32
    %scan3A_4 = arith.constant 1 : i32
    scf.for %scan3A_68 = %scan3A_1 to %scan3A_3 step %scan3A_4  : i32 {
      %swap3A = arith.constant 0 : i32
      %swap3A_69 = arith.index_cast %swap3A : i32 to index
      %swap3A_70 = arith.index_cast %scan3A_68 : i32 to index
      %swap3A_71 = arith.constant 0 : index
      %swap3A_72 = tpu.vector_load %arg8[%swap3A_69, %swap3A_70, %swap3A_71] {strides = array<i32>} : memref<3x80x128xf32, #tpu.memory_space<vmem>>, vector<16xf32>,
      tpu.vector_store %arg8[%swap3A_69, %swap3A_70, %swap3A_71], %broadcast_in_dim3A_0 {strides = array<i32>} : memref<3x80x128xf32, #tpu.memory_space<vmem>>, vector<16xf32>,
      %swap3A_73 = arith.constant 0 : i32
      %swap3A_74 = arith.index_cast %swap3A_73 : i32 to index
      %swap3A_75 = arith.index_cast %scan3A_68 : i32 to index
      %swap3A_76 = arith.constant 16 : index
      %swap3A_77 = tpu.vector_load %arg8[%swap3A_74, %swap3A_75, %swap3A_76] {strides = array<i32>} : memref<3x80x128xf32, #tpu.memory_space<vmem>>, vector<16xf32>,
      tpu.vector_store %arg8[%swap3A_74, %swap3A_75, %swap3A_76], %broadcast_in_dim3A_0 {strides = array<i32>} : memref<3x80x128xf32, #tpu.memory_space<vmem>>, vector<16xf32>,
      %swap3A_78 = arith.constant 0 : i32
      %swap3A_79 = arith.index_cast %swap3A_78 : i32 to index
      %swap3A_80 = arith.index_cast %scan3A_68 : i32 to index
      %swap3A_81 = arith.constant 32 : index
      %swap3A_82 = tpu.vector_load %arg8[%swap3A_79, %swap3A_80, %swap3A_81] {strides = array<i32>} : memref<3x80x128xf32, #tpu.memory_space<vmem>>, vector<16xf32>,
      tpu.vector_store %arg8[%swap3A_79, %swap3A_80, %swap3A_81], %broadcast_in_dim3A_0 {strides = array<i32>} : memref<3x80x128xf32, #tpu.memory_space<vmem>>, vector<16xf32>,
      %swap3A_83 = arith.constant 0 : i32
      %swap3A_84 = arith.index_cast %swap3A_83 : i32 to index
      %swap3A_85 = arith.index_cast %scan3A_68 : i32 to index
      %swap3A_86 = arith.constant 48 : index
      %swap3A_87 = tpu.vector_load %arg8[%swap3A_84, %swap3A_85, %swap3A_86] {strides = array<i32>} : memref<3x80x128xf32, #tpu.memory_space<vmem>>, vector<16xf32>,
      tpu.vector_store %arg8[%swap3A_84, %swap3A_85, %swap3A_86], %broadcast_in_dim3A_0 {strides = array<i32>} : memref<3x80x128xf32, #tpu.memory_space<vmem>>, vector<16xf32>,
      %swap3A_88 = arith.constant 0 : i32
      %swap3A_89 = arith.index_cast %swap3A_88 : i32 to index
      %swap3A_90 = arith.index_cast %scan3A_68 : i32 to index
      %swap3A_91 = arith.constant 64 : index
      %swap3A_92 = tpu.vector_load %arg8[%swap3A_89, %swap3A_90, %swap3A_91] {strides = array<i32>} : memref<3x80x128xf32, #tpu.memory_space<vmem>>, vector<16xf32>,
      tpu.vector_store %arg8[%swap3A_89, %swap3A_90, %swap3A_91], %broadcast_in_dim3A_0 {strides = array<i32>} : memref<3x80x128xf32, #tpu.memory_space<vmem>>, vector<16xf32>,
      %swap3A_93 = arith.constant 0 : i32
      %swap3A_94 = arith.index_cast %swap3A_93 : i32 to index
      %swap3A_95 = arith.index_cast %scan3A_68 : i32 to index
      %swap3A_96 = arith.constant 80 : index
      %swap3A_97 = tpu.vector_load %arg8[%swap3A_94, %swap3A_95, %swap3A_96] {strides = array<i32>} : memref<3x80x128xf32, #tpu.memory_space<vmem>>, vector<16xf32>,
      tpu.vector_store %arg8[%swap3A_94, %swap3A_95, %swap3A_96], %broadcast_in_dim3A_0 {strides = array<i32>} : memref<3x80x128xf32, #tpu.memory_space<vmem>>, vector<16xf32>,
      %swap3A_98 = arith.constant 0 : i32
      %swap3A_99 = arith.index_cast %swap3A_98 : i32 to index
      %swap3A_100 = arith.index_cast %scan3A_68 : i32 to index
      %swap3A_101 = arith.constant 96 : index
      %swap3A_102 = tpu.vector_load %arg8[%swap3A_99, %swap3A_100, %swap3A_101] {strides = array<i32>} : memref<3x80x128xf32, #tpu.memory_space<vmem>>, vector<16xf32>,
      tpu.vector_store %arg8[%swap3A_99, %swap3A_100, %swap3A_101], %broadcast_in_dim3A_0 {strides = array<i32>} : memref<3x80x128xf32, #tpu.memory_space<vmem>>, vector<16xf32>,
      %swap3A_103 = arith.constant 0 : i32
      %swap3A_104 = arith.index_cast %swap3A_103 : i32 to index
      %swap3A_105 = arith.index_cast %scan3A_68 : i32 to index
      %swap3A_106 = arith.constant 112 : index
      %swap3A_107 = tpu.vector_load %arg8[%swap3A_104, %swap3A_105, %swap3A_106] {strides = array<i32>} : memref<3x80x128xf32, #tpu.memory_space<vmem>>, vector<16xf32>,
      tpu.vector_store %arg8[%swap3A_104, %swap3A_105, %swap3A_106], %broadcast_in_dim3A_0 {strides = array<i32>} : memref<3x80x128xf32, #tpu.memory_space<vmem>>, vector<16xf32>,
    }
    %scan3A_5 = arith.constant 80 : i32
    %scan3A_6 = arith.constant 0 : i32
    %scan3A_7 = arith.constant 0 : i32
    %scan3A_8 = arith.constant 7 : i32
    %scan3A_9 = arith.addi %scan3A_7, %scan3A_8 : i32
    %scan3A_10 = arith.constant 1 : i32
    scf.for %scan3A_68 = %scan3A_7 to %scan3A_9 step %scan3A_10  : i32 {
      %mul3A_69 = arith.constant 625 : i32
      %mul3A_70 = arith.muli %arg1, %mul3A_69 : i32
      %mul3A_71 = arith.constant 80 : i32
      %mul3A_72 = arith.muli %scan3A_68, %mul3A_71 : i32
      %add3A_73 = arith.addi %mul3A_70, %mul3A_72 : i32
      %run_scoped3A_74 = arith.constant 0 : i32
      "tpu.region"() ({
        %run_scoped3A_75 = tpu.sem_alloc : memref<!tpu.dma_semaphore, #tpu.memory_space<semaphore_mem>>
        %dma_start3A_76 = arith.constant 0 : i32
        %dma_start3A_77 = arith.constant 0 : i32
        %dma_start3A_78 = tpu.memref_slice %arg8[%run_scoped3A_74, %dma_start3A_76, %dma_start3A_77] : memref<3x80x128xf32, #tpu.memory_space<vmem>> -> memref<1x80x128xf32, #tpu.memory_space<vmem>>
        %dma_start3A_79 = tpu.memref_squeeze %dma_start3A_78 : memref<1x80x128xf32, #tpu.memory_space<vmem>> -> memref<80x128xf32, #tpu.memory_space<vmem>>
        %dma_start3A_80 = arith.constant 0 : i32
        %dma_start3A_81 = tpu.memref_slice %arg9[%add3A_73, %dma_start3A_80] : memref<10000x128xf32, #tpu.memory_space<vmem_shared>> -> memref<80x128xf32, #tpu.memory_space<vmem_shared>>
        %dma_start3A_82 = arith.constant 0 : i32
        %dma_start3A_83 = tpu.memref_slice %arg9[%add3A_73, %dma_start3A_82] : memref<10000x128xf32, #tpu.memory_space<vmem_shared>> -> memref<80x128xf32, #tpu.memory_space<vmem_shared>>
        %dma_start3A_84 = arith.constant 0 : i32
        %dma_start3A_85 = arith.constant 0 : i32
        %dma_start3A_86 = tpu.memref_slice %arg8[%run_scoped3A_74, %dma_start3A_84, %dma_start3A_85] : memref<3x80x128xf32, #tpu.memory_space<vmem>> -> memref<1x80x128xf32, #tpu.memory_space<vmem>>
        %dma_start3A_87 = tpu.memref_squeeze %dma_start3A_86 : memref<1x80x128xf32, #tpu.memory_space<vmem>> -> memref<80x128xf32, #tpu.memory_space<vmem>>
        tpu.enqueue_dma source(%dma_start3A_87 : memref<80x128xf32, #tpu.memory_space<vmem>>) target(%dma_start3A_83 : memref<80x128xf32, #tpu.memory_space<vmem_shared>>) target_semaphore(%run_scoped3A_75 : memref<!tpu.dma_semaphore, #tpu.memory_space<semaphore_mem>>)
        %dma_wait3A = arith.constant 0 : i32
        %dma_wait3A_88 = arith.constant 0 : i32
        %dma_wait3A_89 = tpu.memref_slice %arg8[%run_scoped3A_74, %dma_wait3A, %dma_wait3A_88] : memref<3x80x128xf32, #tpu.memory_space<vmem>> -> memref<1x80x128xf32, #tpu.memory_space<vmem>>
        %dma_wait3A_90 = tpu.memref_squeeze %dma_wait3A_89 : memref<1x80x128xf32, #tpu.memory_space<vmem>> -> memref<80x128xf32, #tpu.memory_space<vmem>>
        %dma_wait3A_91 = arith.constant 0 : i32
        %dma_wait3A_92 = tpu.memref_slice %arg9[%add3A_73, %dma_wait3A_91] : memref<10000x128xf32, #tpu.memory_space<vmem_shared>> -> memref<80x128xf32, #tpu.memory_space<vmem_shared>>
        %dma_wait3A_93 = arith.constant 0 : i32
        %dma_wait3A_94 = tpu.memref_slice %arg9[%add3A_73, %dma_wait3A_93] : memref<10000x128xf32, #tpu.memory_space<vmem_shared>> -> memref<80x128xf32, #tpu.memory_space<vmem_shared>>
        %dma_wait3A_95 = arith.constant 0 : i32
        %dma_wait3A_96 = arith.constant 0 : i32
        %dma_wait3A_97 = tpu.memref_slice %arg8[%run_scoped3A_74, %dma_wait3A_95, %dma_wait3A_96] : memref<3x80x128xf32, #tpu.memory_space<vmem>> -> memref<1x80x128xf32, #tpu.memory_space<vmem>>
        %dma_wait3A_98 = tpu.memref_squeeze %dma_wait3A_97 : memref<1x80x128xf32, #tpu.memory_space<vmem>> -> memref<80x128xf32, #tpu.memory_space<vmem>>
        tpu.wait_dma2 semaphore(%run_scoped3A_75 : memref<!tpu.dma_semaphore, #tpu.memory_space<semaphore_mem>>) src(%dma_wait3A_98 : memref<80x128xf32, #tpu.memory_space<vmem>>) dst(%dma_wait3A_94 : memref<80x128xf32, #tpu.memory_space<vmem_shared>>)
        tpu.yield
      }) : () -> ()
    }
    %scan3A_11 = arith.constant 7 : i32
    %mul3A = arith.constant 625 : i32
    %mul3A_12 = arith.muli %arg1, %mul3A : i32
    %add3A = arith.constant 560 : i32
    %add3A_13 = arith.addi %mul3A_12, %add3A : i32
    %run_scoped3A = arith.constant 0 : i32
    "tpu.region"() ({
      %run_scoped3A_68 = tpu.sem_alloc : memref<!tpu.dma_semaphore, #tpu.memory_space<semaphore_mem>>
      %dma_start3A_69 = arith.constant 0 : i32
      %dma_start3A_70 = arith.constant 0 : i32
      %dma_start3A_71 = tpu.memref_slice %arg8[%run_scoped3A, %dma_start3A_69, %dma_start3A_70] : memref<3x80x128xf32, #tpu.memory_space<vmem>> -> memref<1x65x128xf32, #tpu.memory_space<vmem>>
      %dma_start3A_72 = tpu.memref_squeeze %dma_start3A_71 : memref<1x65x128xf32, #tpu.memory_space<vmem>> -> memref<65x128xf32, #tpu.memory_space<vmem>>
      %dma_start3A_73 = arith.constant 0 : i32
      %dma_start3A_74 = tpu.memref_slice %arg9[%add3A_13, %dma_start3A_73] : memref<10000x128xf32, #tpu.memory_space<vmem_shared>> -> memref<65x128xf32, #tpu.memory_space<vmem_shared>>
      %dma_start3A_75 = arith.constant 0 : i32
      %dma_start3A_76 = tpu.memref_slice %arg9[%add3A_13, %dma_start3A_75] : memref<10000x128xf32, #tpu.memory_space<vmem_shared>> -> memref<65x128xf32, #tpu.memory_space<vmem_shared>>
      %dma_start3A_77 = arith.constant 0 : i32
      %dma_start3A_78 = arith.constant 0 : i32
      %dma_start3A_79 = tpu.memref_slice %arg8[%run_scoped3A, %dma_start3A_77, %dma_start3A_78] : memref<3x80x128xf32, #tpu.memory_space<vmem>> -> memref<1x65x128xf32, #tpu.memory_space<vmem>>
      %dma_start3A_80 = tpu.memref_squeeze %dma_start3A_79 : memref<1x65x128xf32, #tpu.memory_space<vmem>> -> memref<65x128xf32, #tpu.memory_space<vmem>>
      tpu.enqueue_dma source(%dma_start3A_80 : memref<65x128xf32, #tpu.memory_space<vmem>>) target(%dma_start3A_76 : memref<65x128xf32, #tpu.memory_space<vmem_shared>>) target_semaphore(%run_scoped3A_68 : memref<!tpu.dma_semaphore, #tpu.memory_space<semaphore_mem>>)
      %dma_wait3A = arith.constant 0 : i32
      %dma_wait3A_81 = arith.constant 0 : i32
      %dma_wait3A_82 = tpu.memref_slice %arg8[%run_scoped3A, %dma_wait3A, %dma_wait3A_81] : memref<3x80x128xf32, #tpu.memory_space<vmem>> -> memref<1x65x128xf32, #tpu.memory_space<vmem>>
      %dma_wait3A_83 = tpu.memref_squeeze %dma_wait3A_82 : memref<1x65x128xf32, #tpu.memory_space<vmem>> -> memref<65x128xf32, #tpu.memory_space<vmem>>
      %dma_wait3A_84 = arith.constant 0 : i32
      %dma_wait3A_85 = tpu.memref_slice %arg9[%add3A_13, %dma_wait3A_84] : memref<10000x128xf32, #tpu.memory_space<vmem_shared>> -> memref<65x128xf32, #tpu.memory_space<vmem_shared>>
      %dma_wait3A_86 = arith.constant 0 : i32
      %dma_wait3A_87 = tpu.memref_slice %arg9[%add3A_13, %dma_wait3A_86] : memref<10000x128xf32, #tpu.memory_space<vmem_shared>> -> memref<65x128xf32, #tpu.memory_space<vmem_shared>>
      %dma_wait3A_88 = arith.constant 0 : i32
      %dma_wait3A_89 = arith.constant 0 : i32
      %dma_wait3A_90 = tpu.memref_slice %arg8[%run_scoped3A, %dma_wait3A_88, %dma_wait3A_89] : memref<3x80x128xf32, #tpu.memory_space<vmem>> -> memref<1x65x128xf32, #tpu.memory_space<vmem>>
      %dma_wait3A_91 = tpu.memref_squeeze %dma_wait3A_90 : memref<1x65x128xf32, #tpu.memory_space<vmem>> -> memref<65x128xf32, #tpu.memory_space<vmem>>
      tpu.wait_dma2 semaphore(%run_scoped3A_68 : memref<!tpu.dma_semaphore, #tpu.memory_space<semaphore_mem>>) src(%dma_wait3A_91 : memref<65x128xf32, #tpu.memory_space<vmem>>) dst(%dma_wait3A_87 : memref<65x128xf32, #tpu.memory_space<vmem_shared>>)
      tpu.yield
    }) : () -> ()
    %barrier3A = arith.constant 0 : index
    tpu.barrier barrier_id(%barrier3A)
    %dma_start3A = arith.constant 0 : i32
    %dma_start3A_14 = arith.constant 0 : i32
    %dma_start3A_15 = arith.constant 0 : i32
    %dma_start3A_16 = arith.constant 0 : i32
    %dma_start3A_17 = tpu.memref_slice %arg8[%dma_start3A_14, %dma_start3A_15, %dma_start3A_16] : memref<3x80x128xf32, #tpu.memory_space<vmem>> -> memref<1x80x128xf32, #tpu.memory_space<vmem>>
    %dma_start3A_18 = tpu.memref_squeeze %dma_start3A_17 : memref<1x80x128xf32, #tpu.memory_space<vmem>> -> memref<80x128xf32, #tpu.memory_space<vmem>>
    %dma_start3A_19 = arith.constant 0 : i32
    %dma_start3A_20 = tpu.memref_slice %arg6[%dma_start3A, %dma_start3A_19] : memref<125x80xi32, #tpu.memory_space<vmem>> -> memref<1x80xi32, #tpu.memory_space<vmem>>
    %dma_start3A_21 = tpu.memref_squeeze %dma_start3A_20 : memref<1x80xi32, #tpu.memory_space<vmem>> -> memref<80xi32, #tpu.memory_space<vmem>>
    %dma_start3A_22 = arith.constant 0 : i32
    %dma_start3A_23 = arith.constant 0 : i32
    %dma_start3A_24 = tpu.memref_slice %arg2[%dma_start3A_22, %dma_start3A_23] : memref<10000x128xf32, #tpu.memory_space<hbm>> -> memref<10000x128xf32, #tpu.memory_space<hbm>>
    tpu.enqueue_indirect_dma source(%dma_start3A_24 : memref<10000x128xf32, #tpu.memory_space<hbm>>) target(%dma_start3A_18 : memref<80x128xf32, #tpu.memory_space<vmem>>) offsets(%dma_start3A_21 : memref<80xi32, #tpu.memory_space<vmem>>) semaphore(%arg10 : memref<!tpu.dma_semaphore, #tpu.memory_space<semaphore_mem>>)
    %dma_start3A_25 = arith.constant 1 : i32
    %dma_start3A_26 = arith.constant 1 : i32
    %dma_start3A_27 = arith.constant 0 : i32
    %dma_start3A_28 = arith.constant 0 : i32
    %dma_start3A_29 = tpu.memref_slice %arg8[%dma_start3A_26, %dma_start3A_27, %dma_start3A_28] : memref<3x80x128xf32, #tpu.memory_space<vmem>> -> memref<1x80x128xf32, #tpu.memory_space<vmem>>
    %dma_start3A_30 = tpu.memref_squeeze %dma_start3A_29 : memref<1x80x128xf32, #tpu.memory_space<vmem>> -> memref<80x128xf32, #tpu.memory_space<vmem>>
    %dma_start3A_31 = arith.constant 0 : i32
    %dma_start3A_32 = tpu.memref_slice %arg6[%dma_start3A_25, %dma_start3A_31] : memref<125x80xi32, #tpu.memory_space<vmem>> -> memref<1x80xi32, #tpu.memory_space<vmem>>
    %dma_start3A_33 = tpu.memref_squeeze %dma_start3A_32 : memref<1x80xi32, #tpu.memory_space<vmem>> -> memref<80xi32, #tpu.memory_space<vmem>>
    %dma_start3A_34 = arith.constant 0 : i32
    %dma_start3A_35 = arith.constant 0 : i32
    %dma_start3A_36 = tpu.memref_slice %arg2[%dma_start3A_34, %dma_start3A_35] : memref<10000x128xf32, #tpu.memory_space<hbm>> -> memref<10000x128xf32, #tpu.memory_space<hbm>>
    tpu.enqueue_indirect_dma source(%dma_start3A_36 : memref<10000x128xf32, #tpu.memory_space<hbm>>) target(%dma_start3A_30 : memref<80x128xf32, #tpu.memory_space<vmem>>) offsets(%dma_start3A_33 : memref<80xi32, #tpu.memory_space<vmem>>) semaphore(%arg10 : memref<!tpu.dma_semaphore, #tpu.memory_space<semaphore_mem>>)
    %dma_start3A_37 = arith.constant 2 : i32
    %dma_start3A_38 = arith.constant 2 : i32
    %dma_start3A_39 = arith.constant 0 : i32
    %dma_start3A_40 = arith.constant 0 : i32
    %dma_start3A_41 = tpu.memref_slice %arg8[%dma_start3A_38, %dma_start3A_39, %dma_start3A_40] : memref<3x80x128xf32, #tpu.memory_space<vmem>> -> memref<1x80x128xf32, #tpu.memory_space<vmem>>
    %dma_start3A_42 = tpu.memref_squeeze %dma_start3A_41 : memref<1x80x128xf32, #tpu.memory_space<vmem>> -> memref<80x128xf32, #tpu.memory_space<vmem>>
    %dma_start3A_43 = arith.constant 0 : i32
    %dma_start3A_44 = tpu.memref_slice %arg6[%dma_start3A_37, %dma_start3A_43] : memref<125x80xi32, #tpu.memory_space<vmem>> -> memref<1x80xi32, #tpu.memory_space<vmem>>
    %dma_start3A_45 = tpu.memref_squeeze %dma_start3A_44 : memref<1x80xi32, #tpu.memory_space<vmem>> -> memref<80xi32, #tpu.memory_space<vmem>>
    %dma_start3A_46 = arith.constant 0 : i32
    %dma_start3A_47 = arith.constant 0 : i32
    %dma_start3A_48 = tpu.memref_slice %arg2[%dma_start3A_46, %dma_start3A_47] : memref<10000x128xf32, #tpu.memory_space<hbm>> -> memref<10000x128xf32, #tpu.memory_space<hbm>>
    tpu.enqueue_indirect_dma source(%dma_start3A_48 : memref<10000x128xf32, #tpu.memory_space<hbm>>) target(%dma_start3A_42 : memref<80x128xf32, #tpu.memory_space<vmem>>) offsets(%dma_start3A_45 : memref<80xi32, #tpu.memory_space<vmem>>) semaphore(%arg10 : memref<!tpu.dma_semaphore, #tpu.memory_space<semaphore_mem>>)
    %scan3A_49 = arith.constant 0 : i32
    %scan3A_50 = arith.constant 0 : i32
    %scan3A_51 = arith.constant 125 : i32
    %scan3A_52 = arith.addi %scan3A_50, %scan3A_51 : i32
    %scan3A_53 = arith.constant 1 : i32
    scf.for %scan3A_68 = %scan3A_50 to %scan3A_52 step %scan3A_53  : i32 {
      %rem3A = arith.constant 3 : i32
      %rem3A_69 = arith.remsi %scan3A_68, %rem3A : i32
      %dma_wait3A = arith.constant 0 : i32
      %dma_wait3A_70 = arith.constant 0 : i32
      %dma_wait3A_71 = tpu.memref_slice %arg8[%rem3A_69, %dma_wait3A, %dma_wait3A_70] : memref<3x80x128xf32, #tpu.memory_space<vmem>> -> memref<1x80x128xf32, #tpu.memory_space<vmem>>
      %dma_wait3A_72 = tpu.memref_squeeze %dma_wait3A_71 : memref<1x80x128xf32, #tpu.memory_space<vmem>> -> memref<80x128xf32, #tpu.memory_space<vmem>>
      %dma_wait3A_73 = arith.constant 0 : i32
      %dma_wait3A_74 = tpu.memref_slice %arg6[%scan3A_68, %dma_wait3A_73] : memref<125x80xi32, #tpu.memory_space<vmem>> -> memref<1x80xi32, #tpu.memory_space<vmem>>
      %dma_wait3A_75 = tpu.memref_squeeze %dma_wait3A_74 : memref<1x80xi32, #tpu.memory_space<vmem>> -> memref<80xi32, #tpu.memory_space<vmem>>
      %dma_wait3A_76 = arith.constant 0 : i32
      %dma_wait3A_77 = arith.constant 0 : i32
      %dma_wait3A_78 = tpu.memref_slice %arg2[%dma_wait3A_76, %dma_wait3A_77] : memref<10000x128xf32, #tpu.memory_space<hbm>> -> memref<10000x128xf32, #tpu.memory_space<hbm>>
      tpu.wait_indirect_dma semaphore(%arg10 : memref<!tpu.dma_semaphore, #tpu.memory_space<semaphore_mem>>) src(%dma_wait3A_78 : memref<10000x128xf32, #tpu.memory_space<hbm>>) dst(%dma_wait3A_72 : memref<80x128xf32, #tpu.memory_space<vmem>>)
      "tpu.region"() ({
        %run_scoped3A_83 = tpu.sem_alloc : memref<!tpu.dma_semaphore, #tpu.memory_space<semaphore_mem>>
        %dma_start3A_84 = arith.constant 0 : i32
        %dma_start3A_85 = arith.constant 0 : i32
        %dma_start3A_86 = tpu.memref_slice %arg8[%rem3A_69, %dma_start3A_84, %dma_start3A_85] : memref<3x80x128xf32, #tpu.memory_space<vmem>> -> memref<1x80x128xf32, #tpu.memory_space<vmem>>
        %dma_start3A_87 = tpu.memref_squeeze %dma_start3A_86 : memref<1x80x128xf32, #tpu.memory_space<vmem>> -> memref<80x128xf32, #tpu.memory_space<vmem>>
        %dma_start3A_88 = arith.constant 0 : i32
        %dma_start3A_89 = tpu.memref_slice %arg7[%scan3A_68, %dma_start3A_88] : memref<125x80xi32, #tpu.memory_space<vmem>> -> memref<1x80xi32, #tpu.memory_space<vmem>>
        %dma_start3A_90 = tpu.memref_squeeze %dma_start3A_89 : memref<1x80xi32, #tpu.memory_space<vmem>> -> memref<80xi32, #tpu.memory_space<vmem>>
        %dma_start3A_91 = arith.constant 0 : i32
        %dma_start3A_92 = arith.constant 0 : i32
        %dma_start3A_93 = tpu.memref_slice %arg9[%dma_start3A_91, %dma_start3A_92] : memref<10000x128xf32, #tpu.memory_space<vmem_shared>> -> memref<10000x128xf32, #tpu.memory_space<vmem_shared>>
        tpu.enqueue_indirect_dma source(%dma_start3A_87 : memref<80x128xf32, #tpu.memory_space<vmem>>) target(%dma_start3A_93 : memref<10000x128xf32, #tpu.memory_space<vmem_shared>>) offsets(%dma_start3A_90 : memref<80xi32, #tpu.memory_space<vmem>>) semaphore(%run_scoped3A_83 : memref<!tpu.dma_semaphore, #tpu.memory_space<semaphore_mem>>) {add = true}
        %dma_wait3A_94 = arith.constant 0 : i32
        %dma_wait3A_95 = arith.constant 0 : i32
        %dma_wait3A_96 = tpu.memref_slice %arg8[%rem3A_69, %dma_wait3A_94, %dma_wait3A_95] : memref<3x80x128xf32, #tpu.memory_space<vmem>> -> memref<1x80x128xf32, #tpu.memory_space<vmem>>
        %dma_wait3A_97 = tpu.memref_squeeze %dma_wait3A_96 : memref<1x80x128xf32, #tpu.memory_space<vmem>> -> memref<80x128xf32, #tpu.memory_space<vmem>>
        %dma_wait3A_98 = arith.constant 0 : i32
        %dma_wait3A_99 = tpu.memref_slice %arg7[%scan3A_68, %dma_wait3A_98] : memref<125x80xi32, #tpu.memory_space<vmem>> -> memref<1x80xi32, #tpu.memory_space<vmem>>
        %dma_wait3A_100 = tpu.memref_squeeze %dma_wait3A_99 : memref<1x80xi32, #tpu.memory_space<vmem>> -> memref<80xi32, #tpu.memory_space<vmem>>
        %dma_wait3A_101 = arith.constant 0 : i32
        %dma_wait3A_102 = arith.constant 0 : i32
        %dma_wait3A_103 = tpu.memref_slice %arg9[%dma_wait3A_101, %dma_wait3A_102] : memref<10000x128xf32, #tpu.memory_space<vmem_shared>> -> memref<10000x128xf32, #tpu.memory_space<vmem_shared>>
        tpu.wait_indirect_dma semaphore(%run_scoped3A_83 : memref<!tpu.dma_semaphore, #tpu.memory_space<semaphore_mem>>) src(%dma_wait3A_97 : memref<80x128xf32, #tpu.memory_space<vmem>>) dst(%dma_wait3A_103 : memref<10000x128xf32, #tpu.memory_space<vmem_shared>>)
        tpu.yield
      }) : () -> ()
      %add3A_79 = arith.constant 3 : i32
      %add3A_80 = arith.addi %scan3A_68, %add3A_79 : i32
      %lt3A = arith.constant 125 : i32
      %lt3A_81 = arith.cmpi slt, %add3A_80, %lt3A : i32
      %convert_element_type3A = arith.extui %lt3A_81 : i1 to i32
      %cond3A = arith.constant 0 : i32
      %cond3A_82 = arith.cmpi ne, %convert_element_type3A, %cond3A : i32
      scf.if %cond3A_82 {
        %add3A_83 = arith.constant 3 : i32
        %add3A_84 = arith.addi %scan3A_68, %add3A_83 : i32
        %dma_start3A_85 = arith.constant 0 : i32
        %dma_start3A_86 = arith.constant 0 : i32
        %dma_start3A_87 = tpu.memref_slice %arg8[%rem3A_69, %dma_start3A_85, %dma_start3A_86] : memref<3x80x128xf32, #tpu.memory_space<vmem>> -> memref<1x80x128xf32, #tpu.memory_space<vmem>>
        %dma_start3A_88 = tpu.memref_squeeze %dma_start3A_87 : memref<1x80x128xf32, #tpu.memory_space<vmem>> -> memref<80x128xf32, #tpu.memory_space<vmem>>
        %dma_start3A_89 = arith.constant 0 : i32
        %dma_start3A_90 = tpu.memref_slice %arg6[%add3A_84, %dma_start3A_89] : memref<125x80xi32, #tpu.memory_space<vmem>> -> memref<1x80xi32, #tpu.memory_space<vmem>>
        %dma_start3A_91 = tpu.memref_squeeze %dma_start3A_90 : memref<1x80xi32, #tpu.memory_space<vmem>> -> memref<80xi32, #tpu.memory_space<vmem>>
        %dma_start3A_92 = arith.constant 0 : i32
        %dma_start3A_93 = arith.constant 0 : i32
        %dma_start3A_94 = tpu.memref_slice %arg2[%dma_start3A_92, %dma_start3A_93] : memref<10000x128xf32, #tpu.memory_space<hbm>> -> memref<10000x128xf32, #tpu.memory_space<hbm>>
        tpu.enqueue_indirect_dma source(%dma_start3A_94 : memref<10000x128xf32, #tpu.memory_space<hbm>>) target(%dma_start3A_88 : memref<80x128xf32, #tpu.memory_space<vmem>>) offsets(%dma_start3A_91 : memref<80xi32, #tpu.memory_space<vmem>>) semaphore(%arg10 : memref<!tpu.dma_semaphore, #tpu.memory_space<semaphore_mem>>)
      } else {
      }
    }
    %scan3A_54 = arith.constant 125 : i32
    %barrier3A_55 = arith.constant 0 : index
    tpu.barrier barrier_id(%barrier3A_55)
    %scan3A_56 = arith.constant 0 : i32
    %scan3A_57 = arith.constant 0 : i32
    %scan3A_58 = arith.constant 7 : i32
    %scan3A_59 = arith.addi %scan3A_57, %scan3A_58 : i32
    %scan3A_60 = arith.constant 1 : i32
    scf.for %scan3A_68 = %scan3A_57 to %scan3A_59 step %scan3A_60  : i32 {
      %mul3A_69 = arith.constant 625 : i32
      %mul3A_70 = arith.muli %arg1, %mul3A_69 : i32
      %mul3A_71 = arith.constant 80 : i32
      %mul3A_72 = arith.muli %scan3A_68, %mul3A_71 : i32
      %add3A_73 = arith.addi %mul3A_70, %mul3A_72 : i32
      %run_scoped3A_74 = arith.constant 0 : i32
      "tpu.region"() ({
        %run_scoped3A_76 = tpu.sem_alloc : memref<!tpu.dma_semaphore, #tpu.memory_space<semaphore_mem>>
        %dma_start3A_77 = arith.constant 0 : i32
        %dma_start3A_78 = arith.constant 0 : i32
        %dma_start3A_79 = tpu.memref_slice %arg8[%run_scoped3A_74, %dma_start3A_77, %dma_start3A_78] : memref<3x80x128xf32, #tpu.memory_space<vmem>> -> memref<1x80x128xf32, #tpu.memory_space<vmem>>
        %dma_start3A_80 = tpu.memref_squeeze %dma_start3A_79 : memref<1x80x128xf32, #tpu.memory_space<vmem>> -> memref<80x128xf32, #tpu.memory_space<vmem>>
        %dma_start3A_81 = arith.constant 0 : i32
        %dma_start3A_82 = tpu.memref_slice %arg9[%add3A_73, %dma_start3A_81] : memref<10000x128xf32, #tpu.memory_space<vmem_shared>> -> memref<80x128xf32, #tpu.memory_space<vmem_shared>>
        %dma_start3A_83 = arith.constant 0 : i32
        %dma_start3A_84 = arith.constant 0 : i32
        %dma_start3A_85 = tpu.memref_slice %arg8[%run_scoped3A_74, %dma_start3A_83, %dma_start3A_84] : memref<3x80x128xf32, #tpu.memory_space<vmem>> -> memref<1x80x128xf32, #tpu.memory_space<vmem>>
        %dma_start3A_86 = tpu.memref_squeeze %dma_start3A_85 : memref<1x80x128xf32, #tpu.memory_space<vmem>> -> memref<80x128xf32, #tpu.memory_space<vmem>>
        %dma_start3A_87 = arith.constant 0 : i32
        %dma_start3A_88 = tpu.memref_slice %arg9[%add3A_73, %dma_start3A_87] : memref<10000x128xf32, #tpu.memory_space<vmem_shared>> -> memref<80x128xf32, #tpu.memory_space<vmem_shared>>
        tpu.enqueue_dma source(%dma_start3A_88 : memref<80x128xf32, #tpu.memory_space<vmem_shared>>) target(%dma_start3A_86 : memref<80x128xf32, #tpu.memory_space<vmem>>) target_semaphore(%run_scoped3A_76 : memref<!tpu.dma_semaphore, #tpu.memory_space<semaphore_mem>>)
        %dma_wait3A = arith.constant 0 : i32
        %dma_wait3A_89 = arith.constant 0 : i32
        %dma_wait3A_90 = tpu.memref_slice %arg8[%run_scoped3A_74, %dma_wait3A, %dma_wait3A_89] : memref<3x80x128xf32, #tpu.memory_space<vmem>> -> memref<1x80x128xf32, #tpu.memory_space<vmem>>
        %dma_wait3A_91 = tpu.memref_squeeze %dma_wait3A_90 : memref<1x80x128xf32, #tpu.memory_space<vmem>> -> memref<80x128xf32, #tpu.memory_space<vmem>>
        %dma_wait3A_92 = arith.constant 0 : i32
        %dma_wait3A_93 = tpu.memref_slice %arg9[%add3A_73, %dma_wait3A_92] : memref<10000x128xf32, #tpu.memory_space<vmem_shared>> -> memref<80x128xf32, #tpu.memory_space<vmem_shared>>
        %dma_wait3A_94 = arith.constant 0 : i32
        %dma_wait3A_95 = arith.constant 0 : i32
        %dma_wait3A_96 = tpu.memref_slice %arg8[%run_scoped3A_74, %dma_wait3A_94, %dma_wait3A_95] : memref<3x80x128xf32, #tpu.memory_space<vmem>> -> memref<1x80x128xf32, #tpu.memory_space<vmem>>
        %dma_wait3A_97 = tpu.memref_squeeze %dma_wait3A_96 : memref<1x80x128xf32, #tpu.memory_space<vmem>> -> memref<80x128xf32, #tpu.memory_space<vmem>>
        %dma_wait3A_98 = arith.constant 0 : i32
        %dma_wait3A_99 = tpu.memref_slice %arg9[%add3A_73, %dma_wait3A_98] : memref<10000x128xf32, #tpu.memory_space<vmem_shared>> -> memref<80x128xf32, #tpu.memory_space<vmem_shared>>
        tpu.wait_dma2 semaphore(%run_scoped3A_76 : memref<!tpu.dma_semaphore, #tpu.memory_space<semaphore_mem>>) src(%dma_wait3A_99 : memref<80x128xf32, #tpu.memory_space<vmem_shared>>) dst(%dma_wait3A_97 : memref<80x128xf32, #tpu.memory_space<vmem>>)
        tpu.yield
      }) : () -> ()
      %run_scoped3A_75 = arith.constant 0 : i32
      "tpu.region"() ({
        %run_scoped3A_76 = tpu.sem_alloc : memref<!tpu.dma_semaphore, #tpu.memory_space<semaphore_mem>>
        %dma_start3A_77 = arith.constant 0 : i32
        %dma_start3A_78 = arith.constant 0 : i32
        %dma_start3A_79 = tpu.memref_slice %arg8[%run_scoped3A_75, %dma_start3A_77, %dma_start3A_78] : memref<3x80x128xf32, #tpu.memory_space<vmem>> -> memref<1x80x128xf32, #tpu.memory_space<vmem>>
        %dma_start3A_80 = tpu.memref_squeeze %dma_start3A_79 : memref<1x80x128xf32, #tpu.memory_space<vmem>> -> memref<80x128xf32, #tpu.memory_space<vmem>>
        %dma_start3A_81 = arith.constant 0 : i32
        %dma_start3A_82 = tpu.memref_slice %arg5[%arg0, %add3A_73, %dma_start3A_81] : memref<2x10000x128xf32, #tpu.memory_space<hbm>> -> memref<1x80x128xf32, #tpu.memory_space<hbm>>
        %dma_start3A_83 = tpu.memref_squeeze %dma_start3A_82 : memref<1x80x128xf32, #tpu.memory_space<hbm>> -> memref<80x128xf32, #tpu.memory_space<hbm>>
        %dma_start3A_84 = arith.constant 0 : i32
        %dma_start3A_85 = tpu.memref_slice %arg5[%arg0, %add3A_73, %dma_start3A_84] : memref<2x10000x128xf32, #tpu.memory_space<hbm>> -> memref<1x80x128xf32, #tpu.memory_space<hbm>>
        %dma_start3A_86 = tpu.memref_squeeze %dma_start3A_85 : memref<1x80x128xf32, #tpu.memory_space<hbm>> -> memref<80x128xf32, #tpu.memory_space<hbm>>
        %dma_start3A_87 = arith.constant 0 : i32
        %dma_start3A_88 = arith.constant 0 : i32
        %dma_start3A_89 = tpu.memref_slice %arg8[%run_scoped3A_75, %dma_start3A_87, %dma_start3A_88] : memref<3x80x128xf32, #tpu.memory_space<vmem>> -> memref<1x80x128xf32, #tpu.memory_space<vmem>>
        %dma_start3A_90 = tpu.memref_squeeze %dma_start3A_89 : memref<1x80x128xf32, #tpu.memory_space<vmem>> -> memref<80x128xf32, #tpu.memory_space<vmem>>
        tpu.enqueue_dma source(%dma_start3A_90 : memref<80x128xf32, #tpu.memory_space<vmem>>) target(%dma_start3A_86 : memref<80x128xf32, #tpu.memory_space<hbm>>) target_semaphore(%run_scoped3A_76 : memref<!tpu.dma_semaphore, #tpu.memory_space<semaphore_mem>>)
        %dma_wait3A = arith.constant 0 : i32
        %dma_wait3A_91 = arith.constant 0 : i32
        %dma_wait3A_92 = tpu.memref_slice %arg8[%run_scoped3A_75, %dma_wait3A, %dma_wait3A_91] : memref<3x80x128xf32, #tpu.memory_space<vmem>> -> memref<1x80x128xf32, #tpu.memory_space<vmem>>
        %dma_wait3A_93 = tpu.memref_squeeze %dma_wait3A_92 : memref<1x80x128xf32, #tpu.memory_space<vmem>> -> memref<80x128xf32, #tpu.memory_space<vmem>>
        %dma_wait3A_94 = arith.constant 0 : i32
        %dma_wait3A_95 = tpu.memref_slice %arg5[%arg0, %add3A_73, %dma_wait3A_94] : memref<2x10000x128xf32, #tpu.memory_space<hbm>> -> memref<1x80x128xf32, #tpu.memory_space<hbm>>
        %dma_wait3A_96 = tpu.memref_squeeze %dma_wait3A_95 : memref<1x80x128xf32, #tpu.memory_space<hbm>> -> memref<80x128xf32, #tpu.memory_space<hbm>>
        %dma_wait3A_97 = arith.constant 0 : i32
        %dma_wait3A_98 = tpu.memref_slice %arg5[%arg0, %add3A_73, %dma_wait3A_97] : memref<2x10000x128xf32, #tpu.memory_space<hbm>> -> memref<1x80x128xf32, #tpu.memory_space<hbm>>
        %dma_wait3A_99 = tpu.memref_squeeze %dma_wait3A_98 : memref<1x80x128xf32, #tpu.memory_space<hbm>> -> memref<80x128xf32, #tpu.memory_space<hbm>>
        %dma_wait3A_100 = arith.constant 0 : i32
        %dma_wait3A_101 = arith.constant 0 : i32
        %dma_wait3A_102 = tpu.memref_slice %arg8[%run_scoped3A_75, %dma_wait3A_100, %dma_wait3A_101] : memref<3x80x128xf32, #tpu.memory_space<vmem>> -> memref<1x80x128xf32, #tpu.memory_space<vmem>>
        %dma_wait3A_103 = tpu.memref_squeeze %dma_wait3A_102 : memref<1x80x128xf32, #tpu.memory_space<vmem>> -> memref<80x128xf32, #tpu.memory_space<vmem>>
        tpu.wait_dma2 semaphore(%run_scoped3A_76 : memref<!tpu.dma_semaphore, #tpu.memory_space<semaphore_mem>>) src(%dma_wait3A_103 : memref<80x128xf32, #tpu.memory_space<vmem>>) dst(%dma_wait3A_99 : memref<80x128xf32, #tpu.memory_space<hbm>>)
        tpu.yield
      }) : () -> ()
    }
    %scan3A_61 = arith.constant 7 : i32
    %mul3A_62 = arith.constant 625 : i32
    %mul3A_63 = arith.muli %arg1, %mul3A_62 : i32
    %add3A_64 = arith.constant 560 : i32
    %add3A_65 = arith.addi %mul3A_63, %add3A_64 : i32
    %run_scoped3A_66 = arith.constant 0 : i32
    "tpu.region"() ({
      %run_scoped3A_68 = tpu.sem_alloc : memref<!tpu.dma_semaphore, #tpu.memory_space<semaphore_mem>>
      %dma_start3A_69 = arith.constant 0 : i32
      %dma_start3A_70 = arith.constant 0 : i32
      %dma_start3A_71 = tpu.memref_slice %arg8[%run_scoped3A_66, %dma_start3A_69, %dma_start3A_70] : memref<3x80x128xf32, #tpu.memory_space<vmem>> -> memref<1x65x128xf32, #tpu.memory_space<vmem>>
      %dma_start3A_72 = tpu.memref_squeeze %dma_start3A_71 : memref<1x65x128xf32, #tpu.memory_space<vmem>> -> memref<65x128xf32, #tpu.memory_space<vmem>>
      %dma_start3A_73 = arith.constant 0 : i32
      %dma_start3A_74 = tpu.memref_slice %arg9[%add3A_65, %dma_start3A_73] : memref<10000x128xf32, #tpu.memory_space<vmem_shared>> -> memref<65x128xf32, #tpu.memory_space<vmem_shared>>
      %dma_start3A_75 = arith.constant 0 : i32
      %dma_start3A_76 = arith.constant 0 : i32
      %dma_start3A_77 = tpu.memref_slice %arg8[%run_scoped3A_66, %dma_start3A_75, %dma_start3A_76] : memref<3x80x128xf32, #tpu.memory_space<vmem>> -> memref<1x65x128xf32, #tpu.memory_space<vmem>>
      %dma_start3A_78 = tpu.memref_squeeze %dma_start3A_77 : memref<1x65x128xf32, #tpu.memory_space<vmem>> -> memref<65x128xf32, #tpu.memory_space<vmem>>
      %dma_start3A_79 = arith.constant 0 : i32
      %dma_start3A_80 = tpu.memref_slice %arg9[%add3A_65, %dma_start3A_79] : memref<10000x128xf32, #tpu.memory_space<vmem_shared>> -> memref<65x128xf32, #tpu.memory_space<vmem_shared>>
      tpu.enqueue_dma source(%dma_start3A_80 : memref<65x128xf32, #tpu.memory_space<vmem_shared>>) target(%dma_start3A_78 : memref<65x128xf32, #tpu.memory_space<vmem>>) target_semaphore(%run_scoped3A_68 : memref<!tpu.dma_semaphore, #tpu.memory_space<semaphore_mem>>)
      %dma_wait3A = arith.constant 0 : i32
      %dma_wait3A_81 = arith.constant 0 : i32
      %dma_wait3A_82 = tpu.memref_slice %arg8[%run_scoped3A_66, %dma_wait3A, %dma_wait3A_81] : memref<3x80x128xf32, #tpu.memory_space<vmem>> -> memref<1x65x128xf32, #tpu.memory_space<vmem>>
      %dma_wait3A_83 = tpu.memref_squeeze %dma_wait3A_82 : memref<1x65x128xf32, #tpu.memory_space<vmem>> -> memref<65x128xf32, #tpu.memory_space<vmem>>
      %dma_wait3A_84 = arith.constant 0 : i32
      %dma_wait3A_85 = tpu.memref_slice %arg9[%add3A_65, %dma_wait3A_84] : memref<10000x128xf32, #tpu.memory_space<vmem_shared>> -> memref<65x128xf32, #tpu.memory_space<vmem_shared>>
      %dma_wait3A_86 = arith.constant 0 : i32
      %dma_wait3A_87 = arith.constant 0 : i32
      %dma_wait3A_88 = tpu.memref_slice %arg8[%run_scoped3A_66, %dma_wait3A_86, %dma_wait3A_87] : memref<3x80x128xf32, #tpu.memory_space<vmem>> -> memref<1x65x128xf32, #tpu.memory_space<vmem>>
      %dma_wait3A_89 = tpu.memref_squeeze %dma_wait3A_88 : memref<1x65x128xf32, #tpu.memory_space<vmem>> -> memref<65x128xf32, #tpu.memory_space<vmem>>
      %dma_wait3A_90 = arith.constant 0 : i32
      %dma_wait3A_91 = tpu.memref_slice %arg9[%add3A_65, %dma_wait3A_90] : memref<10000x128xf32, #tpu.memory_space<vmem_shared>> -> memref<65x128xf32, #tpu.memory_space<vmem_shared>>
      tpu.wait_dma2 semaphore(%run_scoped3A_68 : memref<!tpu.dma_semaphore, #tpu.memory_space<semaphore_mem>>) src(%dma_wait3A_91 : memref<65x128xf32, #tpu.memory_space<vmem_shared>>) dst(%dma_wait3A_89 : memref<65x128xf32, #tpu.memory_space<vmem>>)
      tpu.yield
    }) : () -> ()
    %run_scoped3A_67 = arith.constant 0 : i32
    "tpu.region"() ({
      %run_scoped3A_68 = tpu.sem_alloc : memref<!tpu.dma_semaphore, #tpu.memory_space<semaphore_mem>>
      %dma_start3A_69 = arith.constant 0 : i32
      %dma_start3A_70 = arith.constant 0 : i32
      %dma_start3A_71 = tpu.memref_slice %arg8[%run_scoped3A_67, %dma_start3A_69, %dma_start3A_70] : memref<3x80x128xf32, #tpu.memory_space<vmem>> -> memref<1x65x128xf32, #tpu.memory_space<vmem>>
      %dma_start3A_72 = tpu.memref_squeeze %dma_start3A_71 : memref<1x65x128xf32, #tpu.memory_space<vmem>> -> memref<65x128xf32, #tpu.memory_space<vmem>>
      %dma_start3A_73 = arith.constant 0 : i32
      %dma_start3A_74 = tpu.memref_slice %arg5[%arg0, %add3A_65, %dma_start3A_73] : memref<2x10000x128xf32, #tpu.memory_space<hbm>> -> memref<1x65x128xf32, #tpu.memory_space<hbm>>
      %dma_start3A_75 = tpu.memref_squeeze %dma_start3A_74 : memref<1x65x128xf32, #tpu.memory_space<hbm>> -> memref<65x128xf32, #tpu.memory_space<hbm>>
      %dma_start3A_76 = arith.constant 0 : i32
      %dma_start3A_77 = tpu.memref_slice %arg5[%arg0, %add3A_65, %dma_start3A_76] : memref<2x10000x128xf32, #tpu.memory_space<hbm>> -> memref<1x65x128xf32, #tpu.memory_space<hbm>>
      %dma_start3A_78 = tpu.memref_squeeze %dma_start3A_77 : memref<1x65x128xf32, #tpu.memory_space<hbm>> -> memref<65x128xf32, #tpu.memory_space<hbm>>
      %dma_start3A_79 = arith.constant 0 : i32
      %dma_start3A_80 = arith.constant 0 : i32
      %dma_start3A_81 = tpu.memref_slice %arg8[%run_scoped3A_67, %dma_start3A_79, %dma_start3A_80] : memref<3x80x128xf32, #tpu.memory_space<vmem>> -> memref<1x65x128xf32, #tpu.memory_space<vmem>>
      %dma_start3A_82 = tpu.memref_squeeze %dma_start3A_81 : memref<1x65x128xf32, #tpu.memory_space<vmem>> -> memref<65x128xf32, #tpu.memory_space<vmem>>
      tpu.enqueue_dma source(%dma_start3A_82 : memref<65x128xf32, #tpu.memory_space<vmem>>) target(%dma_start3A_78 : memref<65x128xf32, #tpu.memory_space<hbm>>) target_semaphore(%run_scoped3A_68 : memref<!tpu.dma_semaphore, #tpu.memory_space<semaphore_mem>>)
      %dma_wait3A = arith.constant 0 : i32
      %dma_wait3A_83 = arith.constant 0 : i32
      %dma_wait3A_84 = tpu.memref_slice %arg8[%run_scoped3A_67, %dma_wait3A, %dma_wait3A_83] : memref<3x80x128xf32, #tpu.memory_space<vmem>> -> memref<1x65x128xf32, #tpu.memory_space<vmem>>
      %dma_wait3A_85 = tpu.memref_squeeze %dma_wait3A_84 : memref<1x65x128xf32, #tpu.memory_space<vmem>> -> memref<65x128xf32, #tpu.memory_space<vmem>>
      %dma_wait3A_86 = arith.constant 0 : i32
      %dma_wait3A_87 = tpu.memref_slice %arg5[%arg0, %add3A_65, %dma_wait3A_86] : memref<2x10000x128xf32, #tpu.memory_space<hbm>> -> memref<1x65x128xf32, #tpu.memory_space<hbm>>
      %dma_wait3A_88 = tpu.memref_squeeze %dma_wait3A_87 : memref<1x65x128xf32, #tpu.memory_space<hbm>> -> memref<65x128xf32, #tpu.memory_space<hbm>>
      %dma_wait3A_89 = arith.constant 0 : i32
      %dma_wait3A_90 = tpu.memref_slice %arg5[%arg0, %add3A_65, %dma_wait3A_89] : memref<2x10000x128xf32, #tpu.memory_space<hbm>> -> memref<1x65x128xf32, #tpu.memory_space<hbm>>
      %dma_wait3A_91 = tpu.memref_squeeze %dma_wait3A_90 : memref<1x65x128xf32, #tpu.memory_space<hbm>> -> memref<65x128xf32, #tpu.memory_space<hbm>>
      %dma_wait3A_92 = arith.constant 0 : i32
      %dma_wait3A_93 = arith.constant 0 : i32
      %dma_wait3A_94 = tpu.memref_slice %arg8[%run_scoped3A_67, %dma_wait3A_92, %dma_wait3A_93] : memref<3x80x128xf32, #tpu.memory_space<vmem>> -> memref<1x65x128xf32, #tpu.memory_space<vmem>>
      %dma_wait3A_95 = tpu.memref_squeeze %dma_wait3A_94 : memref<1x65x128xf32, #tpu.memory_space<vmem>> -> memref<65x128xf32, #tpu.memory_space<vmem>>
      tpu.wait_dma2 semaphore(%run_scoped3A_68 : memref<!tpu.dma_semaphore, #tpu.memory_space<semaphore_mem>>) src(%dma_wait3A_95 : memref<65x128xf32, #tpu.memory_space<vmem>>) dst(%dma_wait3A_91 : memref<65x128xf32, #tpu.memory_space<hbm>>)
      tpu.yield
    }) : () -> ()
    return
  }
}

module attributes {stable_mosaic.version = 14 : i64} {
  func.func @_embed_body(%arg0: i32, %arg1: memref<2000x128xf32, #tpu.memory_space<vmem>>, %arg2: memref<2x640x16xf32, #tpu.memory_space<vmem>>, %arg3: memref<128x128xf32, #tpu.memory_space<vmem>>, %arg4: memref<1x128xf32, #tpu.memory_space<vmem>>, %arg5: memref<128x128xf32, #tpu.memory_space<vmem>>, %arg6: memref<2000x128xf32, #tpu.memory_space<vmem>>) attributes {dimension_semantics = [#tpu.dimension_semantics<arbitrary>], iteration_bounds = array<i64: 5>, scalar_prefetch = 0 : i64, scratch_operands = 0 : i64, tpu.core_type = #tpu.core_type<tc>, window_params = [{transform_indices = @transform_0, window_bounds = array<i64: 2000, 128>}, {pipeline_mode = #tpu.pipeline_mode<synchronous>, transform_indices = @transform_1, window_bounds = array<i64: 2, 640, 16>}, {pipeline_mode = #tpu.pipeline_mode<synchronous>, transform_indices = @transform_2, window_bounds = array<i64: 128, 128>}, {pipeline_mode = #tpu.pipeline_mode<synchronous>, transform_indices = @transform_3, window_bounds = array<i64: 1, 128>}, {pipeline_mode = #tpu.pipeline_mode<synchronous>, transform_indices = @transform_4, window_bounds = array<i64: 128, 128>}, {transform_indices = @transform_5, window_bounds = array<i64: 2000, 128>}]} {
    %mul3A = arith.constant 125 : i32
    %mul3A_0 = arith.muli %arg0, %mul3A : i32
    %get3A = arith.constant 0 : index
    %get3A_1 = arith.index_cast %mul3A_0 : i32 to index
    %get3A_2 = arith.constant 0 : index
    %get3A_3 = vector.load %arg2[%get3A, %get3A_1, %get3A_2] : memref<2x640x16xf32, #tpu.memory_space<vmem>>, vector<1x125x16xf32>
    %get3A_4 = vector.shape_cast %get3A_3 : vector<1x125x16xf32> to vector<125x16xf32>
    %mul3A_5 = arith.constant 125 : i32
    %mul3A_6 = arith.muli %arg0, %mul3A_5 : i32
    %get3A_7 = arith.constant 1 : index
    %get3A_8 = arith.index_cast %mul3A_6 : i32 to index
    %get3A_9 = arith.constant 0 : index
    %get3A_10 = vector.load %arg2[%get3A_7, %get3A_8, %get3A_9] : memref<2x640x16xf32, #tpu.memory_space<vmem>>, vector<1x125x16xf32>
    %get3A_11 = vector.shape_cast %get3A_10 : vector<1x125x16xf32> to vector<125x16xf32>
    %add3A = arith.addf %get3A_4, %get3A_11 : vector<125x16xf32>
    %max3A = arith.constant 1.000000e+00 : f32
    %max3A_12 = vector.broadcast %max3A : f32 to vector<125x16xf32>
    %max3A_13 = arith.maximumf %add3A, %max3A_12 : vector<125x16xf32>
    %rsqrt3A = math.rsqrt %max3A_13 : vector<125x16xf32>
    %get3A_14 = arith.constant 0 : index
    %get3A_15 = arith.constant 0 : index
    %get3A_16 = vector.load %arg1[%get3A_14, %get3A_15] : memref<2000x128xf32, #tpu.memory_space<vmem>>, vector<2000x128xf32>
    %get3A_17 = arith.constant 0 : index
    %get3A_18 = arith.constant 0 : index
    %get3A_19 = vector.load %arg3[%get3A_17, %get3A_18] : memref<128x128xf32, #tpu.memory_space<vmem>>, vector<128x128xf32>
    %dot_general3A = arith.constant dense<0.000000e+00> : vector<2000x128xf32>
    %dot_general3A_20 = tpu.matmul %get3A_16, %get3A_19, %dot_general3A {dimension_numbers = #tpu.dot_dimension_numbers<[1], [0], [0], [1], [0, 0, 1, 1], [], []>, transpose_lhs_hint = false} : vector<2000x128xf32>, vector<128x128xf32>, vector<2000x128xf32> -> vector<2000x128xf32>
    %get3A_21 = arith.constant 0 : index
    %get3A_22 = arith.constant 0 : index
    %get3A_23 = vector.load %arg4[%get3A_21, %get3A_22] : memref<1x128xf32, #tpu.memory_space<vmem>>, vector<1x128xf32>
    %add3A_24 = vector.broadcast %get3A_23 : vector<1x128xf32> to vector<2000x128xf32>
    %add3A_25 = arith.addf %dot_general3A_20, %add3A_24 : vector<2000x128xf32>
    %reshape3A = vector.shape_cast %add3A_25 : vector<2000x128xf32> to vector<125x16x128xf32>
    %broadcast_in_dim3A = vector.shape_cast %rsqrt3A : vector<125x16xf32> to vector<125x16x1xf32>
    %mul3A_26 = vector.broadcast %broadcast_in_dim3A : vector<125x16x1xf32> to vector<125x16x128xf32>
    %mul3A_27 = arith.mulf %reshape3A, %mul3A_26 : vector<125x16x128xf32>
    %reshape3A_28 = vector.shape_cast %mul3A_27 : vector<125x16x128xf32> to vector<2000x128xf32>
    %get3A_29 = arith.constant 0 : index
    %get3A_30 = arith.constant 0 : index
    %get3A_31 = vector.load %arg5[%get3A_29, %get3A_30] : memref<128x128xf32, #tpu.memory_space<vmem>>, vector<128x128xf32>
    %dot_general3A_32 = arith.constant dense<0.000000e+00> : vector<2000x128xf32>
    %dot_general3A_33 = tpu.matmul %reshape3A_28, %get3A_31, %dot_general3A_32 {dimension_numbers = #tpu.dot_dimension_numbers<[1], [0], [0], [1], [0, 0, 1, 1], [], []>, transpose_lhs_hint = false} : vector<2000x128xf32>, vector<128x128xf32>, vector<2000x128xf32> -> vector<2000x128xf32>
    %swap3A = arith.constant 0 : index
    %swap3A_34 = arith.constant 0 : index
    %swap3A_35 = vector.load %arg6[%swap3A, %swap3A_34] : memref<2000x128xf32, #tpu.memory_space<vmem>>, vector<2000x128xf32>
    tpu.vector_store %arg6[%swap3A, %swap3A_34], %dot_general3A_33 {strides = array<i32>} : memref<2000x128xf32, #tpu.memory_space<vmem>>, vector<2000x128xf32>,
    return
  }
  func.func @transform_0(%arg0: i32) -> (i32, i32) {
    %c0_i32 = arith.constant 0 : i32
    %c0_i32_0 = arith.constant 0 : i32
    return %arg0, %c0_i32 : i32, i32
  }
  func.func @transform_1(%arg0: i32) -> (i32, i32, i32) {
    %c0_i32 = arith.constant 0 : i32
    %c0_i32_0 = arith.constant 0 : i32
    %c0_i32_1 = arith.constant 0 : i32
    %c0_i32_2 = arith.constant 0 : i32
    return %c0_i32, %c0_i32_0, %c0_i32_1 : i32, i32, i32
  }
  func.func @transform_2(%arg0: i32) -> (i32, i32) {
    %c0_i32 = arith.constant 0 : i32
    %c0_i32_0 = arith.constant 0 : i32
    %c0_i32_1 = arith.constant 0 : i32
    return %c0_i32, %c0_i32_0 : i32, i32
  }
  func.func @transform_3(%arg0: i32) -> (i32, i32) {
    %c0_i32 = arith.constant 0 : i32
    %c0_i32_0 = arith.constant 0 : i32
    %c0_i32_1 = arith.constant 0 : i32
    return %c0_i32, %c0_i32_0 : i32, i32
  }
  func.func @transform_4(%arg0: i32) -> (i32, i32) {
    %c0_i32 = arith.constant 0 : i32
    %c0_i32_0 = arith.constant 0 : i32
    %c0_i32_1 = arith.constant 0 : i32
    return %c0_i32, %c0_i32_0 : i32, i32
  }
  func.func @transform_5(%arg0: i32) -> (i32, i32) {
    %c0_i32 = arith.constant 0 : i32
    %c0_i32_0 = arith.constant 0 : i32
    return %arg0, %c0_i32 : i32, i32
  }
}

module attributes {stable_mosaic.version = 14 : i64} {
  func.func @_mid_body(%arg0: i32, %arg1: memref<2x2000x128xf32, #tpu.memory_space<vmem>>, %arg2: memref<2x640x16xf32, #tpu.memory_space<vmem>>, %arg3: memref<1x128xf32, #tpu.memory_space<vmem>>, %arg4: memref<2x640x16xf32, #tpu.memory_space<vmem>>, %arg5: memref<128x128xf32, #tpu.memory_space<vmem>>, %arg6: memref<2000x128xf32, #tpu.memory_space<vmem>>) attributes {dimension_semantics = [#tpu.dimension_semantics<arbitrary>], iteration_bounds = array<i64: 5>, scalar_prefetch = 0 : i64, scratch_operands = 0 : i64, tpu.core_type = #tpu.core_type<tc>, window_params = [{transform_indices = @transform_0, window_bounds = array<i64: 2, 2000, 128>}, {pipeline_mode = #tpu.pipeline_mode<synchronous>, transform_indices = @transform_1, window_bounds = array<i64: 2, 640, 16>}, {pipeline_mode = #tpu.pipeline_mode<synchronous>, transform_indices = @transform_2, window_bounds = array<i64: 1, 128>}, {pipeline_mode = #tpu.pipeline_mode<synchronous>, transform_indices = @transform_3, window_bounds = array<i64: 2, 640, 16>}, {pipeline_mode = #tpu.pipeline_mode<synchronous>, transform_indices = @transform_4, window_bounds = array<i64: 128, 128>}, {transform_indices = @transform_5, window_bounds = array<i64: 2000, 128>}]} {
    %mul3A = arith.constant 125 : i32
    %mul3A_0 = arith.muli %arg0, %mul3A : i32
    %get3A = arith.constant 0 : index
    %get3A_1 = arith.index_cast %mul3A_0 : i32 to index
    %get3A_2 = arith.constant 0 : index
    %get3A_3 = vector.load %arg2[%get3A, %get3A_1, %get3A_2] : memref<2x640x16xf32, #tpu.memory_space<vmem>>, vector<1x125x16xf32>
    %get3A_4 = vector.shape_cast %get3A_3 : vector<1x125x16xf32> to vector<125x16xf32>
    %mul3A_5 = arith.constant 125 : i32
    %mul3A_6 = arith.muli %arg0, %mul3A_5 : i32
    %get3A_7 = arith.constant 1 : index
    %get3A_8 = arith.index_cast %mul3A_6 : i32 to index
    %get3A_9 = arith.constant 0 : index
    %get3A_10 = vector.load %arg2[%get3A_7, %get3A_8, %get3A_9] : memref<2x640x16xf32, #tpu.memory_space<vmem>>, vector<1x125x16xf32>
    %get3A_11 = vector.shape_cast %get3A_10 : vector<1x125x16xf32> to vector<125x16xf32>
    %add3A = arith.addf %get3A_4, %get3A_11 : vector<125x16xf32>
    %max3A = arith.constant 1.000000e+00 : f32
    %max3A_12 = vector.broadcast %max3A : f32 to vector<125x16xf32>
    %max3A_13 = arith.maximumf %add3A, %max3A_12 : vector<125x16xf32>
    %rsqrt3A = math.rsqrt %max3A_13 : vector<125x16xf32>
    %mul3A_14 = arith.constant 125 : i32
    %mul3A_15 = arith.muli %arg0, %mul3A_14 : i32
    %get3A_16 = arith.constant 0 : index
    %get3A_17 = arith.index_cast %mul3A_15 : i32 to index
    %get3A_18 = arith.constant 0 : index
    %get3A_19 = vector.load %arg4[%get3A_16, %get3A_17, %get3A_18] : memref<2x640x16xf32, #tpu.memory_space<vmem>>, vector<1x125x16xf32>
    %get3A_20 = vector.shape_cast %get3A_19 : vector<1x125x16xf32> to vector<125x16xf32>
    %mul3A_21 = arith.constant 125 : i32
    %mul3A_22 = arith.muli %arg0, %mul3A_21 : i32
    %get3A_23 = arith.constant 1 : index
    %get3A_24 = arith.index_cast %mul3A_22 : i32 to index
    %get3A_25 = arith.constant 0 : index
    %get3A_26 = vector.load %arg4[%get3A_23, %get3A_24, %get3A_25] : memref<2x640x16xf32, #tpu.memory_space<vmem>>, vector<1x125x16xf32>
    %get3A_27 = vector.shape_cast %get3A_26 : vector<1x125x16xf32> to vector<125x16xf32>
    %add3A_28 = arith.addf %get3A_20, %get3A_27 : vector<125x16xf32>
    %max3A_29 = arith.constant 1.000000e+00 : f32
    %max3A_30 = vector.broadcast %max3A_29 : f32 to vector<125x16xf32>
    %max3A_31 = arith.maximumf %add3A_28, %max3A_30 : vector<125x16xf32>
    %rsqrt3A_32 = math.rsqrt %max3A_31 : vector<125x16xf32>
    %get3A_33 = arith.constant 0 : index
    %get3A_34 = arith.constant 0 : index
    %get3A_35 = arith.constant 0 : index
    %get3A_36 = vector.load %arg1[%get3A_33, %get3A_34, %get3A_35] : memref<2x2000x128xf32, #tpu.memory_space<vmem>>, vector<1x2000x128xf32>
    %get3A_37 = vector.shape_cast %get3A_36 : vector<1x2000x128xf32> to vector<2000x128xf32>
    %get3A_38 = arith.constant 1 : index
    %get3A_39 = arith.constant 0 : index
    %get3A_40 = arith.constant 0 : index
    %get3A_41 = vector.load %arg1[%get3A_38, %get3A_39, %get3A_40] : memref<2x2000x128xf32, #tpu.memory_space<vmem>>, vector<1x2000x128xf32>
    %get3A_42 = vector.shape_cast %get3A_41 : vector<1x2000x128xf32> to vector<2000x128xf32>
    %add3A_43 = arith.addf %get3A_37, %get3A_42 : vector<2000x128xf32>
    %reshape3A = vector.shape_cast %add3A_43 : vector<2000x128xf32> to vector<125x16x128xf32>
    %broadcast_in_dim3A = vector.shape_cast %rsqrt3A : vector<125x16xf32> to vector<125x16x1xf32>
    %mul3A_44 = vector.broadcast %broadcast_in_dim3A : vector<125x16x1xf32> to vector<125x16x128xf32>
    %mul3A_45 = arith.mulf %reshape3A, %mul3A_44 : vector<125x16x128xf32>
    %reshape3A_46 = vector.shape_cast %mul3A_45 : vector<125x16x128xf32> to vector<2000x128xf32>
    %get3A_47 = arith.constant 0 : index
    %get3A_48 = arith.constant 0 : index
    %get3A_49 = vector.load %arg3[%get3A_47, %get3A_48] : memref<1x128xf32, #tpu.memory_space<vmem>>, vector<1x128xf32>
    %add3A_50 = vector.broadcast %get3A_49 : vector<1x128xf32> to vector<2000x128xf32>
    %add3A_51 = arith.addf %reshape3A_46, %add3A_50 : vector<2000x128xf32>
    %max3A_52 = arith.constant 0.000000e+00 : f32
    %max3A_53 = vector.broadcast %max3A_52 : f32 to vector<2000x128xf32>
    %max3A_54 = arith.maximumf %add3A_51, %max3A_53 : vector<2000x128xf32>
    %reshape3A_55 = vector.shape_cast %max3A_54 : vector<2000x128xf32> to vector<125x16x128xf32>
    %broadcast_in_dim3A_56 = vector.shape_cast %rsqrt3A_32 : vector<125x16xf32> to vector<125x16x1xf32>
    %mul3A_57 = vector.broadcast %broadcast_in_dim3A_56 : vector<125x16x1xf32> to vector<125x16x128xf32>
    %mul3A_58 = arith.mulf %reshape3A_55, %mul3A_57 : vector<125x16x128xf32>
    %reshape3A_59 = vector.shape_cast %mul3A_58 : vector<125x16x128xf32> to vector<2000x128xf32>
    %get3A_60 = arith.constant 0 : index
    %get3A_61 = arith.constant 0 : index
    %get3A_62 = vector.load %arg5[%get3A_60, %get3A_61] : memref<128x128xf32, #tpu.memory_space<vmem>>, vector<128x128xf32>
    %dot_general3A = arith.constant dense<0.000000e+00> : vector<2000x128xf32>
    %dot_general3A_63 = tpu.matmul %reshape3A_59, %get3A_62, %dot_general3A {dimension_numbers = #tpu.dot_dimension_numbers<[1], [0], [0], [1], [0, 0, 1, 1], [], []>, transpose_lhs_hint = false} : vector<2000x128xf32>, vector<128x128xf32>, vector<2000x128xf32> -> vector<2000x128xf32>
    %swap3A = arith.constant 0 : index
    %swap3A_64 = arith.constant 0 : index
    %swap3A_65 = vector.load %arg6[%swap3A, %swap3A_64] : memref<2000x128xf32, #tpu.memory_space<vmem>>, vector<2000x128xf32>
    tpu.vector_store %arg6[%swap3A, %swap3A_64], %dot_general3A_63 {strides = array<i32>} : memref<2000x128xf32, #tpu.memory_space<vmem>>, vector<2000x128xf32>,
    return
  }
  func.func @transform_0(%arg0: i32) -> (i32, i32, i32) {
    %c0_i32 = arith.constant 0 : i32
    %c0_i32_0 = arith.constant 0 : i32
    %c0_i32_1 = arith.constant 0 : i32
    return %c0_i32, %arg0, %c0_i32_0 : i32, i32, i32
  }
  func.func @transform_1(%arg0: i32) -> (i32, i32, i32) {
    %c0_i32 = arith.constant 0 : i32
    %c0_i32_0 = arith.constant 0 : i32
    %c0_i32_1 = arith.constant 0 : i32
    %c0_i32_2 = arith.constant 0 : i32
    return %c0_i32, %c0_i32_0, %c0_i32_1 : i32, i32, i32
  }
  func.func @transform_2(%arg0: i32) -> (i32, i32) {
    %c0_i32 = arith.constant 0 : i32
    %c0_i32_0 = arith.constant 0 : i32
    %c0_i32_1 = arith.constant 0 : i32
    return %c0_i32, %c0_i32_0 : i32, i32
  }
  func.func @transform_3(%arg0: i32) -> (i32, i32, i32) {
    %c0_i32 = arith.constant 0 : i32
    %c0_i32_0 = arith.constant 0 : i32
    %c0_i32_1 = arith.constant 0 : i32
    %c0_i32_2 = arith.constant 0 : i32
    return %c0_i32, %c0_i32_0, %c0_i32_1 : i32, i32, i32
  }
  func.func @transform_4(%arg0: i32) -> (i32, i32) {
    %c0_i32 = arith.constant 0 : i32
    %c0_i32_0 = arith.constant 0 : i32
    %c0_i32_1 = arith.constant 0 : i32
    return %c0_i32, %c0_i32_0 : i32, i32
  }
  func.func @transform_5(%arg0: i32) -> (i32, i32) {
    %c0_i32 = arith.constant 0 : i32
    %c0_i32_0 = arith.constant 0 : i32
    return %arg0, %c0_i32 : i32, i32
  }
}

module attributes {stable_mosaic.version = 14 : i64} {
  func.func @_final_body(%arg0: i32, %arg1: memref<2x2000x128xf32, #tpu.memory_space<vmem>>, %arg2: memref<2x640x16xf32, #tpu.memory_space<vmem>>, %arg3: memref<1x128xf32, #tpu.memory_space<vmem>>, %arg4: memref<2000x128xf32, #tpu.memory_space<vmem>>) attributes {dimension_semantics = [#tpu.dimension_semantics<arbitrary>], iteration_bounds = array<i64: 5>, scalar_prefetch = 0 : i64, scratch_operands = 0 : i64, tpu.core_type = #tpu.core_type<tc>, window_params = [{transform_indices = @transform_0, window_bounds = array<i64: 2, 2000, 128>}, {pipeline_mode = #tpu.pipeline_mode<synchronous>, transform_indices = @transform_1, window_bounds = array<i64: 2, 640, 16>}, {pipeline_mode = #tpu.pipeline_mode<synchronous>, transform_indices = @transform_2, window_bounds = array<i64: 1, 128>}, {transform_indices = @transform_3, window_bounds = array<i64: 2000, 128>}]} {
    %mul3A = arith.constant 125 : i32
    %mul3A_0 = arith.muli %arg0, %mul3A : i32
    %get3A = arith.constant 0 : index
    %get3A_1 = arith.index_cast %mul3A_0 : i32 to index
    %get3A_2 = arith.constant 0 : index
    %get3A_3 = vector.load %arg2[%get3A, %get3A_1, %get3A_2] : memref<2x640x16xf32, #tpu.memory_space<vmem>>, vector<1x125x16xf32>
    %get3A_4 = vector.shape_cast %get3A_3 : vector<1x125x16xf32> to vector<125x16xf32>
    %mul3A_5 = arith.constant 125 : i32
    %mul3A_6 = arith.muli %arg0, %mul3A_5 : i32
    %get3A_7 = arith.constant 1 : index
    %get3A_8 = arith.index_cast %mul3A_6 : i32 to index
    %get3A_9 = arith.constant 0 : index
    %get3A_10 = vector.load %arg2[%get3A_7, %get3A_8, %get3A_9] : memref<2x640x16xf32, #tpu.memory_space<vmem>>, vector<1x125x16xf32>
    %get3A_11 = vector.shape_cast %get3A_10 : vector<1x125x16xf32> to vector<125x16xf32>
    %add3A = arith.addf %get3A_4, %get3A_11 : vector<125x16xf32>
    %max3A = arith.constant 1.000000e+00 : f32
    %max3A_12 = vector.broadcast %max3A : f32 to vector<125x16xf32>
    %max3A_13 = arith.maximumf %add3A, %max3A_12 : vector<125x16xf32>
    %rsqrt3A = math.rsqrt %max3A_13 : vector<125x16xf32>
    %get3A_14 = arith.constant 0 : index
    %get3A_15 = arith.constant 0 : index
    %get3A_16 = arith.constant 0 : index
    %get3A_17 = vector.load %arg1[%get3A_14, %get3A_15, %get3A_16] : memref<2x2000x128xf32, #tpu.memory_space<vmem>>, vector<1x2000x128xf32>
    %get3A_18 = vector.shape_cast %get3A_17 : vector<1x2000x128xf32> to vector<2000x128xf32>
    %get3A_19 = arith.constant 1 : index
    %get3A_20 = arith.constant 0 : index
    %get3A_21 = arith.constant 0 : index
    %get3A_22 = vector.load %arg1[%get3A_19, %get3A_20, %get3A_21] : memref<2x2000x128xf32, #tpu.memory_space<vmem>>, vector<1x2000x128xf32>
    %get3A_23 = vector.shape_cast %get3A_22 : vector<1x2000x128xf32> to vector<2000x128xf32>
    %add3A_24 = arith.addf %get3A_18, %get3A_23 : vector<2000x128xf32>
    %reshape3A = vector.shape_cast %add3A_24 : vector<2000x128xf32> to vector<125x16x128xf32>
    %broadcast_in_dim3A = vector.shape_cast %rsqrt3A : vector<125x16xf32> to vector<125x16x1xf32>
    %mul3A_25 = vector.broadcast %broadcast_in_dim3A : vector<125x16x1xf32> to vector<125x16x128xf32>
    %mul3A_26 = arith.mulf %reshape3A, %mul3A_25 : vector<125x16x128xf32>
    %reshape3A_27 = vector.shape_cast %mul3A_26 : vector<125x16x128xf32> to vector<2000x128xf32>
    %get3A_28 = arith.constant 0 : index
    %get3A_29 = arith.constant 0 : index
    %get3A_30 = vector.load %arg3[%get3A_28, %get3A_29] : memref<1x128xf32, #tpu.memory_space<vmem>>, vector<1x128xf32>
    %add3A_31 = vector.broadcast %get3A_30 : vector<1x128xf32> to vector<2000x128xf32>
    %add3A_32 = arith.addf %reshape3A_27, %add3A_31 : vector<2000x128xf32>
    %max3A_33 = arith.constant 0.000000e+00 : f32
    %max3A_34 = vector.broadcast %max3A_33 : f32 to vector<2000x128xf32>
    %max3A_35 = arith.maximumf %add3A_32, %max3A_34 : vector<2000x128xf32>
    %swap3A = arith.constant 0 : index
    %swap3A_36 = arith.constant 0 : index
    %swap3A_37 = vector.load %arg4[%swap3A, %swap3A_36] : memref<2000x128xf32, #tpu.memory_space<vmem>>, vector<2000x128xf32>
    tpu.vector_store %arg4[%swap3A, %swap3A_36], %max3A_35 {strides = array<i32>} : memref<2000x128xf32, #tpu.memory_space<vmem>>, vector<2000x128xf32>,
    return
  }
  func.func @transform_0(%arg0: i32) -> (i32, i32, i32) {
    %c0_i32 = arith.constant 0 : i32
    %c0_i32_0 = arith.constant 0 : i32
    %c0_i32_1 = arith.constant 0 : i32
    return %c0_i32, %arg0, %c0_i32_0 : i32, i32, i32
  }
  func.func @transform_1(%arg0: i32) -> (i32, i32, i32) {
    %c0_i32 = arith.constant 0 : i32
    %c0_i32_0 = arith.constant 0 : i32
    %c0_i32_1 = arith.constant 0 : i32
    %c0_i32_2 = arith.constant 0 : i32
    return %c0_i32, %c0_i32_0, %c0_i32_1 : i32, i32, i32
  }
  func.func @transform_2(%arg0: i32) -> (i32, i32) {
    %c0_i32 = arith.constant 0 : i32
    %c0_i32_0 = arith.constant 0 : i32
    %c0_i32_1 = arith.constant 0 : i32
    return %c0_i32, %c0_i32_0 : i32, i32
  }
  func.func @transform_3(%arg0: i32) -> (i32, i32) {
    %c0_i32 = arith.constant 0 : i32
    %c0_i32_0 = arith.constant 0 : i32
    return %arg0, %c0_i32 : i32, i32
  }
}

</mosaic_0001>

<sc_bundles>
// kernel: kernel.11.cloned.1.call-start
scs
__scs_entry_jumppad:
0x0: {  	(pc) =	sbr.rel $0x88, $3  }
0x1: {  	(tag) =	ssettag $0x0;
	lr =	simm.s32 $0x1  }
0x2: {  	[smem:$0x3F99] =	sst lr;
	_ =	strace $0xD0000000  }
0x3: {  	_ = 	snop  }
0x4: {  	_ = 	snop  }
0x5: {  	_ = 	snop  }
0x6: {  	_ = 	snop  }
0x7: {  	_ = 	snop  }
__scs_overlays_trampoline_lowered:
0x8: {  	[smem:$0x3FA8] =	sst s0  }
0x9: {  	[smem:$0x3FA9] =	sst s1  }
0xa: {  	[smem:$0x3FAA] =	sst s2  }
0xb: {  	[smem:$0x3FAB] =	sst s3  }
0xc: {  	[smem:$0x3FAC] =	sst s4  }
0xd: {  	[smem:$0x3FAD] =	sst s5  }
0xe: {  	[smem:$0x3FAE] =	sst s6  }
0xf: {  	[smem:$0x3FAF] =	sst s7  }
0x10: {  	[smem:$0x3FB0] =	sst s8  }
0x11: {  	[smem:$0x3FB1] =	sst s9;
	s0 =	simm.s32 @!p0 $0x0  }
0x12: {  	s1 =	sld [smem:$0x3F97];
	s0 =	simm.s32 @p0 $0x1  }
0x13: {  	[smem:$0x3FB2] =	sst s0;
	s0 =	simm.s32 @!p1 $0x0  }
0x14: {  	s2 =	sld [smem:$0x3F96];
	s0 =	simm.s32 @p1 $0x1  }
0x15: {  	[smem:$0x3FB3] =	sst s0;
	s0 =	simm.s32 @!p2 $0x0  }
0x16: {  	s3 =	sld [smem:$0x3FDB];
	s0 =	simm.s32 @p2 $0x1  }
0x17: {  	s4 =	simm.s32 $0x1BF5;
	[smem:$0x3FB5] =	sst s0  }
0x18: {  	s0 =	sld [smem:$0x3F98];
	_ =	swait.ge [sflag:s4], $0x0  }
0x19: {  	s7 =	sld [smem:$0x3F99]  }
0x1a: {  	s8 =	sadd.s32 $0xFFFFE003, lr  }
0x1b: {  	s9 =	sadd.s32 $0xFFFFFEF7, lr;
	s5 =	simm.s32 $0xFFFFFFFF;
	p2 =	slt.u32 s8, $0xFFFFF086  }
0x1c: {  	p1 =	slt.u32 s9, $0xF7A;
	s5 =	simm.s32 @!p2 $0x0  }
0x1d: {  	s5 =	simm.s32 @p1 $0x1;
	p0 =	seq.s32 s7, s2  }
0x1e: {  	s7 =	smul.u32 @!p0 $0xF7A, s2;
	p2 =	seq.s32 @!p0 s5, $0x0  }
0x1f: {  	s9 =	smul.u32 $0xF7A, s1;
	s8 =	simm.s32 @!p0 $0x1BF5;
	p2 =	por !p2, p0  }
0x20: {  	[sflag:s8] =	ssyncset.s32 @!p0 $0xFFFFF086;
	s6 =	sadd.s32 @!p0 s3, s7;
	s7 =	simm.s32 @!p0 $0x108  }
0x21: {  	s3 =	sadd.s32 s3, s9;
	s6 =	sadd.s32 @!p0 $0x88, s6;
	s7 =	simm.s32 @p2 $0x1082  }
0x22: {  	[simem:s7], [sflag:s8] =	dma.local @!p0 [hbm:s6], $0xF7A  }
0x23: {  	s9 =	sor.u32 $0xD0000000, s2;
	s6 =	simm.s32 $0x108;
	_ =	swait.ge @!p0 [sflag:s8], $0x0  }
0x24: {  	s3 =	sadd.s32 $0x88, s3;
	s6 =	simm.s32 @!p1 $0x1082;
	[sflag:s4] =	ssyncset.s32 $0xFFFFF086  }
0x25: {  	[simem:s6], [sflag:s4] =	dma.local [hbm:s3], $0xF7A  }
0x26: {  	[smem:$0x3F99] =	sst s1;
	(tag) =	ssettag s2;
	_ =	strace s9  }
0x27: {  	s1 =	sld [smem:$0x3FA9]  }
0x28: {  	s2 =	sld [smem:$0x3FAA]  }
0x29: {  	s4 =	sld [smem:$0x3FAC]  }
0x2a: {  	p0 =	seq.s32 s5, $0x0;
	s5 =	sld [smem:$0x3FAD]  }
0x2b: {  	s6 =	sld [smem:$0x3FAE]  }
0x2c: {  	s7 =	sld [smem:$0x3FAF]  }
0x2d: {  	s3 =	simm.s32 $0x108;
	s8 =	sld [smem:$0x3FB0]  }
0x2e: {  	s3 =	simm.s32 @!p0 $0x1082;
	s9 =	sld [smem:$0x3FB1]  }
0x2f: {  	lr =	sadd.s32 s0, s3;
	s0 =	sld [smem:$0x3FA8]  }
0x30: {  	s3 =	sld [smem:$0x3FAB]  }
0x31: {  	[smem:$0x3FB4] =	sst s10  }
0x32: {  	s10 =	sld [smem:$0x3FB2];
	_ =	sdelay $0x3  }
0x33: {  	p0 =	seq.s32 s10, $0x1;
	s10 =	sld [smem:$0x3FB4];
	_ =	sdelay $0x3  }
0x34: {  	[smem:$0x3FB4] =	sst s10  }
0x35: {  	s10 =	sld [smem:$0x3FB3];
	_ =	sdelay $0x3  }
0x36: {  	p1 =	seq.s32 s10, $0x1;
	s10 =	sld [smem:$0x3FB4];
	_ =	sdelay $0x3  }
0x37: {  	[smem:$0x3FB4] =	sst s10  }
0x38: {  	s10 =	sld [smem:$0x3FB5]  }
0x39: {  	_ = 	snop;
	(pc) =	sbr.ind lr, $3  }
0x3a: {  	_ = 	snop  }
0x3b: {  	_ = 	snop  }
0x3c: {  	p2 =	seq.s32 s10, $0x1;
	s10 =	sld [smem:$0x3FB4]  }
0x3d: {  	_ =	shalt  }
0x3e: {  	_ =	shalt  }
0x3f: {  	_ =	shalt  }
0x40: {  	_ =	shalt  }
0x41: {  	_ =	shalt  }
0x42: {  	_ =	shalt  }
0x43: {  	_ =	shalt  }
0x44: {  	_ =	shalt  }
0x45: {  	_ =	shalt  }
0x46: {  	_ =	shalt  }
0x47: {  	_ =	shalt  }
0x48: {  	_ =	shalt  }
0x49: {  	_ =	shalt  }
0x4a: {  	_ =	shalt  }
0x4b: {  	_ =	shalt  }
0x4c: {  	_ =	shalt  }
0x4d: {  	_ =	shalt  }
0x4e: {  	_ =	shalt  }
0x4f: {  	_ =	shalt  }
0x50: {  	_ =	shalt  }
0x51: {  	_ =	shalt  }
0x52: {  	_ =	shalt  }
0x53: {  	_ =	shalt  }
0x54: {  	_ =	shalt  }
0x55: {  	_ =	shalt  }
0x56: {  	_ =	shalt  }
0x57: {  	_ =	shalt  }
0x58: {  	_ =	shalt  }
0x59: {  	_ =	shalt  }
0x5a: {  	_ =	shalt  }
0x5b: {  	_ =	shalt  }
0x5c: {  	_ =	shalt  }
0x5d: {  	_ =	shalt  }
0x5e: {  	_ =	shalt  }
0x5f: {  	_ =	shalt  }
0x60: {  	_ =	shalt  }
0x61: {  	_ =	shalt  }
0x62: {  	_ =	shalt  }
0x63: {  	_ =	shalt  }
0x64: {  	_ =	shalt  }
0x65: {  	_ =	shalt  }
0x66: {  	_ =	shalt  }
0x67: {  	_ =	shalt  }
0x68: {  	_ =	shalt  }
0x69: {  	_ =	shalt  }
0x6a: {  	_ =	shalt  }
0x6b: {  	_ =	shalt  }
0x6c: {  	_ =	shalt  }
0x6d: {  	_ =	shalt  }
0x6e: {  	_ =	shalt  }
0x6f: {  	_ =	shalt  }
0x70: {  	_ =	shalt  }
0x71: {  	_ =	shalt  }
0x72: {  	_ =	shalt  }
0x73: {  	_ =	shalt  }
0x74: {  	_ =	shalt  }
0x75: {  	_ =	shalt  }
0x76: {  	_ =	shalt  }
0x77: {  	_ =	shalt  }
0x78: {  	_ =	shalt  }
0x79: {  	_ =	shalt  }
0x7a: {  	_ =	shalt  }
0x7b: {  	_ =	shalt  }
0x7c: {  	_ =	shalt  }
0x7d: {  	_ =	shalt  }
0x7e: {  	_ =	shalt  }
0x7f: {  	_ =	shalt  }
0x80: {  	_ =	shalt  }
0x81: {  	_ =	shalt  }
0x82: {  	_ =	shalt  }
0x83: {  	_ =	shalt  }
0x84: {  	_ =	shalt  }
0x85: {  	_ =	shalt  }
0x86: {  	_ =	shalt  }
0x87: {  	_ =	shalt  }
.Lfunc_end0:
.L_simem_size_0:
called_computation.1_lowered:
.L_overlay_start_0:
0x88: {  	s2 =	sld [smem:$0x3FD9]  }
0x89: {  	s3 =	sld [smem:$0x3FFE];
	_ =	sdelay $0x1  }
0x8a: {  	s1 =	srdreg.scid  }
0x8b: {  	s0 =	sand.u32 $0x1, s1  }
0x8c: {  	s17 =	sshll.u32 s0, $0xA;
	s2 =	sadd.s32 s3, s2  }
0x8d: {  	s2 =	sadd.s32 s2, s17  }
0x8e: {  	[smem:$0x3FC0] =	sst s2  }
0x8f: {  	_ = 	snop  }
0x90: {  	s2 =	sld [smem:$0x3FD0];
	(tm) =	ssettm $0x1  }
0x91: {  	s18 =	sld [smem:$0x3FFB];
	_ =	sdelay $0x3  }
0x92: {  	_ =	strace s18  }
0x93: {  	s3 =	sld [smem:$0x3FFC];
	_ =	sdelay $0x3  }
0x94: {  	_ =	strace s3  }
0x95: {  	s3 =	sld [smem:$0x3FFD];
	_ =	sdelay $0x3  }
0x96: {  	_ =	strace s3  }
0x97: {  	_ =	strace $0x8FFFFFFF  }
0x98: {  	s19 =	sld [smem:$0x3FDB];
	_ =	sdelay $0x1  }
0x99: {  	s4 =	simm.s32 $_scs_section_size  }
0x9a: {  	s5 =	simm.s32 $_size__tile_overlayer_lowered;
	s6 =	simm.s32 $_tile_overlayer_lowered  }
0x9b: {  	s22 =	simm.s32 $0x1BFF;
	s21 =	sshll.u32 s6, $0x1;
	s3 =	sadd.s32 s4, s19  }
0x9c: {  	s7 =	simm.s32 $0x0;
	s20 =	sshll.u32 s5, $0x1;
	s5 =	sadd.s32 s21, s3  }
0x9d: {  	[timem:s7], [sflag:s22] =	dma.local [hbm:s5], s20  }
0x9e: {  	_ =	swait.ge [sflag:s22], s20  }
0x9f: {  	s4 =	ssub.s32 $0x0, s20;
	[sflag:s22] =	ssyncset.done $0x0  }
0xa0: {  	[sflag:s22] =	ssyncadd.s32 s4;
	_ =	sdelay $0x1  }
0xa1: {  	s23 =	simm.s32 $0x1B8B  }
0xa2: {  	_ =	swait.ge [sflag:s23], $0x1  }
0xa3: {  	[sflag:s23] =	ssyncset.done $0x0  }
0xa4: {  	s25 =	simm.s32 $0x1B8E;
	s24 =	sld [smem:$0x3FFE];
	[sflag:s23] =	ssyncadd.s32 $0xFFFFFFFF  }
0xa5: {  	s26 =	simm.s32 $execute0_lowered;
	[smem:$0x3FD2] =	sst s25  }
0xa6: {  	s5 =	sshll.u32 s26, $0x1;
	_ =	strace $0x80000049;
	[dreg:$0x1] =	wrdreg $0xFFFFFFFF  }
0xa7: {  	s28 =	simm.s32 $_size_execute0_lowered;
	s3 =	sadd.s32 s3, s5;
	[dreg:$0x0] =	wrdreg $0x0  }
0xa8: {  	s5 =	sshll.u32 s28, $0x1;
	[dreg:$0x2] =	wrdreg s3  }
0xa9: {  	[dreg:$0x3] =	wrdreg s5  }
0xaa: {  	[dreg:$0x4] =	wrdreg $0xC0  }
0xab: {  	_ =	task [dreg:s7], $0x5FFFF  }
0xac: {  	[dreg:$0x1] =	wrdreg $0xFFFFFFFF  }
0xad: {  	[dreg:$0x0] =	wrdreg $0x60  }
0xae: {  	[dreg:$0x2] =	wrdreg s2  }
0xaf: {  	[dreg:$0x3] =	wrdreg s24  }
0xb0: {  	[dreg:$0x4] =	wrdreg $0xC6200  }
0xb1: {  	[dreg:$0x5] =	wrdreg $0x9  }
0xb2: {  	_ =	task.clear_ibuf [dreg:s7], $0x6FFFF;
	_ =	strace $0x90000049  }
0xb3: {  	s29 =	simm.s32 $0x9;
	_ =	strace $0x8000004B  }
0xb4: {  	_ =	swait.ge [sflag:s29], $0x1  }
0xb5: {  	[sflag:s29] =	ssyncadd.s32 $0xFFFFFFFF  }
0xb6: {  	_ =	strace $0x9000004B  }
0xb7: {  	_ =	sfence  }
0xb8: {  	s30 =	sld [smem:$0x0];
	_ =	sdelay $0x2  }
0xb9: {  	s31 =	sshll.u32 s1, $0xD;
	s1 =	sshrl.u32 s1, $0x2  }
0xba: {  	s3 =	sand.u32 $0x4000, s31;
	s1 =	sadd.s32 s1, s30  }
0xbb: {  	s0 =	sor.u32 s3, s0;
	s1 =	sshll.u32 s1, $0x11  }
0xbc: {  	s0 =	sor.u32 s1, s0  }
0xbd: {  	s0 =	sadd.s32 $0x8F2B, s0  }
0xbe: {  	[sflag:s0] =	ssyncadd.remote.s32 $0x1  }
0xbf: {  	_ =	sfence.sel $0xFFFF  }
0xc0: {  	[dreg:$0x0] =	wrdreg $0xFFFFFFFF;
	(pc) =	sbr.abs _section_cstart, $3  }
0xc1: {  	[dreg:$0x1] =	wrdreg $0xFFFFFFFF  }
0xc2: {  	_ =	task.clear_ibuf [dreg:s7], $0x2FFFF;
	_ =	strace $0x9FFFFFFF  }
0xc3: {  	(tm) =	ssettm $0x7FFFFFFF  }
tec
execute0_lowered:
.L_overlay_start_1:
0x0: {  	(tag) =	ssettag $0x1  }
0x1: {  	s1 =	rddreg [dreg:$0x0];
	s0 =	srdreg.scid  }
0x2: {  	s2 =	rddreg [dreg:$0x1];
	s10 =	stileid.u32  }
0x3: {  	s3 =	rddreg [dreg:$0x2];
	s4 =	simm.s32 $0x0;
	s6 =	smul.u32 $0x2710, s10  }
0x4: {  	s28 =	simm.s32 $0x4E20;
	s29 =	simm.s32 $0x50;
	s11 =	smul.u32 $0x13880, s10  }
0x5: {  	s0 =	sand.u32 $0x1, s0;
	[smem:$0x7FF] =	sst s4;
	s10 =	smul.u32 $0x4E200, s10  }
0x6: {  	s5 =	smul.u32 $0x27100, s0;
	_ =	strace $0x8000004A;
	s7 =	ssub.s32 $0x2, s0  }
0x7: {  	s0 =	smul.u32 $0x138800, s0;
	s8 =	sshrl.u32 s7, $0x1;
	s9 =	sadd.s32 $0x11800, s11  }
0x8: {  	s18 =	sadd.s32 s11, s3;
	s20 =	sshrl.u32 s10, $0x2;
	s21 =	sadd.s32 $0x2800, s11  }
0x9: {  	s22 =	sadd.s32 $0x5000, s11;
	s23 =	sadd.s32 $0x7800, s11;
	s24 =	sadd.s32 $0xA000, s11  }
0xa: {  	s5 =	sadd.s32 s6, s5;
	s8 =	ssub.s32 s7, s8;
	s16 =	sadd.s32 s0, s9  }
0xb: {  	s7 =	sadd.s32 s9, s3;
	[dreg:$0x7] =	wrdreg s18;
	s12 =	sadd.s32 s21, s3  }
0xc: {  	s13 =	sadd.s32 s22, s3;
	s14 =	sadd.s32 s23, s3;
	s18 =	sadd.s32 $0xF000, s11  }
0xd: {  	s6 =	sadd.s32 s0, s11;
	s9 =	sadd.s32 s0, s23;
	s10 =	sadd.s32 s0, s24  }
0xe: {  	s5 =	sshrl.u32 s5, $0x3;
	s17 =	sshrl.u32 s16, $0x3;
	s19 =	smax.u32 s8, $0x1  }
0xf: {  	s6 =	sshrl.u32 s6, $0x3;
	s8 =	sadd.s32 s0, s21;
	s26 =	sshrl.u32 s9, $0x3  }
0x10: {  	s30 =	sshrl.u32 s10, $0x3;
	s5 =	sadd.s32 s5, s2;
	s2 =	sadd.s32 $0x16C00, s2  }
0x11: {  	[dreg:$0x8] =	wrdreg s19;
	s25 =	sshrl.u32 s8, $0x3;
	s15 =	sadd.s32 $0xC400, s5  }
0x12: {  	s5 =	sadd.s32 $0x2600, s5;
	s6 =	sadd.s32 s2, s6;
	[dreg:$0x4] =	wrdreg s15  }
0x13: {  	s21 =	sadd.s32 s2, s26;
	s26 =	simm.s32 $0x0;
	[dreg:$0x5] =	wrdreg s5  }
0x14: {  	s5 =	sadd.s32 s2, s17;
	s15 =	sadd.s32 s24, s3;
	[dreg:$0xa] =	wrdreg s6  }
0x15: {  	s17 =	sadd.s32 $0xC800, s11;
	s6 =	sadd.s32 s2, s25;
	[dreg:$0x6] =	wrdreg s5  }
0x16: {  	s25 =	simm.s32 $0x2;
	s5 =	sadd.s32 s20, s3;
	[dreg:$0xb] =	wrdreg s6  }
0x17: {  	s16 =	sadd.s32 s17, s3;
	[dreg:$0x9] =	wrdreg s5;
	s5 =	sadd.s32 s0, s22  }
0x18: {  	s22 =	sadd.s32 s0, s17;
	s0 =	sadd.s32 s0, s18;
	s17 =	sadd.s32 s18, s3  }
0x19: {  	s5 =	sshrl.u32 s5, $0x3;
	s31 =	sshrl.u32 s22, $0x3;
	s0 =	sshrl.u32 s0, $0x3  }
0x1a: {  	s22 =	sadd.s32 s2, s30;
	s5 =	sadd.s32 s2, s5;
	s23 =	sadd.s32 s2, s31  }
0x1b: {  	v0 =	vimm.f32 $0.0e+00;
	s24 =	sadd.s32 s2, s0;
	s0 =	simm.s32 $0x1;
	[dreg:$0xc] =	wrdreg s5  }
.LBB2_1:
0x1c: {  	s2 =	rddreg [dreg:$0x4]  }
0x1d: {  	[tilespmem:s4], [sflag:$0x2] =	stream.linear.gather [hbm4b:s2+s4], $0x2710, $0x38;
	[tilespmem:$0x1FEA0] =	vst v63  }
0x1e: {  	_ =	swait.ge [sflag:s25], $0x2710  }
0x1f: {  	[sflag:s25] =	ssyncset.done $0x0  }
0x20: {  	s5 =	simm.s32 $0x2710;
	s31 =	rddreg [dreg:$0x5];
	[sflag:s25] =	ssyncadd.s32 $0xFFFFD8F0  }
0x21: {  	[tilespmem:s5], [sflag:$0x2] =	stream.linear.gather [hbm4b:s31+s4], $0x2710, $0x38;
	[tilespmem:$0x1FEA0] =	vst v63  }
0x22: {  	_ =	swait.ge [sflag:s25], $0x2710  }
0x23: {  	[sflag:s25] =	ssyncset.done $0x0  }
0x24: {  	s2 =	simm.s32 $0x0;
	s5 =	simm.s32 $0x200;
	[sflag:s25] =	ssyncadd.s32 $0xFFFFD8F0  }
.LBB2_2:
0x25: {  	p0 =	sne.s32 s5, $0x9E00;
	[tilespmem:s2+$0x4E90] =	vst v0  }
0x26: {  	[tilespmem:s2+$0x4E20] =	vst v0  }
0x27: {  	[tilespmem:s2+$0x4E30] =	vst v0  }
.Ltmp0:
0x28: {  	[tilespmem:s2+$0x4E40] =	vst v0;
	(pc) =	sbr.rel @p0 .LBB2_2-.Ltmp0, $4  }
0x29: {  	[tilespmem:s2+$0x4E50] =	vst v0  }
0x2a: {  	[tilespmem:s2+$0x4E60] =	vst v0  }
0x2b: {  	[tilespmem:s2+$0x4E70] =	vst v0  }
0x2c: {  	[tilespmem:s2+$0x4E80] =	vst v0;
	s2 =	sshra.s32 s5, $0x2;
	s5 =	sadd.s32 $0x200, s5  }
0x2d: {  	[tilespmem:s2+$0x4E90] =	vst v0  }
0x2e: {  	[tilespmem:s2+$0x4E20] =	vst v0  }
0x2f: {  	[tilespmem:s2+$0x4E30] =	vst v0  }
0x30: {  	[tilespmem:s2+$0x4E40] =	vst v0  }
0x31: {  	[tilespmem:s2+$0x4E50] =	vst v0  }
0x32: {  	[tilespmem:s2+$0x4E60] =	vst v0  }
0x33: {  	[tilespmem:s2+$0x4E70] =	vst v0  }
0x34: {  	[tilespmem:s2+$0x4E80] =	vst v0;
	s18 =	rddreg [dreg:$0x9]  }
0x35: {  	[spmem:s18] =	stream.linear.scatter [tilespmem:s28], [sflag:$0x2], $0x2800, $0x38;
	[tilespmem:$0x1FEA0] =	vst v63  }
0x36: {  	_ =	swait.ge [sflag:s25], $0x2800  }
0x37: {  	[sflag:s25] =	ssyncset.done $0x0  }
0x38: {  	[sflag:s25] =	ssyncadd.s32 $0xFFFFD800  }
0x39: {  	[spmem:s12] =	stream.linear.scatter [tilespmem:s28], [sflag:$0x2], $0x2800, $0x38;
	[tilespmem:$0x1FEA0] =	vst v63  }
0x3a: {  	_ =	swait.ge [sflag:s25], $0x2800  }
0x3b: {  	[sflag:s25] =	ssyncset.done $0x0  }
0x3c: {  	[sflag:s25] =	ssyncadd.s32 $0xFFFFD800  }
0x3d: {  	[spmem:s13] =	stream.linear.scatter [tilespmem:s28], [sflag:$0x2], $0x2800, $0x38;
	[tilespmem:$0x1FEA0] =	vst v63  }
0x3e: {  	_ =	swait.ge [sflag:s25], $0x2800  }
0x3f: {  	[sflag:s25] =	ssyncset.done $0x0  }
0x40: {  	[sflag:s25] =	ssyncadd.s32 $0xFFFFD800  }
0x41: {  	[spmem:s14] =	stream.linear.scatter [tilespmem:s28], [sflag:$0x2], $0x2800, $0x38;
	[tilespmem:$0x1FEA0] =	vst v63  }
0x42: {  	_ =	swait.ge [sflag:s25], $0x2800  }
0x43: {  	[sflag:s25] =	ssyncset.done $0x0  }
0x44: {  	[sflag:s25] =	ssyncadd.s32 $0xFFFFD800  }
0x45: {  	[spmem:s15] =	stream.linear.scatter [tilespmem:s28], [sflag:$0x2], $0x2800, $0x38;
	[tilespmem:$0x1FEA0] =	vst v63  }
0x46: {  	_ =	swait.ge [sflag:s25], $0x2800  }
0x47: {  	[sflag:s25] =	ssyncset.done $0x0  }
0x48: {  	[sflag:s25] =	ssyncadd.s32 $0xFFFFD800  }
0x49: {  	[spmem:s16] =	stream.linear.scatter [tilespmem:s28], [sflag:$0x2], $0x2800, $0x38;
	[tilespmem:$0x1FEA0] =	vst v63  }
0x4a: {  	_ =	swait.ge [sflag:s25], $0x2800  }
0x4b: {  	[sflag:s25] =	ssyncset.done $0x0  }
0x4c: {  	s19 =	simm.s32 $0x0;
	[sflag:s25] =	ssyncadd.s32 $0xFFFFD800  }
0x4d: {  	[spmem:s17] =	stream.linear.scatter [tilespmem:s28], [sflag:$0x2], $0x2800, $0x38;
	[tilespmem:$0x1FEA0] =	vst v63  }
0x4e: {  	s2 =	smul.u32 $0xAB, s19;
	_ =	swait.ge [sflag:s25], $0x2800  }
0x4f: {  	[sflag:s25] =	ssyncset.done $0x0  }
0x50: {  	s5 =	simm.s32 $0x7620;
	s2 =	sshrl.u32 s2, $0x9;
	[sflag:s25] =	ssyncadd.s32 $0xFFFFD800  }
0x51: {  	[spmem:s7] =	stream.linear.scatter [tilespmem:s28], [sflag:$0x2], $0x2080, $0x38;
	[tilespmem:$0x1FEA0] =	vst v63  }
0x52: {  	s20 =	simm.s32 $0xA0;
	s2 =	sand.u32 $0x7F, s2;
	_ =	swait.ge [sflag:s25], $0x2080  }
0x53: {  	s6 =	simm.s32 $0x9E20;
	s2 =	smul.u32 $0x3, s2;
	[sflag:s25] =	ssyncset.done $0x0  }
0x54: {  	s31 =	simm.s32 $0x1;
	s30 =	simm.s32 $0xF0;
	[sflag:s25] =	ssyncadd.s32 $0xFFFFDF80  }
0x55: {  	s8 =	smul.u32 $0xAB, s31;
	s2 =	ssub.s32 $0x0, s2;
	[bflag:$0x0] =	sbarrier.arrive $0xFFFF  }
0x56: {  	[tilespmem:s28], [sflag:$0x1] =	stream.indirect.gather [hbm4b:s1+s29], $0x80, s19, s29, $0xb8;
	[tilespmem:$0x1FEA0] =	vst v63  }
0x57: {  	p0 =	por $0x0, $0x0;
	s8 =	sshrl.u32 s8, $0x9;
	s9 =	sand.u32 $0xFF, s2  }
0x58: {  	[tilespmem:s5], [sflag:$0x1] =	stream.indirect.gather [hbm4b:s1+s29], $0x80, s29, s29, $0xb8;
	[tilespmem:$0x1FEA0] =	vst v63  }
0x59: {  	s8 =	sand.u32 $0x7F, s8;
	s2 =	simm.s32 $0x2760;
	s10 =	smul.u32 $0xA000, s9  }
0x5a: {  	[tilespmem:s6], [sflag:$0x1] =	stream.indirect.gather [hbm4b:s1+s29], $0x80, s20, s29, $0xb8;
	[tilespmem:$0x1FEA0] =	vst v63  }
0x5b: {  	s9 =	smul.u32 $0x3, s8;
	s8 =	simm.s32 @!p0 $0x50;
	_ =	swait.ge [sflag:s0], $0x2800  }
0x5c: {  	s5 =	simm.s32 $0x2710;
	s6 =	simm.s32 $0x2;
	[sflag:s0] =	ssyncset.done $0x0  }
.LBB2_4:
0x5d: {  	s10 =	sshrl.u32 s10, $0x2;
	s11 =	smov.u32 s31;
	s31 =	smov.u32 s6  }
0x5e: {  	s6 =	sadd.s32 $0x1, s6;
	s18 =	smov.u32 s30;
	s30 =	sadd.s32 $0x50, s30  }
0x5f: {  	p1 =	sne.s32 s6, $0x7D;
	s9 =	ssub.s32 s11, s9  }
0x60: {  	s19 =	sadd.s32 $0x4E20, s10;
	s9 =	sand.u32 $0xFF, s9;
	[sflag:s0] =	ssyncadd.s32 $0xFFFFD800  }
0x61: {  	[spmem:s3] =	stream.indirect.scatter.add.f32 [tilespmem:s19], [sflag:$0x2], $0x80, s5, s29, $0xb8;
	[tilespmem:$0x1FEA0] =	vst v63  }
0x62: {  	s10 =	smul.u32 $0xAB, s31;
	s5 =	smov.u32 s2;
	_ =	swait.ge [sflag:s25], $0x2800  }
.Ltmp1:
0x63: {  	s2 =	sadd.s32 $0x50, s2;
	[sflag:s25] =	ssyncset.done $0x0;
	(pc) =	sbr.rel @p1 .LBB2_4-.Ltmp1, $4  }
0x64: {  	s20 =	sshrl.u32 s10, $0x9;
	s10 =	smul.u32 $0xA000, s9;
	[sflag:s25] =	ssyncadd.s32 $0xFFFFD800  }
0x65: {  	[tilespmem:s19], [sflag:$0x1] =	stream.indirect.gather @!p0 [hbm4b:s1+s8], $0x80, s18, s8, $0xb8;
	[tilespmem:$0x1FEA0] =	vst v63  }
0x66: {  	s8 =	sand.u32 $0x7F, s20;
	p0 =	sgt.u32 s11, $0x79;
	_ =	swait.ge [sflag:s0], $0x2800  }
0x67: {  	s9 =	smul.u32 $0x3, s8;
	s8 =	simm.s32 @!p0 $0x50;
	[sflag:s0] =	ssyncset.done $0x0  }
0x68: {  	s6 =	sshrl.u32 s10, $0x2  }
0x69: {  	[sflag:s0] =	ssyncadd.s32 $0xFFFFD800;
	s6 =	sadd.s32 $0x4E20, s6  }
0x6a: {  	[spmem:s3] =	stream.indirect.scatter.add.f32 [tilespmem:s6], [sflag:$0x2], $0x80, s5, s29, $0xb8;
	[tilespmem:$0x1FEA0] =	vst v63  }
0x6b: {  	s10 =	ssub.s32 s31, s9;
	_ =	swait.ge [sflag:s25], $0x2800  }
0x6c: {  	s5 =	sand.u32 $0xFF, s10;
	[sflag:s25] =	ssyncset.done $0x0  }
0x6d: {  	s5 =	smul.u32 $0xA000, s5;
	[sflag:s25] =	ssyncadd.s32 $0xFFFFD800  }
0x6e: {  	[tilespmem:s6], [sflag:$0x1] =	stream.indirect.gather @!p0 [hbm4b:s1+s8], $0x80, s30, s8, $0xb8;
	[tilespmem:$0x1FEA0] =	vst v63  }
0x6f: {  	_ =	swait.ge [sflag:s0], $0x2800  }
0x70: {  	s5 =	sshrl.u32 s5, $0x2;
	[sflag:s0] =	ssyncset.done $0x0  }
0x71: {  	s5 =	sadd.s32 $0x4E20, s5;
	[sflag:s0] =	ssyncadd.s32 $0xFFFFD800  }
0x72: {  	[spmem:s3] =	stream.indirect.scatter.add.f32 [tilespmem:s5], [sflag:$0x2], $0x80, s2, s29, $0xb8;
	[tilespmem:$0x1FEA0] =	vst v63  }
0x73: {  	_ =	swait.ge [sflag:s25], $0x2800  }
0x74: {  	p0 =	sgt.u32 s31, $0x79;
	[sflag:s25] =	ssyncset.done $0x0  }
0x75: {  	s6 =	simm.s32 @!p0 $0x50;
	s2 =	sadd.s32 $0x50, s30;
	[sflag:s25] =	ssyncadd.s32 $0xFFFFD800  }
0x76: {  	[tilespmem:s5], [sflag:$0x1] =	stream.indirect.gather @!p0 [hbm4b:s1+s6], $0x80, s2, s6, $0xb8;
	[tilespmem:$0x1FEA0] =	vst v63  }
0x77: {  	[bflag:$0x0] =	sbarrier.arrive $0xFFFF  }
0x78: {  	s11 =	rddreg [dreg:$0x7]  }
0x79: {  	[tilespmem:s28], [sflag:$0x2] =	stream.linear.gather [spmem:s11], $0x2800, $0x38;
	[tilespmem:$0x1FEA0] =	vst v63  }
0x7a: {  	_ =	swait.ge [sflag:s25], $0x2800  }
0x7b: {  	[sflag:s25] =	ssyncset.done $0x0  }
0x7c: {  	s18 =	rddreg [dreg:$0xa];
	[sflag:s25] =	ssyncadd.s32 $0xFFFFD800  }
0x7d: {  	[hbm4b:s18+s4] =	stream.linear.scatter [tilespmem:s28], [sflag:$0x2], $0x2800, $0x38;
	[tilespmem:$0x1FEA0] =	vst v63  }
0x7e: {  	_ =	swait.ge [sflag:s25], $0x2800  }
0x7f: {  	[sflag:s25] =	ssyncset.done $0x0  }
0x80: {  	[sflag:s25] =	ssyncadd.s32 $0xFFFFD800  }
0x81: {  	[tilespmem:s28], [sflag:$0x2] =	stream.linear.gather [spmem:s12], $0x2800, $0x38;
	[tilespmem:$0x1FEA0] =	vst v63  }
0x82: {  	_ =	swait.ge [sflag:s25], $0x2800  }
0x83: {  	[sflag:s25] =	ssyncset.done $0x0  }
0x84: {  	s19 =	rddreg [dreg:$0xb];
	[sflag:s25] =	ssyncadd.s32 $0xFFFFD800  }
0x85: {  	[hbm4b:s19+s4] =	stream.linear.scatter [tilespmem:s28], [sflag:$0x2], $0x2800, $0x38;
	[tilespmem:$0x1FEA0] =	vst v63  }
0x86: {  	_ =	swait.ge [sflag:s25], $0x2800  }
0x87: {  	[sflag:s25] =	ssyncset.done $0x0  }
0x88: {  	[sflag:s25] =	ssyncadd.s32 $0xFFFFD800  }
0x89: {  	[tilespmem:s28], [sflag:$0x2] =	stream.linear.gather [spmem:s13], $0x2800, $0x38;
	[tilespmem:$0x1FEA0] =	vst v63  }
0x8a: {  	_ =	swait.ge [sflag:s25], $0x2800  }
0x8b: {  	[sflag:s25] =	ssyncset.done $0x0  }
0x8c: {  	s20 =	rddreg [dreg:$0xc];
	[sflag:s25] =	ssyncadd.s32 $0xFFFFD800  }
0x8d: {  	[hbm4b:s20+s4] =	stream.linear.scatter [tilespmem:s28], [sflag:$0x2], $0x2800, $0x38;
	[tilespmem:$0x1FEA0] =	vst v63  }
0x8e: {  	_ =	swait.ge [sflag:s25], $0x2800  }
0x8f: {  	[sflag:s25] =	ssyncset.done $0x0  }
0x90: {  	[sflag:s25] =	ssyncadd.s32 $0xFFFFD800  }
0x91: {  	[tilespmem:s28], [sflag:$0x2] =	stream.linear.gather [spmem:s14], $0x2800, $0x38;
	[tilespmem:$0x1FEA0] =	vst v63  }
0x92: {  	_ =	swait.ge [sflag:s25], $0x2800  }
0x93: {  	[sflag:s25] =	ssyncset.done $0x0  }
0x94: {  	[sflag:s25] =	ssyncadd.s32 $0xFFFFD800  }
0x95: {  	[hbm4b:s21+s4] =	stream.linear.scatter [tilespmem:s28], [sflag:$0x2], $0x2800, $0x38;
	[tilespmem:$0x1FEA0] =	vst v63  }
0x96: {  	_ =	swait.ge [sflag:s25], $0x2800  }
0x97: {  	[sflag:s25] =	ssyncset.done $0x0  }
0x98: {  	[sflag:s25] =	ssyncadd.s32 $0xFFFFD800  }
0x99: {  	[tilespmem:s28], [sflag:$0x2] =	stream.linear.gather [spmem:s15], $0x2800, $0x38;
	[tilespmem:$0x1FEA0] =	vst v63  }
0x9a: {  	_ =	swait.ge [sflag:s25], $0x2800  }
0x9b: {  	[sflag:s25] =	ssyncset.done $0x0  }
0x9c: {  	[sflag:s25] =	ssyncadd.s32 $0xFFFFD800  }
0x9d: {  	[hbm4b:s22+s4] =	stream.linear.scatter [tilespmem:s28], [sflag:$0x2], $0x2800, $0x38;
	[tilespmem:$0x1FEA0] =	vst v63  }
0x9e: {  	_ =	swait.ge [sflag:s25], $0x2800  }
0x9f: {  	[sflag:s25] =	ssyncset.done $0x0  }
0xa0: {  	[sflag:s25] =	ssyncadd.s32 $0xFFFFD800  }
0xa1: {  	[tilespmem:s28], [sflag:$0x2] =	stream.linear.gather [spmem:s16], $0x2800, $0x38;
	[tilespmem:$0x1FEA0] =	vst v63  }
0xa2: {  	_ =	swait.ge [sflag:s25], $0x2800  }
0xa3: {  	[sflag:s25] =	ssyncset.done $0x0  }
0xa4: {  	[sflag:s25] =	ssyncadd.s32 $0xFFFFD800  }
0xa5: {  	[hbm4b:s23+s4] =	stream.linear.scatter [tilespmem:s28], [sflag:$0x2], $0x2800, $0x38;
	[tilespmem:$0x1FEA0] =	vst v63  }
0xa6: {  	_ =	swait.ge [sflag:s25], $0x2800  }
0xa7: {  	[sflag:s25] =	ssyncset.done $0x0  }
0xa8: {  	[sflag:s25] =	ssyncadd.s32 $0xFFFFD800  }
0xa9: {  	[tilespmem:s28], [sflag:$0x2] =	stream.linear.gather [spmem:s17], $0x2800, $0x38;
	[tilespmem:$0x1FEA0] =	vst v63  }
0xaa: {  	_ =	swait.ge [sflag:s25], $0x2800  }
0xab: {  	[sflag:s25] =	ssyncset.done $0x0  }
0xac: {  	[sflag:s25] =	ssyncadd.s32 $0xFFFFD800  }
0xad: {  	[hbm4b:s24+s4] =	stream.linear.scatter [tilespmem:s28], [sflag:$0x2], $0x2800, $0x38;
	[tilespmem:$0x1FEA0] =	vst v63  }
0xae: {  	_ =	swait.ge [sflag:s25], $0x2800  }
0xaf: {  	[sflag:s25] =	ssyncset.done $0x0  }
0xb0: {  	[sflag:s25] =	ssyncadd.s32 $0xFFFFD800  }
0xb1: {  	[tilespmem:s28], [sflag:$0x2] =	stream.linear.gather [spmem:s7], $0x2080, $0x38;
	[tilespmem:$0x1FEA0] =	vst v63  }
0xb2: {  	_ =	swait.ge [sflag:s25], $0x2080  }
0xb3: {  	[sflag:s25] =	ssyncset.done $0x0  }
0xb4: {  	s30 =	rddreg [dreg:$0x6];
	[sflag:s25] =	ssyncadd.s32 $0xFFFFDF80  }
0xb5: {  	[hbm4b:s30+s4] =	stream.linear.scatter [tilespmem:s28], [sflag:$0x2], $0x2080, $0x38;
	[tilespmem:$0x1FEA0] =	vst v63  }
0xb6: {  	_ =	swait.ge [sflag:s25], $0x2080  }
0xb7: {  	s26 =	sadd.s32 $0x1, s26;
	s31 =	rddreg [dreg:$0x8]  }
0xb8: {  	p0 =	sne.s32 s26, s31  }
.Ltmp2:
0xb9: {  	_ = 	snop;
	(pc) =	sbr.rel @p0 .LBB2_1-.Ltmp2, $3  }
0xba: {  	_ =	sdelay $0x1  }
0xbb: {  	[sflag:s25] =	ssyncset.done $0x0  }
0xbc: {  	[sflag:s25] =	ssyncadd.s32 $0xFFFFDF80  }
0xbd: {  	_ =	sfence.sel $0x180000  }
0xbe: {  	[bflag:$0x0] =	sbarrier.arrive $0xFFFF  }
0xbf: {  	_ =	strace $0x9000004A  }
0xc0: {  	s0 =	stileid.u32;
	[bflag:$0x2] =	sbarrier.arrive $0xFFFF  }
0xc1: {  	p0 =	sne.s32 s0, $0x0;
	s0 =	rddreg [dreg:$0x3]  }
0xc2: {  	s0 =	sadd.s32 @!p0 $0x100000, s0  }
0xc3: {  	[sflag:s0] =	ssyncadd.tile.s32 @!p0 $0x1;
	_ =	shalt  }
.Lfunc_end2:
_tile_overlayer_lowered:
.L_overlay_start_2:
0xc4: {  	(tag) =	ssettag $0x2  }
0xc5: {  	s0 =	rddreg [dreg:$0x0];
	s2 =	stileid.u32  }
0xc6: {  	s1 =	rddreg [dreg:$0x1];
	p0 =	sne.s32 s2, $0x0  }
0xc7: {  	s3 =	rddreg [dreg:$0x2];
	[bflag:$0x3] =	sbarrier.arrive $0xFFFF;
	s2 =	simm.s32 @!p0 $0x1C02  }
0xc8: {  	[timem:s3], [sflag:s2] =	dma.local @!p0 [hbm:s0], s1  }
0xc9: {  	s0 =	simm.s32 @!p0 $0x2  }
0xca: {  	_ =	swait.ge @!p0 [sflag:s0], s1  }
0xcb: {  	s1 =	ssub.s32 @!p0 $0x0, s1;
	[sflag:s0] =	ssyncset.done @!p0 $0x0  }
0xcc: {  	[sflag:s0] =	ssyncadd.s32 @!p0 s1  }
0xcd: {  	[bflag:$0x3] =	sbarrier.arrive $0xFFFF  }
0xce: {  	_ =	shalt  }

// kernel: kernel.14.cloned.1.call-start
scs
__scs_entry_jumppad:
0x0: {  	(pc) =	sbr.rel $0x88, $3  }
0x1: {  	(tag) =	ssettag $0x0;
	lr =	simm.s32 $0x1  }
0x2: {  	[smem:$0x3F99] =	sst lr;
	_ =	strace $0xD0000000  }
0x3: {  	_ = 	snop  }
0x4: {  	_ = 	snop  }
0x5: {  	_ = 	snop  }
0x6: {  	_ = 	snop  }
0x7: {  	_ = 	snop  }
__scs_overlays_trampoline_lowered:
0x8: {  	[smem:$0x3FA8] =	sst s0  }
0x9: {  	[smem:$0x3FA9] =	sst s1  }
0xa: {  	[smem:$0x3FAA] =	sst s2  }
0xb: {  	[smem:$0x3FAB] =	sst s3  }
0xc: {  	[smem:$0x3FAC] =	sst s4  }
0xd: {  	[smem:$0x3FAD] =	sst s5  }
0xe: {  	[smem:$0x3FAE] =	sst s6  }
0xf: {  	[smem:$0x3FAF] =	sst s7  }
0x10: {  	[smem:$0x3FB0] =	sst s8  }
0x11: {  	[smem:$0x3FB1] =	sst s9;
	s0 =	simm.s32 @!p0 $0x0  }
0x12: {  	s1 =	sld [smem:$0x3F97];
	s0 =	simm.s32 @p0 $0x1  }
0x13: {  	[smem:$0x3FB2] =	sst s0;
	s0 =	simm.s32 @!p1 $0x0  }
0x14: {  	s2 =	sld [smem:$0x3F96];
	s0 =	simm.s32 @p1 $0x1  }
0x15: {  	[smem:$0x3FB3] =	sst s0;
	s0 =	simm.s32 @!p2 $0x0  }
0x16: {  	s3 =	sld [smem:$0x3FDB];
	s0 =	simm.s32 @p2 $0x1  }
0x17: {  	s4 =	simm.s32 $0x1BF5;
	[smem:$0x3FB5] =	sst s0  }
0x18: {  	s0 =	sld [smem:$0x3F98];
	_ =	swait.ge [sflag:s4], $0x0  }
0x19: {  	s7 =	sld [smem:$0x3F99]  }
0x1a: {  	s8 =	sadd.s32 $0xFFFFE003, lr  }
0x1b: {  	s9 =	sadd.s32 $0xFFFFFEF7, lr;
	s5 =	simm.s32 $0xFFFFFFFF;
	p2 =	slt.u32 s8, $0xFFFFF086  }
0x1c: {  	p1 =	slt.u32 s9, $0xF7A;
	s5 =	simm.s32 @!p2 $0x0  }
0x1d: {  	s5 =	simm.s32 @p1 $0x1;
	p0 =	seq.s32 s7, s2  }
0x1e: {  	s7 =	smul.u32 @!p0 $0xF7A, s2;
	p2 =	seq.s32 @!p0 s5, $0x0  }
0x1f: {  	s9 =	smul.u32 $0xF7A, s1;
	s8 =	simm.s32 @!p0 $0x1BF5;
	p2 =	por !p2, p0  }
0x20: {  	[sflag:s8] =	ssyncset.s32 @!p0 $0xFFFFF086;
	s6 =	sadd.s32 @!p0 s3, s7;
	s7 =	simm.s32 @!p0 $0x108  }
0x21: {  	s3 =	sadd.s32 s3, s9;
	s6 =	sadd.s32 @!p0 $0x88, s6;
	s7 =	simm.s32 @p2 $0x1082  }
0x22: {  	[simem:s7], [sflag:s8] =	dma.local @!p0 [hbm:s6], $0xF7A  }
0x23: {  	s9 =	sor.u32 $0xD0000000, s2;
	s6 =	simm.s32 $0x108;
	_ =	swait.ge @!p0 [sflag:s8], $0x0  }
0x24: {  	s3 =	sadd.s32 $0x88, s3;
	s6 =	simm.s32 @!p1 $0x1082;
	[sflag:s4] =	ssyncset.s32 $0xFFFFF086  }
0x25: {  	[simem:s6], [sflag:s4] =	dma.local [hbm:s3], $0xF7A  }
0x26: {  	[smem:$0x3F99] =	sst s1;
	(tag) =	ssettag s2;
	_ =	strace s9  }
0x27: {  	s1 =	sld [smem:$0x3FA9]  }
0x28: {  	s2 =	sld [smem:$0x3FAA]  }
0x29: {  	s4 =	sld [smem:$0x3FAC]  }
0x2a: {  	p0 =	seq.s32 s5, $0x0;
	s5 =	sld [smem:$0x3FAD]  }
0x2b: {  	s6 =	sld [smem:$0x3FAE]  }
0x2c: {  	s7 =	sld [smem:$0x3FAF]  }
0x2d: {  	s3 =	simm.s32 $0x108;
	s8 =	sld [smem:$0x3FB0]  }
0x2e: {  	s3 =	simm.s32 @!p0 $0x1082;
	s9 =	sld [smem:$0x3FB1]  }
0x2f: {  	lr =	sadd.s32 s0, s3;
	s0 =	sld [smem:$0x3FA8]  }
0x30: {  	s3 =	sld [smem:$0x3FAB]  }
0x31: {  	[smem:$0x3FB4] =	sst s10  }
0x32: {  	s10 =	sld [smem:$0x3FB2];
	_ =	sdelay $0x3  }
0x33: {  	p0 =	seq.s32 s10, $0x1;
	s10 =	sld [smem:$0x3FB4];
	_ =	sdelay $0x3  }
0x34: {  	[smem:$0x3FB4] =	sst s10  }
0x35: {  	s10 =	sld [smem:$0x3FB3];
	_ =	sdelay $0x3  }
0x36: {  	p1 =	seq.s32 s10, $0x1;
	s10 =	sld [smem:$0x3FB4];
	_ =	sdelay $0x3  }
0x37: {  	[smem:$0x3FB4] =	sst s10  }
0x38: {  	s10 =	sld [smem:$0x3FB5]  }
0x39: {  	_ = 	snop;
	(pc) =	sbr.ind lr, $3  }
0x3a: {  	_ = 	snop  }
0x3b: {  	_ = 	snop  }
0x3c: {  	p2 =	seq.s32 s10, $0x1;
	s10 =	sld [smem:$0x3FB4]  }
0x3d: {  	_ =	shalt  }
0x3e: {  	_ =	shalt  }
0x3f: {  	_ =	shalt  }
0x40: {  	_ =	shalt  }
0x41: {  	_ =	shalt  }
0x42: {  	_ =	shalt  }
0x43: {  	_ =	shalt  }
0x44: {  	_ =	shalt  }
0x45: {  	_ =	shalt  }
0x46: {  	_ =	shalt  }
0x47: {  	_ =	shalt  }
0x48: {  	_ =	shalt  }
0x49: {  	_ =	shalt  }
0x4a: {  	_ =	shalt  }
0x4b: {  	_ =	shalt  }
0x4c: {  	_ =	shalt  }
0x4d: {  	_ =	shalt  }
0x4e: {  	_ =	shalt  }
0x4f: {  	_ =	shalt  }
0x50: {  	_ =	shalt  }
0x51: {  	_ =	shalt  }
0x52: {  	_ =	shalt  }
0x53: {  	_ =	shalt  }
0x54: {  	_ =	shalt  }
0x55: {  	_ =	shalt  }
0x56: {  	_ =	shalt  }
0x57: {  	_ =	shalt  }
0x58: {  	_ =	shalt  }
0x59: {  	_ =	shalt  }
0x5a: {  	_ =	shalt  }
0x5b: {  	_ =	shalt  }
0x5c: {  	_ =	shalt  }
0x5d: {  	_ =	shalt  }
0x5e: {  	_ =	shalt  }
0x5f: {  	_ =	shalt  }
0x60: {  	_ =	shalt  }
0x61: {  	_ =	shalt  }
0x62: {  	_ =	shalt  }
0x63: {  	_ =	shalt  }
0x64: {  	_ =	shalt  }
0x65: {  	_ =	shalt  }
0x66: {  	_ =	shalt  }
0x67: {  	_ =	shalt  }
0x68: {  	_ =	shalt  }
0x69: {  	_ =	shalt  }
0x6a: {  	_ =	shalt  }
0x6b: {  	_ =	shalt  }
0x6c: {  	_ =	shalt  }
0x6d: {  	_ =	shalt  }
0x6e: {  	_ =	shalt  }
0x6f: {  	_ =	shalt  }
0x70: {  	_ =	shalt  }
0x71: {  	_ =	shalt  }
0x72: {  	_ =	shalt  }
0x73: {  	_ =	shalt  }
0x74: {  	_ =	shalt  }
0x75: {  	_ =	shalt  }
0x76: {  	_ =	shalt  }
0x77: {  	_ =	shalt  }
0x78: {  	_ =	shalt  }
0x79: {  	_ =	shalt  }
0x7a: {  	_ =	shalt  }
0x7b: {  	_ =	shalt  }
0x7c: {  	_ =	shalt  }
0x7d: {  	_ =	shalt  }
0x7e: {  	_ =	shalt  }
0x7f: {  	_ =	shalt  }
0x80: {  	_ =	shalt  }
0x81: {  	_ =	shalt  }
0x82: {  	_ =	shalt  }
0x83: {  	_ =	shalt  }
0x84: {  	_ =	shalt  }
0x85: {  	_ =	shalt  }
0x86: {  	_ =	shalt  }
0x87: {  	_ =	shalt  }
.Lfunc_end0:
.L_simem_size_0:
called_computation.2_lowered:
.L_overlay_start_0:
0x88: {  	s2 =	sld [smem:$0x3FD9]  }
0x89: {  	s3 =	sld [smem:$0x3FFE];
	_ =	sdelay $0x1  }
0x8a: {  	s1 =	srdreg.scid  }
0x8b: {  	s0 =	sand.u32 $0x1, s1  }
0x8c: {  	s17 =	sshll.u32 s0, $0xA;
	s2 =	sadd.s32 s3, s2  }
0x8d: {  	s2 =	sadd.s32 s2, s17  }
0x8e: {  	[smem:$0x3FC0] =	sst s2  }
0x8f: {  	_ = 	snop  }
0x90: {  	s2 =	sld [smem:$0x3FD0];
	(tm) =	ssettm $0x1  }
0x91: {  	s18 =	sld [smem:$0x3FFB];
	_ =	sdelay $0x3  }
0x92: {  	_ =	strace s18  }
0x93: {  	s3 =	sld [smem:$0x3FFC];
	_ =	sdelay $0x3  }
0x94: {  	_ =	strace s3  }
0x95: {  	s3 =	sld [smem:$0x3FFD];
	_ =	sdelay $0x3  }
0x96: {  	_ =	strace s3  }
0x97: {  	_ =	strace $0x8FFFFFFF  }
0x98: {  	s19 =	sld [smem:$0x3FDB];
	_ =	sdelay $0x1  }
0x99: {  	s4 =	simm.s32 $_scs_section_size  }
0x9a: {  	s5 =	simm.s32 $_size__tile_overlayer_lowered;
	s6 =	simm.s32 $_tile_overlayer_lowered  }
0x9b: {  	s22 =	simm.s32 $0x1BFF;
	s21 =	sshll.u32 s6, $0x1;
	s3 =	sadd.s32 s4, s19  }
0x9c: {  	s7 =	simm.s32 $0x0;
	s20 =	sshll.u32 s5, $0x1;
	s5 =	sadd.s32 s21, s3  }
0x9d: {  	[timem:s7], [sflag:s22] =	dma.local [hbm:s5], s20  }
0x9e: {  	_ =	swait.ge [sflag:s22], s20  }
0x9f: {  	s4 =	ssub.s32 $0x0, s20;
	[sflag:s22] =	ssyncset.done $0x0  }
0xa0: {  	[sflag:s22] =	ssyncadd.s32 s4;
	_ =	sdelay $0x1  }
0xa1: {  	s23 =	simm.s32 $0x1B8B  }
0xa2: {  	_ =	swait.ge [sflag:s23], $0x1  }
0xa3: {  	[sflag:s23] =	ssyncset.done $0x0  }
0xa4: {  	s25 =	simm.s32 $0x1B8E;
	s24 =	sld [smem:$0x3FFE];
	[sflag:s23] =	ssyncadd.s32 $0xFFFFFFFF  }
0xa5: {  	s26 =	simm.s32 $execute0_lowered;
	[smem:$0x3FD2] =	sst s25  }
0xa6: {  	s5 =	sshll.u32 s26, $0x1;
	_ =	strace $0x8000004C;
	[dreg:$0x1] =	wrdreg $0xFFFFFFFF  }
0xa7: {  	s28 =	simm.s32 $_size_execute0_lowered;
	s3 =	sadd.s32 s3, s5;
	[dreg:$0x0] =	wrdreg $0x0  }
0xa8: {  	s5 =	sshll.u32 s28, $0x1;
	[dreg:$0x2] =	wrdreg s3  }
0xa9: {  	[dreg:$0x3] =	wrdreg s5  }
0xaa: {  	[dreg:$0x4] =	wrdreg $0xC0  }
0xab: {  	_ =	task [dreg:s7], $0x5FFFF  }
0xac: {  	[dreg:$0x1] =	wrdreg $0xFFFFFFFF  }
0xad: {  	[dreg:$0x0] =	wrdreg $0x60  }
0xae: {  	[dreg:$0x2] =	wrdreg s2  }
0xaf: {  	[dreg:$0x3] =	wrdreg s24  }
0xb0: {  	[dreg:$0x4] =	wrdreg $0xC6200  }
0xb1: {  	[dreg:$0x5] =	wrdreg $0x9  }
0xb2: {  	_ =	task.clear_ibuf [dreg:s7], $0x6FFFF;
	_ =	strace $0x9000004C  }
0xb3: {  	s29 =	simm.s32 $0x9;
	_ =	strace $0x8000004E  }
0xb4: {  	_ =	swait.ge [sflag:s29], $0x1  }
0xb5: {  	[sflag:s29] =	ssyncadd.s32 $0xFFFFFFFF  }
0xb6: {  	_ =	strace $0x9000004E  }
0xb7: {  	_ =	sfence  }
0xb8: {  	s30 =	sld [smem:$0x0];
	_ =	sdelay $0x2  }
0xb9: {  	s31 =	sshll.u32 s1, $0xD;
	s1 =	sshrl.u32 s1, $0x2  }
0xba: {  	s3 =	sand.u32 $0x4000, s31;
	s1 =	sadd.s32 s1, s30  }
0xbb: {  	s0 =	sor.u32 s3, s0;
	s1 =	sshll.u32 s1, $0x11  }
0xbc: {  	s0 =	sor.u32 s1, s0  }
0xbd: {  	s0 =	sadd.s32 $0x8F2B, s0  }
0xbe: {  	[sflag:s0] =	ssyncadd.remote.s32 $0x1  }
0xbf: {  	_ =	sfence.sel $0xFFFF  }
0xc0: {  	[dreg:$0x0] =	wrdreg $0xFFFFFFFF;
	(pc) =	sbr.abs _section_cstart, $3  }
0xc1: {  	[dreg:$0x1] =	wrdreg $0xFFFFFFFF  }
0xc2: {  	_ =	task.clear_ibuf [dreg:s7], $0x2FFFF;
	_ =	strace $0x9FFFFFFF  }
0xc3: {  	(tm) =	ssettm $0x7FFFFFFF  }
tec
execute0_lowered:
.L_overlay_start_1:
0x0: {  	(tag) =	ssettag $0x1  }
0x1: {  	s1 =	rddreg [dreg:$0x0];
	s0 =	srdreg.scid  }
0x2: {  	s2 =	rddreg [dreg:$0x1];
	s10 =	stileid.u32  }
0x3: {  	s3 =	rddreg [dreg:$0x2];
	s4 =	simm.s32 $0x0;
	s6 =	smul.u32 $0x2710, s10  }
0x4: {  	s28 =	simm.s32 $0x4E20;
	s29 =	simm.s32 $0x50;
	s11 =	smul.u32 $0x13880, s10  }
0x5: {  	s0 =	sand.u32 $0x1, s0;
	[smem:$0x7FF] =	sst s4;
	s10 =	smul.u32 $0x4E200, s10  }
0x6: {  	s5 =	smul.u32 $0x27100, s0;
	_ =	strace $0x8000004D;
	s7 =	ssub.s32 $0x2, s0  }
0x7: {  	s0 =	smul.u32 $0x138800, s0;
	s8 =	sshrl.u32 s7, $0x1;
	s9 =	sadd.s32 $0x11800, s11  }
0x8: {  	s18 =	sadd.s32 s11, s3;
	s20 =	sshrl.u32 s10, $0x2;
	s21 =	sadd.s32 $0x2800, s11  }
0x9: {  	s22 =	sadd.s32 $0x5000, s11;
	s23 =	sadd.s32 $0x7800, s11;
	s24 =	sadd.s32 $0xA000, s11  }
0xa: {  	s5 =	sadd.s32 s6, s5;
	s8 =	ssub.s32 s7, s8;
	s16 =	sadd.s32 s0, s9  }
0xb: {  	s7 =	sadd.s32 s9, s3;
	[dreg:$0x7] =	wrdreg s18;
	s12 =	sadd.s32 s21, s3  }
0xc: {  	s13 =	sadd.s32 s22, s3;
	s14 =	sadd.s32 s23, s3;
	s18 =	sadd.s32 $0xF000, s11  }
0xd: {  	s6 =	sadd.s32 s0, s11;
	s9 =	sadd.s32 s0, s23;
	s10 =	sadd.s32 s0, s24  }
0xe: {  	s5 =	sshrl.u32 s5, $0x3;
	s17 =	sshrl.u32 s16, $0x3;
	s19 =	smax.u32 s8, $0x1  }
0xf: {  	s6 =	sshrl.u32 s6, $0x3;
	s8 =	sadd.s32 s0, s21;
	s26 =	sshrl.u32 s9, $0x3  }
0x10: {  	s30 =	sshrl.u32 s10, $0x3;
	s5 =	sadd.s32 s5, s2;
	s2 =	sadd.s32 $0x16200, s2  }
0x11: {  	[dreg:$0x8] =	wrdreg s19;
	s25 =	sshrl.u32 s8, $0x3;
	s15 =	sadd.s32 $0xC400, s5  }
0x12: {  	s5 =	sadd.s32 $0x2600, s5;
	s6 =	sadd.s32 s2, s6;
	[dreg:$0x4] =	wrdreg s15  }
0x13: {  	s21 =	sadd.s32 s2, s26;
	s26 =	simm.s32 $0x0;
	[dreg:$0x5] =	wrdreg s5  }
0x14: {  	s5 =	sadd.s32 s2, s17;
	s15 =	sadd.s32 s24, s3;
	[dreg:$0xa] =	wrdreg s6  }
0x15: {  	s17 =	sadd.s32 $0xC800, s11;
	s6 =	sadd.s32 s2, s25;
	[dreg:$0x6] =	wrdreg s5  }
0x16: {  	s25 =	simm.s32 $0x2;
	s5 =	sadd.s32 s20, s3;
	[dreg:$0xb] =	wrdreg s6  }
0x17: {  	s16 =	sadd.s32 s17, s3;
	[dreg:$0x9] =	wrdreg s5;
	s5 =	sadd.s32 s0, s22  }
0x18: {  	s22 =	sadd.s32 s0, s17;
	s0 =	sadd.s32 s0, s18;
	s17 =	sadd.s32 s18, s3  }
0x19: {  	s5 =	sshrl.u32 s5, $0x3;
	s31 =	sshrl.u32 s22, $0x3;
	s0 =	sshrl.u32 s0, $0x3  }
0x1a: {  	s22 =	sadd.s32 s2, s30;
	s5 =	sadd.s32 s2, s5;
	s23 =	sadd.s32 s2, s31  }
0x1b: {  	v0 =	vimm.f32 $0.0e+00;
	s24 =	sadd.s32 s2, s0;
	s0 =	simm.s32 $0x1;
	[dreg:$0xc] =	wrdreg s5  }
.LBB2_1:
0x1c: {  	s2 =	rddreg [dreg:$0x4]  }
0x1d: {  	[tilespmem:s4], [sflag:$0x2] =	stream.linear.gather [hbm4b:s2+s4], $0x2710, $0x38;
	[tilespmem:$0x1FEA0] =	vst v63  }
0x1e: {  	_ =	swait.ge [sflag:s25], $0x2710  }
0x1f: {  	[sflag:s25] =	ssyncset.done $0x0  }
0x20: {  	s5 =	simm.s32 $0x2710;
	s31 =	rddreg [dreg:$0x5];
	[sflag:s25] =	ssyncadd.s32 $0xFFFFD8F0  }
0x21: {  	[tilespmem:s5], [sflag:$0x2] =	stream.linear.gather [hbm4b:s31+s4], $0x2710, $0x38;
	[tilespmem:$0x1FEA0] =	vst v63  }
0x22: {  	_ =	swait.ge [sflag:s25], $0x2710  }
0x23: {  	[sflag:s25] =	ssyncset.done $0x0  }
0x24: {  	s2 =	simm.s32 $0x0;
	s5 =	simm.s32 $0x200;
	[sflag:s25] =	ssyncadd.s32 $0xFFFFD8F0  }
.LBB2_2:
0x25: {  	p0 =	sne.s32 s5, $0x9E00;
	[tilespmem:s2+$0x4E90] =	vst v0  }
0x26: {  	[tilespmem:s2+$0x4E20] =	vst v0  }
0x27: {  	[tilespmem:s2+$0x4E30] =	vst v0  }
.Ltmp0:
0x28: {  	[tilespmem:s2+$0x4E40] =	vst v0;
	(pc) =	sbr.rel @p0 .LBB2_2-.Ltmp0, $4  }
0x29: {  	[tilespmem:s2+$0x4E50] =	vst v0  }
0x2a: {  	[tilespmem:s2+$0x4E60] =	vst v0  }
0x2b: {  	[tilespmem:s2+$0x4E70] =	vst v0  }
0x2c: {  	[tilespmem:s2+$0x4E80] =	vst v0;
	s2 =	sshra.s32 s5, $0x2;
	s5 =	sadd.s32 $0x200, s5  }
0x2d: {  	[tilespmem:s2+$0x4E90] =	vst v0  }
0x2e: {  	[tilespmem:s2+$0x4E20] =	vst v0  }
0x2f: {  	[tilespmem:s2+$0x4E30] =	vst v0  }
0x30: {  	[tilespmem:s2+$0x4E40] =	vst v0  }
0x31: {  	[tilespmem:s2+$0x4E50] =	vst v0  }
0x32: {  	[tilespmem:s2+$0x4E60] =	vst v0  }
0x33: {  	[tilespmem:s2+$0x4E70] =	vst v0  }
0x34: {  	[tilespmem:s2+$0x4E80] =	vst v0;
	s18 =	rddreg [dreg:$0x9]  }
0x35: {  	[spmem:s18] =	stream.linear.scatter [tilespmem:s28], [sflag:$0x2], $0x2800, $0x38;
	[tilespmem:$0x1FEA0] =	vst v63  }
0x36: {  	_ =	swait.ge [sflag:s25], $0x2800  }
0x37: {  	[sflag:s25] =	ssyncset.done $0x0  }
0x38: {  	[sflag:s25] =	ssyncadd.s32 $0xFFFFD800  }
0x39: {  	[spmem:s12] =	stream.linear.scatter [tilespmem:s28], [sflag:$0x2], $0x2800, $0x38;
	[tilespmem:$0x1FEA0] =	vst v63  }
0x3a: {  	_ =	swait.ge [sflag:s25], $0x2800  }
0x3b: {  	[sflag:s25] =	ssyncset.done $0x0  }
0x3c: {  	[sflag:s25] =	ssyncadd.s32 $0xFFFFD800  }
0x3d: {  	[spmem:s13] =	stream.linear.scatter [tilespmem:s28], [sflag:$0x2], $0x2800, $0x38;
	[tilespmem:$0x1FEA0] =	vst v63  }
0x3e: {  	_ =	swait.ge [sflag:s25], $0x2800  }
0x3f: {  	[sflag:s25] =	ssyncset.done $0x0  }
0x40: {  	[sflag:s25] =	ssyncadd.s32 $0xFFFFD800  }
0x41: {  	[spmem:s14] =	stream.linear.scatter [tilespmem:s28], [sflag:$0x2], $0x2800, $0x38;
	[tilespmem:$0x1FEA0] =	vst v63  }
0x42: {  	_ =	swait.ge [sflag:s25], $0x2800  }
0x43: {  	[sflag:s25] =	ssyncset.done $0x0  }
0x44: {  	[sflag:s25] =	ssyncadd.s32 $0xFFFFD800  }
0x45: {  	[spmem:s15] =	stream.linear.scatter [tilespmem:s28], [sflag:$0x2], $0x2800, $0x38;
	[tilespmem:$0x1FEA0] =	vst v63  }
0x46: {  	_ =	swait.ge [sflag:s25], $0x2800  }
0x47: {  	[sflag:s25] =	ssyncset.done $0x0  }
0x48: {  	[sflag:s25] =	ssyncadd.s32 $0xFFFFD800  }
0x49: {  	[spmem:s16] =	stream.linear.scatter [tilespmem:s28], [sflag:$0x2], $0x2800, $0x38;
	[tilespmem:$0x1FEA0] =	vst v63  }
0x4a: {  	_ =	swait.ge [sflag:s25], $0x2800  }
0x4b: {  	[sflag:s25] =	ssyncset.done $0x0  }
0x4c: {  	s19 =	simm.s32 $0x0;
	[sflag:s25] =	ssyncadd.s32 $0xFFFFD800  }
0x4d: {  	[spmem:s17] =	stream.linear.scatter [tilespmem:s28], [sflag:$0x2], $0x2800, $0x38;
	[tilespmem:$0x1FEA0] =	vst v63  }
0x4e: {  	s2 =	smul.u32 $0xAB, s19;
	_ =	swait.ge [sflag:s25], $0x2800  }
0x4f: {  	[sflag:s25] =	ssyncset.done $0x0  }
0x50: {  	s5 =	simm.s32 $0x7620;
	s2 =	sshrl.u32 s2, $0x9;
	[sflag:s25] =	ssyncadd.s32 $0xFFFFD800  }
0x51: {  	[spmem:s7] =	stream.linear.scatter [tilespmem:s28], [sflag:$0x2], $0x2080, $0x38;
	[tilespmem:$0x1FEA0] =	vst v63  }
0x52: {  	s20 =	simm.s32 $0xA0;
	s2 =	sand.u32 $0x7F, s2;
	_ =	swait.ge [sflag:s25], $0x2080  }
0x53: {  	s6 =	simm.s32 $0x9E20;
	s2 =	smul.u32 $0x3, s2;
	[sflag:s25] =	ssyncset.done $0x0  }
0x54: {  	s31 =	simm.s32 $0x1;
	s30 =	simm.s32 $0xF0;
	[sflag:s25] =	ssyncadd.s32 $0xFFFFDF80  }
0x55: {  	s8 =	smul.u32 $0xAB, s31;
	s2 =	ssub.s32 $0x0, s2;
	[bflag:$0x0] =	sbarrier.arrive $0xFFFF  }
0x56: {  	[tilespmem:s28], [sflag:$0x1] =	stream.indirect.gather [hbm4b:s1+s29], $0x80, s19, s29, $0xb8;
	[tilespmem:$0x1FEA0] =	vst v63  }
0x57: {  	p0 =	por $0x0, $0x0;
	s8 =	sshrl.u32 s8, $0x9;
	s9 =	sand.u32 $0xFF, s2  }
0x58: {  	[tilespmem:s5], [sflag:$0x1] =	stream.indirect.gather [hbm4b:s1+s29], $0x80, s29, s29, $0xb8;
	[tilespmem:$0x1FEA0] =	vst v63  }
0x59: {  	s8 =	sand.u32 $0x7F, s8;
	s2 =	simm.s32 $0x2760;
	s10 =	smul.u32 $0xA000, s9  }
0x5a: {  	[tilespmem:s6], [sflag:$0x1] =	stream.indirect.gather [hbm4b:s1+s29], $0x80, s20, s29, $0xb8;
	[tilespmem:$0x1FEA0] =	vst v63  }
0x5b: {  	s9 =	smul.u32 $0x3, s8;
	s8 =	simm.s32 @!p0 $0x50;
	_ =	swait.ge [sflag:s0], $0x2800  }
0x5c: {  	s5 =	simm.s32 $0x2710;
	s6 =	simm.s32 $0x2;
	[sflag:s0] =	ssyncset.done $0x0  }
.LBB2_4:
0x5d: {  	s10 =	sshrl.u32 s10, $0x2;
	s11 =	smov.u32 s31;
	s31 =	smov.u32 s6  }
0x5e: {  	s6 =	sadd.s32 $0x1, s6;
	s18 =	smov.u32 s30;
	s30 =	sadd.s32 $0x50, s30  }
0x5f: {  	p1 =	sne.s32 s6, $0x7D;
	s9 =	ssub.s32 s11, s9  }
0x60: {  	s19 =	sadd.s32 $0x4E20, s10;
	s9 =	sand.u32 $0xFF, s9;
	[sflag:s0] =	ssyncadd.s32 $0xFFFFD800  }
0x61: {  	[spmem:s3] =	stream.indirect.scatter.add.f32 [tilespmem:s19], [sflag:$0x2], $0x80, s5, s29, $0xb8;
	[tilespmem:$0x1FEA0] =	vst v63  }
0x62: {  	s10 =	smul.u32 $0xAB, s31;
	s5 =	smov.u32 s2;
	_ =	swait.ge [sflag:s25], $0x2800  }
.Ltmp1:
0x63: {  	s2 =	sadd.s32 $0x50, s2;
	[sflag:s25] =	ssyncset.done $0x0;
	(pc) =	sbr.rel @p1 .LBB2_4-.Ltmp1, $4  }
0x64: {  	s20 =	sshrl.u32 s10, $0x9;
	s10 =	smul.u32 $0xA000, s9;
	[sflag:s25] =	ssyncadd.s32 $0xFFFFD800  }
0x65: {  	[tilespmem:s19], [sflag:$0x1] =	stream.indirect.gather @!p0 [hbm4b:s1+s8], $0x80, s18, s8, $0xb8;
	[tilespmem:$0x1FEA0] =	vst v63  }
0x66: {  	s8 =	sand.u32 $0x7F, s20;
	p0 =	sgt.u32 s11, $0x79;
	_ =	swait.ge [sflag:s0], $0x2800  }
0x67: {  	s9 =	smul.u32 $0x3, s8;
	s8 =	simm.s32 @!p0 $0x50;
	[sflag:s0] =	ssyncset.done $0x0  }
0x68: {  	s6 =	sshrl.u32 s10, $0x2  }
0x69: {  	[sflag:s0] =	ssyncadd.s32 $0xFFFFD800;
	s6 =	sadd.s32 $0x4E20, s6  }
0x6a: {  	[spmem:s3] =	stream.indirect.scatter.add.f32 [tilespmem:s6], [sflag:$0x2], $0x80, s5, s29, $0xb8;
	[tilespmem:$0x1FEA0] =	vst v63  }
0x6b: {  	s10 =	ssub.s32 s31, s9;
	_ =	swait.ge [sflag:s25], $0x2800  }
0x6c: {  	s5 =	sand.u32 $0xFF, s10;
	[sflag:s25] =	ssyncset.done $0x0  }
0x6d: {  	s5 =	smul.u32 $0xA000, s5;
	[sflag:s25] =	ssyncadd.s32 $0xFFFFD800  }
0x6e: {  	[tilespmem:s6], [sflag:$0x1] =	stream.indirect.gather @!p0 [hbm4b:s1+s8], $0x80, s30, s8, $0xb8;
	[tilespmem:$0x1FEA0] =	vst v63  }
0x6f: {  	_ =	swait.ge [sflag:s0], $0x2800  }
0x70: {  	s5 =	sshrl.u32 s5, $0x2;
	[sflag:s0] =	ssyncset.done $0x0  }
0x71: {  	s5 =	sadd.s32 $0x4E20, s5;
	[sflag:s0] =	ssyncadd.s32 $0xFFFFD800  }
0x72: {  	[spmem:s3] =	stream.indirect.scatter.add.f32 [tilespmem:s5], [sflag:$0x2], $0x80, s2, s29, $0xb8;
	[tilespmem:$0x1FEA0] =	vst v63  }
0x73: {  	_ =	swait.ge [sflag:s25], $0x2800  }
0x74: {  	p0 =	sgt.u32 s31, $0x79;
	[sflag:s25] =	ssyncset.done $0x0  }
0x75: {  	s6 =	simm.s32 @!p0 $0x50;
	s2 =	sadd.s32 $0x50, s30;
	[sflag:s25] =	ssyncadd.s32 $0xFFFFD800  }
0x76: {  	[tilespmem:s5], [sflag:$0x1] =	stream.indirect.gather @!p0 [hbm4b:s1+s6], $0x80, s2, s6, $0xb8;
	[tilespmem:$0x1FEA0] =	vst v63  }
0x77: {  	[bflag:$0x0] =	sbarrier.arrive $0xFFFF  }
0x78: {  	s11 =	rddreg [dreg:$0x7]  }
0x79: {  	[tilespmem:s28], [sflag:$0x2] =	stream.linear.gather [spmem:s11], $0x2800, $0x38;
	[tilespmem:$0x1FEA0] =	vst v63  }
0x7a: {  	_ =	swait.ge [sflag:s25], $0x2800  }
0x7b: {  	[sflag:s25] =	ssyncset.done $0x0  }
0x7c: {  	s18 =	rddreg [dreg:$0xa];
	[sflag:s25] =	ssyncadd.s32 $0xFFFFD800  }
0x7d: {  	[hbm4b:s18+s4] =	stream.linear.scatter [tilespmem:s28], [sflag:$0x2], $0x2800, $0x38;
	[tilespmem:$0x1FEA0] =	vst v63  }
0x7e: {  	_ =	swait.ge [sflag:s25], $0x2800  }
0x7f: {  	[sflag:s25] =	ssyncset.done $0x0  }
0x80: {  	[sflag:s25] =	ssyncadd.s32 $0xFFFFD800  }
0x81: {  	[tilespmem:s28], [sflag:$0x2] =	stream.linear.gather [spmem:s12], $0x2800, $0x38;
	[tilespmem:$0x1FEA0] =	vst v63  }
0x82: {  	_ =	swait.ge [sflag:s25], $0x2800  }
0x83: {  	[sflag:s25] =	ssyncset.done $0x0  }
0x84: {  	s19 =	rddreg [dreg:$0xb];
	[sflag:s25] =	ssyncadd.s32 $0xFFFFD800  }
0x85: {  	[hbm4b:s19+s4] =	stream.linear.scatter [tilespmem:s28], [sflag:$0x2], $0x2800, $0x38;
	[tilespmem:$0x1FEA0] =	vst v63  }
0x86: {  	_ =	swait.ge [sflag:s25], $0x2800  }
0x87: {  	[sflag:s25] =	ssyncset.done $0x0  }
0x88: {  	[sflag:s25] =	ssyncadd.s32 $0xFFFFD800  }
0x89: {  	[tilespmem:s28], [sflag:$0x2] =	stream.linear.gather [spmem:s13], $0x2800, $0x38;
	[tilespmem:$0x1FEA0] =	vst v63  }
0x8a: {  	_ =	swait.ge [sflag:s25], $0x2800  }
0x8b: {  	[sflag:s25] =	ssyncset.done $0x0  }
0x8c: {  	s20 =	rddreg [dreg:$0xc];
	[sflag:s25] =	ssyncadd.s32 $0xFFFFD800  }
0x8d: {  	[hbm4b:s20+s4] =	stream.linear.scatter [tilespmem:s28], [sflag:$0x2], $0x2800, $0x38;
	[tilespmem:$0x1FEA0] =	vst v63  }
0x8e: {  	_ =	swait.ge [sflag:s25], $0x2800  }
0x8f: {  	[sflag:s25] =	ssyncset.done $0x0  }
0x90: {  	[sflag:s25] =	ssyncadd.s32 $0xFFFFD800  }
0x91: {  	[tilespmem:s28], [sflag:$0x2] =	stream.linear.gather [spmem:s14], $0x2800, $0x38;
	[tilespmem:$0x1FEA0] =	vst v63  }
0x92: {  	_ =	swait.ge [sflag:s25], $0x2800  }
0x93: {  	[sflag:s25] =	ssyncset.done $0x0  }
0x94: {  	[sflag:s25] =	ssyncadd.s32 $0xFFFFD800  }
0x95: {  	[hbm4b:s21+s4] =	stream.linear.scatter [tilespmem:s28], [sflag:$0x2], $0x2800, $0x38;
	[tilespmem:$0x1FEA0] =	vst v63  }
0x96: {  	_ =	swait.ge [sflag:s25], $0x2800  }
0x97: {  	[sflag:s25] =	ssyncset.done $0x0  }
0x98: {  	[sflag:s25] =	ssyncadd.s32 $0xFFFFD800  }
0x99: {  	[tilespmem:s28], [sflag:$0x2] =	stream.linear.gather [spmem:s15], $0x2800, $0x38;
	[tilespmem:$0x1FEA0] =	vst v63  }
0x9a: {  	_ =	swait.ge [sflag:s25], $0x2800  }
0x9b: {  	[sflag:s25] =	ssyncset.done $0x0  }
0x9c: {  	[sflag:s25] =	ssyncadd.s32 $0xFFFFD800  }
0x9d: {  	[hbm4b:s22+s4] =	stream.linear.scatter [tilespmem:s28], [sflag:$0x2], $0x2800, $0x38;
	[tilespmem:$0x1FEA0] =	vst v63  }
0x9e: {  	_ =	swait.ge [sflag:s25], $0x2800  }
0x9f: {  	[sflag:s25] =	ssyncset.done $0x0  }
0xa0: {  	[sflag:s25] =	ssyncadd.s32 $0xFFFFD800  }
0xa1: {  	[tilespmem:s28], [sflag:$0x2] =	stream.linear.gather [spmem:s16], $0x2800, $0x38;
	[tilespmem:$0x1FEA0] =	vst v63  }
0xa2: {  	_ =	swait.ge [sflag:s25], $0x2800  }
0xa3: {  	[sflag:s25] =	ssyncset.done $0x0  }
0xa4: {  	[sflag:s25] =	ssyncadd.s32 $0xFFFFD800  }
0xa5: {  	[hbm4b:s23+s4] =	stream.linear.scatter [tilespmem:s28], [sflag:$0x2], $0x2800, $0x38;
	[tilespmem:$0x1FEA0] =	vst v63  }
0xa6: {  	_ =	swait.ge [sflag:s25], $0x2800  }
0xa7: {  	[sflag:s25] =	ssyncset.done $0x0  }
0xa8: {  	[sflag:s25] =	ssyncadd.s32 $0xFFFFD800  }
0xa9: {  	[tilespmem:s28], [sflag:$0x2] =	stream.linear.gather [spmem:s17], $0x2800, $0x38;
	[tilespmem:$0x1FEA0] =	vst v63  }
0xaa: {  	_ =	swait.ge [sflag:s25], $0x2800  }
0xab: {  	[sflag:s25] =	ssyncset.done $0x0  }
0xac: {  	[sflag:s25] =	ssyncadd.s32 $0xFFFFD800  }
0xad: {  	[hbm4b:s24+s4] =	stream.linear.scatter [tilespmem:s28], [sflag:$0x2], $0x2800, $0x38;
	[tilespmem:$0x1FEA0] =	vst v63  }
0xae: {  	_ =	swait.ge [sflag:s25], $0x2800  }
0xaf: {  	[sflag:s25] =	ssyncset.done $0x0  }
0xb0: {  	[sflag:s25] =	ssyncadd.s32 $0xFFFFD800  }
0xb1: {  	[tilespmem:s28], [sflag:$0x2] =	stream.linear.gather [spmem:s7], $0x2080, $0x38;
	[tilespmem:$0x1FEA0] =	vst v63  }
0xb2: {  	_ =	swait.ge [sflag:s25], $0x2080  }
0xb3: {  	[sflag:s25] =	ssyncset.done $0x0  }
0xb4: {  	s30 =	rddreg [dreg:$0x6];
	[sflag:s25] =	ssyncadd.s32 $0xFFFFDF80  }
0xb5: {  	[hbm4b:s30+s4] =	stream.linear.scatter [tilespmem:s28], [sflag:$0x2], $0x2080, $0x38;
	[tilespmem:$0x1FEA0] =	vst v63  }
0xb6: {  	_ =	swait.ge [sflag:s25], $0x2080  }
0xb7: {  	s26 =	sadd.s32 $0x1, s26;
	s31 =	rddreg [dreg:$0x8]  }
0xb8: {  	p0 =	sne.s32 s26, s31  }
.Ltmp2:
0xb9: {  	_ = 	snop;
	(pc) =	sbr.rel @p0 .LBB2_1-.Ltmp2, $3  }
0xba: {  	_ =	sdelay $0x1  }
0xbb: {  	[sflag:s25] =	ssyncset.done $0x0  }
0xbc: {  	[sflag:s25] =	ssyncadd.s32 $0xFFFFDF80  }
0xbd: {  	_ =	sfence.sel $0x180000  }
0xbe: {  	[bflag:$0x0] =	sbarrier.arrive $0xFFFF  }
0xbf: {  	_ =	strace $0x9000004D  }
0xc0: {  	s0 =	stileid.u32;
	[bflag:$0x2] =	sbarrier.arrive $0xFFFF  }
0xc1: {  	p0 =	sne.s32 s0, $0x0;
	s0 =	rddreg [dreg:$0x3]  }
0xc2: {  	s0 =	sadd.s32 @!p0 $0x100000, s0  }
0xc3: {  	[sflag:s0] =	ssyncadd.tile.s32 @!p0 $0x1;
	_ =	shalt  }
.Lfunc_end2:
_tile_overlayer_lowered:
.L_overlay_start_2:
0xc4: {  	(tag) =	ssettag $0x2  }
0xc5: {  	s0 =	rddreg [dreg:$0x0];
	s2 =	stileid.u32  }
0xc6: {  	s1 =	rddreg [dreg:$0x1];
	p0 =	sne.s32 s2, $0x0  }
0xc7: {  	s3 =	rddreg [dreg:$0x2];
	[bflag:$0x3] =	sbarrier.arrive $0xFFFF;
	s2 =	simm.s32 @!p0 $0x1C02  }
0xc8: {  	[timem:s3], [sflag:s2] =	dma.local @!p0 [hbm:s0], s1  }
0xc9: {  	s0 =	simm.s32 @!p0 $0x2  }
0xca: {  	_ =	swait.ge @!p0 [sflag:s0], s1  }
0xcb: {  	s1 =	ssub.s32 @!p0 $0x0, s1;
	[sflag:s0] =	ssyncset.done @!p0 $0x0  }
0xcc: {  	[sflag:s0] =	ssyncadd.s32 @!p0 s1  }
0xcd: {  	[bflag:$0x3] =	sbarrier.arrive $0xFFFF  }
0xce: {  	_ =	shalt  }

// kernel: kernel.8.cloned.1.call-start
scs
__scs_entry_jumppad:
0x0: {  	(pc) =	sbr.rel $0x88, $3  }
0x1: {  	(tag) =	ssettag $0x0;
	lr =	simm.s32 $0x1  }
0x2: {  	[smem:$0x3F99] =	sst lr;
	_ =	strace $0xD0000000  }
0x3: {  	_ = 	snop  }
0x4: {  	_ = 	snop  }
0x5: {  	_ = 	snop  }
0x6: {  	_ = 	snop  }
0x7: {  	_ = 	snop  }
__scs_overlays_trampoline_lowered:
0x8: {  	[smem:$0x3FA8] =	sst s0  }
0x9: {  	[smem:$0x3FA9] =	sst s1  }
0xa: {  	[smem:$0x3FAA] =	sst s2  }
0xb: {  	[smem:$0x3FAB] =	sst s3  }
0xc: {  	[smem:$0x3FAC] =	sst s4  }
0xd: {  	[smem:$0x3FAD] =	sst s5  }
0xe: {  	[smem:$0x3FAE] =	sst s6  }
0xf: {  	[smem:$0x3FAF] =	sst s7  }
0x10: {  	[smem:$0x3FB0] =	sst s8  }
0x11: {  	[smem:$0x3FB1] =	sst s9;
	s0 =	simm.s32 @!p0 $0x0  }
0x12: {  	s1 =	sld [smem:$0x3F97];
	s0 =	simm.s32 @p0 $0x1  }
0x13: {  	[smem:$0x3FB2] =	sst s0;
	s0 =	simm.s32 @!p1 $0x0  }
0x14: {  	s2 =	sld [smem:$0x3F96];
	s0 =	simm.s32 @p1 $0x1  }
0x15: {  	[smem:$0x3FB3] =	sst s0;
	s0 =	simm.s32 @!p2 $0x0  }
0x16: {  	s3 =	sld [smem:$0x3FDB];
	s0 =	simm.s32 @p2 $0x1  }
0x17: {  	s4 =	simm.s32 $0x1BF5;
	[smem:$0x3FB5] =	sst s0  }
0x18: {  	s0 =	sld [smem:$0x3F98];
	_ =	swait.ge [sflag:s4], $0x0  }
0x19: {  	s7 =	sld [smem:$0x3F99]  }
0x1a: {  	s8 =	sadd.s32 $0xFFFFE003, lr  }
0x1b: {  	s9 =	sadd.s32 $0xFFFFFEF7, lr;
	s5 =	simm.s32 $0xFFFFFFFF;
	p2 =	slt.u32 s8, $0xFFFFF086  }
0x1c: {  	p1 =	slt.u32 s9, $0xF7A;
	s5 =	simm.s32 @!p2 $0x0  }
0x1d: {  	s5 =	simm.s32 @p1 $0x1;
	p0 =	seq.s32 s7, s2  }
0x1e: {  	s7 =	smul.u32 @!p0 $0xF7A, s2;
	p2 =	seq.s32 @!p0 s5, $0x0  }
0x1f: {  	s9 =	smul.u32 $0xF7A, s1;
	s8 =	simm.s32 @!p0 $0x1BF5;
	p2 =	por !p2, p0  }
0x20: {  	[sflag:s8] =	ssyncset.s32 @!p0 $0xFFFFF086;
	s6 =	sadd.s32 @!p0 s3, s7;
	s7 =	simm.s32 @!p0 $0x108  }
0x21: {  	s3 =	sadd.s32 s3, s9;
	s6 =	sadd.s32 @!p0 $0x88, s6;
	s7 =	simm.s32 @p2 $0x1082  }
0x22: {  	[simem:s7], [sflag:s8] =	dma.local @!p0 [hbm:s6], $0xF7A  }
0x23: {  	s9 =	sor.u32 $0xD0000000, s2;
	s6 =	simm.s32 $0x108;
	_ =	swait.ge @!p0 [sflag:s8], $0x0  }
0x24: {  	s3 =	sadd.s32 $0x88, s3;
	s6 =	simm.s32 @!p1 $0x1082;
	[sflag:s4] =	ssyncset.s32 $0xFFFFF086  }
0x25: {  	[simem:s6], [sflag:s4] =	dma.local [hbm:s3], $0xF7A  }
0x26: {  	[smem:$0x3F99] =	sst s1;
	(tag) =	ssettag s2;
	_ =	strace s9  }
0x27: {  	s1 =	sld [smem:$0x3FA9]  }
0x28: {  	s2 =	sld [smem:$0x3FAA]  }
0x29: {  	s4 =	sld [smem:$0x3FAC]  }
0x2a: {  	p0 =	seq.s32 s5, $0x0;
	s5 =	sld [smem:$0x3FAD]  }
0x2b: {  	s6 =	sld [smem:$0x3FAE]  }
0x2c: {  	s7 =	sld [smem:$0x3FAF]  }
0x2d: {  	s3 =	simm.s32 $0x108;
	s8 =	sld [smem:$0x3FB0]  }
0x2e: {  	s3 =	simm.s32 @!p0 $0x1082;
	s9 =	sld [smem:$0x3FB1]  }
0x2f: {  	lr =	sadd.s32 s0, s3;
	s0 =	sld [smem:$0x3FA8]  }
0x30: {  	s3 =	sld [smem:$0x3FAB]  }
0x31: {  	[smem:$0x3FB4] =	sst s10  }
0x32: {  	s10 =	sld [smem:$0x3FB2];
	_ =	sdelay $0x3  }
0x33: {  	p0 =	seq.s32 s10, $0x1;
	s10 =	sld [smem:$0x3FB4];
	_ =	sdelay $0x3  }
0x34: {  	[smem:$0x3FB4] =	sst s10  }
0x35: {  	s10 =	sld [smem:$0x3FB3];
	_ =	sdelay $0x3  }
0x36: {  	p1 =	seq.s32 s10, $0x1;
	s10 =	sld [smem:$0x3FB4];
	_ =	sdelay $0x3  }
0x37: {  	[smem:$0x3FB4] =	sst s10  }
0x38: {  	s10 =	sld [smem:$0x3FB5]  }
0x39: {  	_ = 	snop;
	(pc) =	sbr.ind lr, $3  }
0x3a: {  	_ = 	snop  }
0x3b: {  	_ = 	snop  }
0x3c: {  	p2 =	seq.s32 s10, $0x1;
	s10 =	sld [smem:$0x3FB4]  }
0x3d: {  	_ =	shalt  }
0x3e: {  	_ =	shalt  }
0x3f: {  	_ =	shalt  }
0x40: {  	_ =	shalt  }
0x41: {  	_ =	shalt  }
0x42: {  	_ =	shalt  }
0x43: {  	_ =	shalt  }
0x44: {  	_ =	shalt  }
0x45: {  	_ =	shalt  }
0x46: {  	_ =	shalt  }
0x47: {  	_ =	shalt  }
0x48: {  	_ =	shalt  }
0x49: {  	_ =	shalt  }
0x4a: {  	_ =	shalt  }
0x4b: {  	_ =	shalt  }
0x4c: {  	_ =	shalt  }
0x4d: {  	_ =	shalt  }
0x4e: {  	_ =	shalt  }
0x4f: {  	_ =	shalt  }
0x50: {  	_ =	shalt  }
0x51: {  	_ =	shalt  }
0x52: {  	_ =	shalt  }
0x53: {  	_ =	shalt  }
0x54: {  	_ =	shalt  }
0x55: {  	_ =	shalt  }
0x56: {  	_ =	shalt  }
0x57: {  	_ =	shalt  }
0x58: {  	_ =	shalt  }
0x59: {  	_ =	shalt  }
0x5a: {  	_ =	shalt  }
0x5b: {  	_ =	shalt  }
0x5c: {  	_ =	shalt  }
0x5d: {  	_ =	shalt  }
0x5e: {  	_ =	shalt  }
0x5f: {  	_ =	shalt  }
0x60: {  	_ =	shalt  }
0x61: {  	_ =	shalt  }
0x62: {  	_ =	shalt  }
0x63: {  	_ =	shalt  }
0x64: {  	_ =	shalt  }
0x65: {  	_ =	shalt  }
0x66: {  	_ =	shalt  }
0x67: {  	_ =	shalt  }
0x68: {  	_ =	shalt  }
0x69: {  	_ =	shalt  }
0x6a: {  	_ =	shalt  }
0x6b: {  	_ =	shalt  }
0x6c: {  	_ =	shalt  }
0x6d: {  	_ =	shalt  }
0x6e: {  	_ =	shalt  }
0x6f: {  	_ =	shalt  }
0x70: {  	_ =	shalt  }
0x71: {  	_ =	shalt  }
0x72: {  	_ =	shalt  }
0x73: {  	_ =	shalt  }
0x74: {  	_ =	shalt  }
0x75: {  	_ =	shalt  }
0x76: {  	_ =	shalt  }
0x77: {  	_ =	shalt  }
0x78: {  	_ =	shalt  }
0x79: {  	_ =	shalt  }
0x7a: {  	_ =	shalt  }
0x7b: {  	_ =	shalt  }
0x7c: {  	_ =	shalt  }
0x7d: {  	_ =	shalt  }
0x7e: {  	_ =	shalt  }
0x7f: {  	_ =	shalt  }
0x80: {  	_ =	shalt  }
0x81: {  	_ =	shalt  }
0x82: {  	_ =	shalt  }
0x83: {  	_ =	shalt  }
0x84: {  	_ =	shalt  }
0x85: {  	_ =	shalt  }
0x86: {  	_ =	shalt  }
0x87: {  	_ =	shalt  }
.Lfunc_end0:
.L_simem_size_0:
called_computation_lowered:
.L_overlay_start_0:
0x88: {  	s2 =	sld [smem:$0x3FD9]  }
0x89: {  	s3 =	sld [smem:$0x3FFE];
	_ =	sdelay $0x1  }
0x8a: {  	s1 =	srdreg.scid  }
0x8b: {  	s0 =	sand.u32 $0x1, s1  }
0x8c: {  	s17 =	sshll.u32 s0, $0xA;
	s2 =	sadd.s32 s3, s2  }
0x8d: {  	s2 =	sadd.s32 s2, s17  }
0x8e: {  	[smem:$0x3FC0] =	sst s2  }
0x8f: {  	_ = 	snop  }
0x90: {  	s2 =	sld [smem:$0x3FD0];
	(tm) =	ssettm $0x1  }
0x91: {  	s18 =	sld [smem:$0x3FFB];
	_ =	sdelay $0x3  }
0x92: {  	_ =	strace s18  }
0x93: {  	s3 =	sld [smem:$0x3FFC];
	_ =	sdelay $0x3  }
0x94: {  	_ =	strace s3  }
0x95: {  	s3 =	sld [smem:$0x3FFD];
	_ =	sdelay $0x3  }
0x96: {  	_ =	strace s3  }
0x97: {  	_ =	strace $0x8FFFFFFF  }
0x98: {  	s19 =	sld [smem:$0x3FDB];
	_ =	sdelay $0x1  }
0x99: {  	s4 =	simm.s32 $_scs_section_size  }
0x9a: {  	s5 =	simm.s32 $_size__tile_overlayer_lowered;
	s6 =	simm.s32 $_tile_overlayer_lowered  }
0x9b: {  	s22 =	simm.s32 $0x1BFF;
	s21 =	sshll.u32 s6, $0x1;
	s3 =	sadd.s32 s4, s19  }
0x9c: {  	s7 =	simm.s32 $0x0;
	s20 =	sshll.u32 s5, $0x1;
	s5 =	sadd.s32 s21, s3  }
0x9d: {  	[timem:s7], [sflag:s22] =	dma.local [hbm:s5], s20  }
0x9e: {  	_ =	swait.ge [sflag:s22], s20  }
0x9f: {  	s4 =	ssub.s32 $0x0, s20;
	[sflag:s22] =	ssyncset.done $0x0  }
0xa0: {  	[sflag:s22] =	ssyncadd.s32 s4;
	_ =	sdelay $0x1  }
0xa1: {  	s23 =	simm.s32 $0x1B8B  }
0xa2: {  	_ =	swait.ge [sflag:s23], $0x1  }
0xa3: {  	[sflag:s23] =	ssyncset.done $0x0  }
0xa4: {  	s25 =	simm.s32 $0x1B8E;
	s24 =	sld [smem:$0x3FFE];
	[sflag:s23] =	ssyncadd.s32 $0xFFFFFFFF  }
0xa5: {  	s26 =	simm.s32 $execute0_lowered;
	[smem:$0x3FD2] =	sst s25  }
0xa6: {  	s5 =	sshll.u32 s26, $0x1;
	_ =	strace $0x80000046;
	[dreg:$0x1] =	wrdreg $0xFFFFFFFF  }
0xa7: {  	s28 =	simm.s32 $_size_execute0_lowered;
	s3 =	sadd.s32 s3, s5;
	[dreg:$0x0] =	wrdreg $0x0  }
0xa8: {  	s5 =	sshll.u32 s28, $0x1;
	[dreg:$0x2] =	wrdreg s3  }
0xa9: {  	[dreg:$0x3] =	wrdreg s5  }
0xaa: {  	[dreg:$0x4] =	wrdreg $0xC0  }
0xab: {  	_ =	task [dreg:s7], $0x5FFFF  }
0xac: {  	[dreg:$0x1] =	wrdreg $0xFFFFFFFF  }
0xad: {  	[dreg:$0x0] =	wrdreg $0x60  }
0xae: {  	[dreg:$0x2] =	wrdreg s24  }
0xaf: {  	[dreg:$0x3] =	wrdreg s2  }
0xb0: {  	[dreg:$0x4] =	wrdreg $0xA3200  }
0xb1: {  	[dreg:$0x5] =	wrdreg $0xA5A00  }
0xb2: {  	[dreg:$0x6] =	wrdreg $0x9  }
0xb3: {  	_ =	task.clear_ibuf [dreg:s7], $0x7FFFF;
	_ =	strace $0x90000046  }
0xb4: {  	s29 =	simm.s32 $0x9;
	_ =	strace $0x80000048  }
0xb5: {  	_ =	swait.ge [sflag:s29], $0x1  }
0xb6: {  	[sflag:s29] =	ssyncadd.s32 $0xFFFFFFFF  }
0xb7: {  	_ =	strace $0x90000048  }
0xb8: {  	_ =	sfence  }
0xb9: {  	s30 =	sld [smem:$0x0];
	_ =	sdelay $0x2  }
0xba: {  	s31 =	sshll.u32 s1, $0xD;
	s1 =	sshrl.u32 s1, $0x2  }
0xbb: {  	s3 =	sand.u32 $0x4000, s31;
	s1 =	sadd.s32 s1, s30  }
0xbc: {  	s0 =	sor.u32 s3, s0;
	s1 =	sshll.u32 s1, $0x11  }
0xbd: {  	s0 =	sor.u32 s1, s0  }
0xbe: {  	s0 =	sadd.s32 $0x8F2B, s0  }
0xbf: {  	[sflag:s0] =	ssyncadd.remote.s32 $0x1  }
0xc0: {  	_ =	sfence.sel $0xFFFF  }
0xc1: {  	[dreg:$0x0] =	wrdreg $0xFFFFFFFF;
	(pc) =	sbr.abs _section_cstart, $3  }
0xc2: {  	[dreg:$0x1] =	wrdreg $0xFFFFFFFF  }
0xc3: {  	_ =	task.clear_ibuf [dreg:s7], $0x2FFFF;
	_ =	strace $0x9FFFFFFF  }
0xc4: {  	(tm) =	ssettm $0x7FFFFFFF  }
0xc5: {  	_ =	shalt  }
tec
execute0_lowered:
.L_overlay_start_1:
0x0: {  	(tag) =	ssettag $0x1  }
0x1: {  	s1 =	rddreg [dreg:$0x0]  }
0x2: {  	s7 =	rddreg [dreg:$0x1]  }
0x3: {  	s2 =	srdreg.scid;
	s0 =	rddreg [dreg:$0x2]  }
0x4: {  	s11 =	stileid.u32;
	s3 =	simm.s32 $0x0;
	s13 =	simm.s32 $0x4E20  }
0x5: {  	v0 =	vlaneseq.u32;
	v1 =	vimm.f32 $0.0e+00;
	s14 =	simm.s32 $0x7620;
	s15 =	simm.s32 $0x80;
	s16 =	simm.s32 $0x9E20;
	v41 =	vimm.f32 $1.000000000e+00  }
0x6: {  	s17 =	simm.s32 $0x9EA0;
	s19 =	simm.s32 $0x7E20;
	s20 =	simm.s32 $0x9F20;
	v2 =	vor.u32 $0x10, v0;
	v3 =	vor.u32 $0x20, v0;
	v4 =	vor.u32 $0x30, v0  }
0x7: {  	s21 =	simm.s32 $0x5E20;
	s22 =	simm.s32 $0x8620;
	s23 =	simm.s32 $0x9FA0;
	v5 =	vor.u32 $0x40, v0;
	v6 =	vor.u32 $0x50, v0;
	v7 =	vor.u32 $0x60, v0  }
0x8: {  	s24 =	simm.s32 $0x6620;
	s28 =	simm.s32 $0x6E20;
	s29 =	simm.s32 $0x9620;
	v8 =	vor.u32 $0x70, v0;
	v9 =	vor.u32 $0x80, v0;
	v10 =	vor.u32 $0x90, v0  }
0x9: {  	s30 =	simm.s32 $0xA0A0;
	s31 =	simm.s32 $0x0;
	s6 =	smul.u32 $0x2710, s11;
	v11 =	vor.u32 $0xA0, v0;
	v12 =	vor.u32 $0xB0, v0;
	v13 =	vor.u32 $0xC0, v0  }
0xa: {  	s4 =	sand.u32 $0x1, s2;
	s2 =	rddreg [dreg:$0x3];
	s8 =	smul.u32 $0x280, s11;
	v14 =	vor.u32 $0xD0, v0;
	v15 =	vor.u32 $0xE0, v0;
	v16 =	vor.u32 $0xF0, v0  }
0xb: {  	[smem:$0x7FF] =	sst s3;
	v17 =	vor.u32 $0x100, v0;
	v18 =	vor.u32 $0x110, v0;
	v19 =	vor.u32 $0x120, v0;
	p0 =	sne.s32 s11, $0x0;
	s5 =	smul.u32 $0x27100, s4  }
0xc: {  	v20 =	vor.u32 $0x130, v0;
	v21 =	vor.u32 $0x140, v0;
	v22 =	vor.u32 $0x150, v0;
	s11 =	simm.s32 $0x1;
	s9 =	smul.u32 $0x2800, s4;
	s4 =	ssub.s32 $0x2, s4  }
0xd: {  	v23 =	vor.u32 $0x160, v0;
	v24 =	vor.u32 $0x170, v0;
	v25 =	vor.u32 $0x180, v0;
	_ =	strace $0x80000047;
	s26 =	sshrl.u32 s4, $0x1;
	s5 =	sadd.s32 s6, s5  }
0xe: {  	v26 =	vor.u32 $0x190, v0;
	v27 =	vor.u32 $0x1A0, v0;
	v28 =	vor.u32 $0x1B0, v0;
	s25 =	sadd.s32 s8, s9;
	s10 =	ssub.s32 s4, s26;
	s6 =	sadd.s32 s8, s0  }
0xf: {  	v29 =	vor.u32 $0x1C0, v0;
	v30 =	vor.u32 $0x1D0, v0;
	v31 =	vor.u32 $0x1E0, v0;
	s8 =	sadd.s32 s8, s2;
	s26 =	simm.s32 $0xA020;
	s5 =	sshrl.u32 s5, $0x3  }
0x10: {  	v32 =	vor.u32 $0x1F0, v0;
	v33 =	vor.u32 $0x200, v0;
	v34 =	vor.u32 $0x210, v0;
	s9 =	sshrl.u32 s25, $0x3;
	s10 =	smax.u32 s10, $0x1;
	s25 =	simm.s32 $0x8E20  }
0x11: {  	v35 =	vor.u32 $0x220, v0;
	v36 =	vor.u32 $0x230, v0;
	v37 =	vor.u32 $0x240, v0;
	s5 =	sadd.s32 s5, s1;
	s1 =	sadd.s32 s9, s1;
	s7 =	sadd.s32 s7, s9  }
0x12: {  	v38 =	vor.u32 $0x250, v0;
	v39 =	vor.u32 $0x260, v0;
	v40 =	vor.u32 $0x270, v0;
	s4 =	sadd.s32 $0xC400, s5;
	s5 =	sadd.s32 $0x2600, s5;
	s9 =	sadd.s32 $0x16200, s1  }
.LBB2_1:
0x13: {  	s1 =	simm.s32 $0x40;
	s12 =	simm.s32 $0x0  }
.LBB2_2:
0x14: {  	p1 =	sne.s32 s1, $0x9FC0;
	[tilespmem:s12+$0x4E20] =	vst v1;
	s18 =	smov.u32 s1;
	s1 =	sadd.s32 $0x40, s1  }
.Ltmp0:
0x15: {  	[tilespmem:s12+$0x7620] =	vst v1;
	(pc) =	sbr.rel @p1 .LBB2_2-.Ltmp0, $2  }
0x16: {  	_ =	sdelay $0x2  }
0x17: {  	s12 =	sshra.s32 s18, $0x2  }
0x18: {  	[tilespmem:s12+$0x4E20] =	vst v1  }
0x19: {  	[tilespmem:s12+$0x7620] =	vst v1  }
0x1a: {  	[tilespmem:$0x9E20] =	vst v0  }
0x1b: {  	[tilespmem:$0x9E30] =	vst v2  }
0x1c: {  	[tilespmem:$0x9E40] =	vst v3  }
0x1d: {  	[tilespmem:$0x9E50] =	vst v4  }
0x1e: {  	[tilespmem:$0x9E60] =	vst v5  }
0x1f: {  	[tilespmem:$0x9E70] =	vst v6  }
0x20: {  	[tilespmem:$0x9E80] =	vst v7  }
0x21: {  	[tilespmem:$0x9E90] =	vst v8  }
0x22: {  	[tilespmem:$0x9EA0] =	vst v9  }
0x23: {  	[tilespmem:$0x9EB0] =	vst v10  }
0x24: {  	[tilespmem:$0x9EC0] =	vst v11  }
0x25: {  	[tilespmem:$0x9ED0] =	vst v12  }
0x26: {  	[tilespmem:$0x9EE0] =	vst v13  }
0x27: {  	[tilespmem:$0x9EF0] =	vst v14  }
0x28: {  	[tilespmem:$0x9F00] =	vst v15  }
0x29: {  	[tilespmem:$0x9F10] =	vst v16  }
0x2a: {  	[tilespmem:$0x9F20] =	vst v17  }
0x2b: {  	[tilespmem:$0x9F30] =	vst v18  }
0x2c: {  	[tilespmem:$0x9F40] =	vst v19  }
0x2d: {  	[tilespmem:$0x9F50] =	vst v20  }
0x2e: {  	[tilespmem:$0x9F60] =	vst v21  }
0x2f: {  	[tilespmem:$0x9F70] =	vst v22  }
0x30: {  	[tilespmem:$0x9F80] =	vst v23  }
0x31: {  	[tilespmem:$0x9F90] =	vst v24  }
0x32: {  	[tilespmem:$0x9FA0] =	vst v25  }
0x33: {  	[tilespmem:$0x9FB0] =	vst v26  }
0x34: {  	[tilespmem:$0x9FC0] =	vst v27  }
0x35: {  	[tilespmem:$0x9FD0] =	vst v28  }
0x36: {  	[tilespmem:$0x9FE0] =	vst v29  }
0x37: {  	[tilespmem:$0x9FF0] =	vst v30  }
0x38: {  	[tilespmem:$0xA000] =	vst v31  }
0x39: {  	[tilespmem:$0xA010] =	vst v32  }
0x3a: {  	[tilespmem:$0xA020] =	vst v33  }
0x3b: {  	[tilespmem:$0xA030] =	vst v34  }
0x3c: {  	[tilespmem:$0xA040] =	vst v35  }
0x3d: {  	[tilespmem:$0xA050] =	vst v36  }
0x3e: {  	[tilespmem:$0xA060] =	vst v37  }
0x3f: {  	[tilespmem:$0xA070] =	vst v38  }
0x40: {  	[tilespmem:$0xA080] =	vst v39  }
0x41: {  	s1 =	simm.s32 @!p0 $0x4E20;
	[tilespmem:$0xA090] =	vst v40  }
0x42: {  	[spmem:s0] =	stream.linear.scatter @!p0 [tilespmem:s1], [sflag:$0x1], $0x2800, $0x38;
	[tilespmem:$0xA820] =	vst v63  }
0x43: {  	s1 =	simm.s32 @!p0 $0x1  }
0x44: {  	_ =	swait.ge @!p0 [sflag:s1], $0x2800  }
0x45: {  	[sflag:s1] =	ssyncset.done @!p0 $0x0  }
0x46: {  	s12 =	simm.s32 @!p0 $0x7620;
	[sflag:s1] =	ssyncadd.s32 @!p0 $0xFFFFD800  }
0x47: {  	[spmem:s2] =	stream.linear.scatter @!p0 [tilespmem:s12], [sflag:$0x1], $0x2800, $0x38;
	[tilespmem:$0xA820] =	vst v63  }
0x48: {  	_ =	swait.ge @!p0 [sflag:s1], $0x2800  }
0x49: {  	[sflag:s1] =	ssyncset.done @!p0 $0x0  }
0x4a: {  	[sflag:s1] =	ssyncadd.s32 @!p0 $0xFFFFD800  }
0x4b: {  	s1 =	simm.s32 $0x0;
	[bflag:$0x0] =	sbarrier.arrive $0xFFFF  }
0x4c: {  	[tilespmem:s1], [sflag:$0x1] =	stream.linear.gather [hbm4b:s4+s1], $0x2710, $0x38;
	[tilespmem:$0xA820] =	vst v63  }
0x4d: {  	_ =	swait.ge [sflag:s11], $0x2710  }
0x4e: {  	[sflag:s11] =	ssyncset.done $0x0  }
0x4f: {  	s18 =	simm.s32 $0x2710;
	[sflag:s11] =	ssyncadd.s32 $0xFFFFD8F0  }
0x50: {  	[tilespmem:s18], [sflag:$0x1] =	stream.linear.gather [hbm4b:s5+s1], $0x2710, $0x38;
	[tilespmem:$0xA820] =	vst v63  }
0x51: {  	_ =	swait.ge [sflag:s11], $0x2710  }
0x52: {  	[sflag:s11] =	ssyncset.done $0x0  }
0x53: {  	[sflag:s11] =	ssyncadd.s32 $0xFFFFD8F0  }
.LBB2_4:
0x54: {  	s12 =	sshra.s32 s1, $0x2  }
0x55: {  	v42 =	vld [tilespmem:s12+$0x0];
	_ =	sdelay $0x7  }
0x56: {  	[tilespmem:v42+s13+$0x0] =	vst.idx.add.f32.msk $0xffff, v41  }
0x57: {  	v42 =	vld [tilespmem:s12+$0x2710];
	_ =	sdelay $0x7  }
0x58: {  	[tilespmem:v42+s14+$0x0] =	vst.idx.add.f32.msk $0xffff, v41  }
0x59: {  	v42 =	vld [tilespmem:s12+$0x10];
	_ =	sdelay $0x7  }
0x5a: {  	[tilespmem:v42+s13+$0x0] =	vst.idx.add.f32.msk $0xffff, v41  }
0x5b: {  	v42 =	vld [tilespmem:s12+$0x2720];
	_ =	sdelay $0x7  }
0x5c: {  	[tilespmem:v42+s14+$0x0] =	vst.idx.add.f32.msk $0xffff, v41  }
0x5d: {  	v42 =	vld [tilespmem:s12+$0x20];
	_ =	sdelay $0x7  }
0x5e: {  	[tilespmem:v42+s13+$0x0] =	vst.idx.add.f32.msk $0xffff, v41  }
0x5f: {  	v42 =	vld [tilespmem:s12+$0x2730];
	_ =	sdelay $0x7  }
0x60: {  	[tilespmem:v42+s14+$0x0] =	vst.idx.add.f32.msk $0xffff, v41  }
0x61: {  	v42 =	vld [tilespmem:s12+$0x30];
	_ =	sdelay $0x7  }
0x62: {  	[tilespmem:v42+s13+$0x0] =	vst.idx.add.f32.msk $0xffff, v41  }
0x63: {  	v42 =	vld [tilespmem:s12+$0x2740];
	_ =	sdelay $0x7  }
0x64: {  	[tilespmem:v42+s14+$0x0] =	vst.idx.add.f32.msk $0xffff, v41  }
0x65: {  	v42 =	vld [tilespmem:s12+$0x40];
	_ =	sdelay $0x7  }
0x66: {  	[tilespmem:v42+s13+$0x0] =	vst.idx.add.f32.msk $0xffff, v41  }
0x67: {  	v42 =	vld [tilespmem:s12+$0x2750];
	_ =	sdelay $0x2  }
0x68: {  	p1 =	sne.s32 s1, $0x9B00  }
.Ltmp1:
0x69: {  	_ = 	snop;
	(pc) =	sbr.rel @p1 .LBB2_4-.Ltmp1, $2  }
0x6a: {  	_ =	sdelay $0x2  }
0x6b: {  	s1 =	sadd.s32 $0x140, s1;
	[tilespmem:v42+s14+$0x0] =	vst.idx.add.f32.msk $0xffff, v41  }
0x6c: {  	[spmem:s0] =	stream.indirect.scatter.add.f32 [tilespmem:s13], [sflag:$0x1], $0x10, s16, s15, $0xb8;
	[tilespmem:$0xA820] =	vst v63  }
0x6d: {  	_ =	swait.ge [sflag:s11], $0x800  }
0x6e: {  	[sflag:s11] =	ssyncset.done $0x0  }
0x6f: {  	[sflag:s11] =	ssyncadd.s32 $0xFFFFF800  }
0x70: {  	[spmem:s2] =	stream.indirect.scatter.add.f32 [tilespmem:s14], [sflag:$0x1], $0x10, s16, s15, $0xb8;
	[tilespmem:$0xA820] =	vst v63  }
0x71: {  	_ =	swait.ge [sflag:s11], $0x800  }
0x72: {  	[sflag:s11] =	ssyncset.done $0x0  }
0x73: {  	s1 =	simm.s32 $0x5620;
	[sflag:s11] =	ssyncadd.s32 $0xFFFFF800  }
0x74: {  	[spmem:s0] =	stream.indirect.scatter.add.f32 [tilespmem:s1], [sflag:$0x1], $0x10, s17, s15, $0xb8;
	[tilespmem:$0xA820] =	vst v63  }
0x75: {  	_ =	swait.ge [sflag:s11], $0x800  }
0x76: {  	[sflag:s11] =	ssyncset.done $0x0  }
0x77: {  	[sflag:s11] =	ssyncadd.s32 $0xFFFFF800  }
0x78: {  	[spmem:s2] =	stream.indirect.scatter.add.f32 [tilespmem:s19], [sflag:$0x1], $0x10, s17, s15, $0xb8;
	[tilespmem:$0xA820] =	vst v63  }
0x79: {  	_ =	swait.ge [sflag:s11], $0x800  }
0x7a: {  	[sflag:s11] =	ssyncset.done $0x0  }
0x7b: {  	[sflag:s11] =	ssyncadd.s32 $0xFFFFF800  }
0x7c: {  	[spmem:s0] =	stream.indirect.scatter.add.f32 [tilespmem:s21], [sflag:$0x1], $0x10, s20, s15, $0xb8;
	[tilespmem:$0xA820] =	vst v63  }
0x7d: {  	_ =	swait.ge [sflag:s11], $0x800  }
0x7e: {  	[sflag:s11] =	ssyncset.done $0x0  }
0x7f: {  	[sflag:s11] =	ssyncadd.s32 $0xFFFFF800  }
0x80: {  	[spmem:s2] =	stream.indirect.scatter.add.f32 [tilespmem:s22], [sflag:$0x1], $0x10, s20, s15, $0xb8;
	[tilespmem:$0xA820] =	vst v63  }
0x81: {  	_ =	swait.ge [sflag:s11], $0x800  }
0x82: {  	[sflag:s11] =	ssyncset.done $0x0  }
0x83: {  	[sflag:s11] =	ssyncadd.s32 $0xFFFFF800  }
0x84: {  	[spmem:s0] =	stream.indirect.scatter.add.f32 [tilespmem:s24], [sflag:$0x1], $0x10, s23, s15, $0xb8;
	[tilespmem:$0xA820] =	vst v63  }
0x85: {  	_ =	swait.ge [sflag:s11], $0x800  }
0x86: {  	[sflag:s11] =	ssyncset.done $0x0  }
0x87: {  	[sflag:s11] =	ssyncadd.s32 $0xFFFFF800  }
0x88: {  	[spmem:s2] =	stream.indirect.scatter.add.f32 [tilespmem:s25], [sflag:$0x1], $0x10, s23, s15, $0xb8;
	[tilespmem:$0xA820] =	vst v63  }
0x89: {  	_ =	swait.ge [sflag:s11], $0x800  }
0x8a: {  	[sflag:s11] =	ssyncset.done $0x0  }
0x8b: {  	[sflag:s11] =	ssyncadd.s32 $0xFFFFF800  }
0x8c: {  	[spmem:s0] =	stream.indirect.scatter.add.f32 [tilespmem:s28], [sflag:$0x1], $0x10, s26, s15, $0xb8;
	[tilespmem:$0xA820] =	vst v63  }
0x8d: {  	_ =	swait.ge [sflag:s11], $0x800  }
0x8e: {  	[sflag:s11] =	ssyncset.done $0x0  }
0x8f: {  	[sflag:s11] =	ssyncadd.s32 $0xFFFFF800  }
0x90: {  	[spmem:s2] =	stream.indirect.scatter.add.f32 [tilespmem:s29], [sflag:$0x1], $0x10, s26, s15, $0xb8;
	[tilespmem:$0xA820] =	vst v63  }
0x91: {  	_ =	swait.ge [sflag:s11], $0x800  }
0x92: {  	[sflag:s11] =	ssyncset.done $0x0  }
0x93: {  	[sflag:s11] =	ssyncadd.s32 $0xFFFFF800  }
0x94: {  	[bflag:$0x0] =	sbarrier.arrive $0xFFFF  }
0x95: {  	[tilespmem:s30], [sflag:$0x1] =	stream.linear.gather [spmem:s6], $0x280, $0x38;
	[tilespmem:$0xA820] =	vst v63  }
0x96: {  	_ =	swait.ge [sflag:s11], $0x280  }
0x97: {  	[sflag:s11] =	ssyncset.done $0x0  }
0x98: {  	[sflag:s11] =	ssyncadd.s32 $0xFFFFFD80  }
0x99: {  	[hbm4b:s7+s3] =	stream.linear.scatter [tilespmem:s30], [sflag:$0x1], $0x280, $0x38;
	[tilespmem:$0xA820] =	vst v63  }
0x9a: {  	_ =	swait.ge [sflag:s11], $0x280  }
0x9b: {  	[sflag:s11] =	ssyncset.done $0x0  }
0x9c: {  	[sflag:s11] =	ssyncadd.s32 $0xFFFFFD80  }
0x9d: {  	[tilespmem:s30], [sflag:$0x1] =	stream.linear.gather [spmem:s8], $0x280, $0x38;
	[tilespmem:$0xA820] =	vst v63  }
0x9e: {  	s31 =	sadd.s32 $0x1, s31;
	_ =	swait.ge [sflag:s11], $0x280  }
0x9f: {  	p1 =	sne.s32 s31, s10;
	[sflag:s11] =	ssyncset.done $0x0  }
.Ltmp2:
0xa0: {  	[sflag:s11] =	ssyncadd.s32 $0xFFFFFD80;
	(pc) =	sbr.rel @p1 .LBB2_1-.Ltmp2, $4  }
0xa1: {  	[hbm4b:s9+s3] =	stream.linear.scatter [tilespmem:s30], [sflag:$0x1], $0x280, $0x38;
	[tilespmem:$0xA820] =	vst v63  }
0xa2: {  	_ =	swait.ge [sflag:s11], $0x280  }
0xa3: {  	[sflag:s11] =	ssyncset.done $0x0  }
0xa4: {  	[sflag:s11] =	ssyncadd.s32 $0xFFFFFD80  }
0xa5: {  	_ =	sfence.sel $0x180000  }
0xa6: {  	[bflag:$0x0] =	sbarrier.arrive $0xFFFF  }
0xa7: {  	_ =	strace $0x90000047  }
0xa8: {  	[bflag:$0x2] =	sbarrier.arrive $0xFFFF  }
0xa9: {  	s0 =	rddreg [dreg:$0x4]  }
0xaa: {  	s0 =	sadd.s32 @!p0 $0x100000, s0  }
0xab: {  	[sflag:s0] =	ssyncadd.tile.s32 @!p0 $0x1;
	_ =	shalt  }
.Lfunc_end2:
_tile_overlayer_lowered:
.L_overlay_start_2:
0xac: {  	(tag) =	ssettag $0x2  }
0xad: {  	s0 =	rddreg [dreg:$0x0];
	s2 =	stileid.u32  }
0xae: {  	s1 =	rddreg [dreg:$0x1];
	p0 =	sne.s32 s2, $0x0  }
0xaf: {  	s3 =	rddreg [dreg:$0x2];
	[bflag:$0x3] =	sbarrier.arrive $0xFFFF;
	s2 =	simm.s32 @!p0 $0x1C01  }
0xb0: {  	[timem:s3], [sflag:s2] =	dma.local @!p0 [hbm:s0], s1  }
0xb1: {  	s0 =	simm.s32 @!p0 $0x1  }
0xb2: {  	_ =	swait.ge @!p0 [sflag:s0], s1  }
0xb3: {  	s1 =	ssub.s32 @!p0 $0x0, s1;
	[sflag:s0] =	ssyncset.done @!p0 $0x0  }
0xb4: {  	[sflag:s0] =	ssyncadd.s32 @!p0 s1  }
0xb5: {  	[bflag:$0x3] =	sbarrier.arrive $0xFFFF  }
0xb6: {  	_ =	shalt  }

</sc_bundles>
